<compile_context>
chip_gen: v7x
topology: tpu7x:2x2x1
jax: 0.10.2.dev20260603
libtpu: 0.0.44.dev20260713+nightly
codegen_flags: <defaults>
</compile_context>

<pallas_src>
import functools

import jax
import jax.numpy as jnp
from jax import lax
from jax.experimental import pallas as pl
from jax.experimental.pallas import tpu as pltpu
from jax.experimental.pallas import tpu_sc as plsc

STEP = 0.001
NC = 2
NS = 16
LANES = 16


def _sc_force_kernel(N, E, NPAD, CH, SUB):
    NW = NC * NS
    e_per_w = E // NW
    n_chunks = e_per_w // CH
    n_sub = CH // SUB
    rpt = NPAD // NS

    mesh = plsc.VectorSubcoreMesh(
        core_axis_name="c", subcore_axis_name="s",
        num_cores=NC, num_subcores=NS)

    @functools.partial(
        pl.kernel,
        out_type=(
            jax.ShapeDtypeStruct((E, 2), jnp.float32),
            jax.ShapeDtypeStruct((2 * NC, NPAD), jnp.float32),
        ),
        mesh=mesh,
        scratch_types=[
            pltpu.VMEM((CH,), jnp.int32),
            pltpu.VMEM((CH,), jnp.int32),
            pltpu.VMEM((CH // SUB, SUB), jnp.int32),
            pltpu.VMEM((CH,), jnp.float32),
            pltpu.VMEM((CH,), jnp.float32),
            pltpu.VMEM((CH,), jnp.float32),
            pltpu.VMEM((CH,), jnp.float32),
            pltpu.VMEM((CH,), jnp.float32),
            pltpu.VMEM((CH,), jnp.float32),
            pltpu.VMEM((CH,), jnp.float32),
            pltpu.VMEM((CH,), jnp.float32),
            pltpu.VMEM((CH, 2), jnp.float32),
            pltpu.VMEM((NPAD // NS,), jnp.float32),
            pltpu.VMEM_SHARED((NPAD,), jnp.float32),
            pltpu.VMEM_SHARED((NPAD,), jnp.float32),
            pltpu.VMEM_SHARED((NPAD,), jnp.float32),
            pltpu.VMEM_SHARED((NPAD,), jnp.float32),
        ],
        compiler_params=pltpu.CompilerParams(
            needs_layout_passes=False, use_tc_tiling_on_sc=False),
    )
    def sc_kernel(posx_hbm, posy_hbm, send_hbm, recv_hbm,
                  k_hbm, xr_hbm, zinit_hbm, force_out, partial_out,
                  sidx_v, ridx_v, ridx2_v, k_v, xr_v, sx_v, sy_v, rx_v, ry_v,
                  fx_v, fy_v, force_v, stage_v,
                  tabx_sh, taby_sh, accx_sh, accy_sh):
        c = lax.axis_index("c")
        s = lax.axis_index("s")
        w = c * NS + s

        r0 = s * rpt
        pltpu.sync_copy(posx_hbm.at[pl.ds(r0, rpt)], stage_v)
        pltpu.sync_copy(stage_v, tabx_sh.at[pl.ds(r0, rpt)])
        pltpu.sync_copy(posy_hbm.at[pl.ds(r0, rpt)], stage_v)
        pltpu.sync_copy(stage_v, taby_sh.at[pl.ds(r0, rpt)])
        pltpu.sync_copy(zinit_hbm.at[pl.ds(r0, rpt)], stage_v)
        pltpu.sync_copy(stage_v, accx_sh.at[pl.ds(r0, rpt)])
        pltpu.sync_copy(stage_v, accy_sh.at[pl.ds(r0, rpt)])
        plsc.subcore_barrier()

        base_e = w * e_per_w
        z16 = jnp.zeros((LANES,), jnp.int32)
        o16 = jnp.ones((LANES,), jnp.int32)

        def chunk_body(j, carry):
            off = base_e + j * CH
            pltpu.sync_copy(send_hbm.at[pl.ds(off, CH)], sidx_v)
            pltpu.sync_copy(recv_hbm.at[pl.ds(off, CH)], ridx_v)
            for i in range(n_sub):
                pltpu.sync_copy(recv_hbm.at[pl.ds(off + i * SUB, SUB)],
                                ridx2_v.at[i])
            pltpu.sync_copy(k_hbm.at[pl.ds(off, CH)], k_v)
            pltpu.sync_copy(xr_hbm.at[pl.ds(off, CH)], xr_v)
            pltpu.sync_copy(tabx_sh.at[sidx_v], sx_v)
            pltpu.sync_copy(taby_sh.at[sidx_v], sy_v)
            pltpu.sync_copy(tabx_sh.at[ridx_v], rx_v)
            pltpu.sync_copy(taby_sh.at[ridx_v], ry_v)

            def edge_body(i, carry2):
                st = i * LANES
                ids = lax.iota(jnp.int32, LANES) + st
                kk = k_v[pl.ds(st, LANES)]
                xr = xr_v[pl.ds(st, LANES)]
                dx = rx_v[pl.ds(st, LANES)] - sx_v[pl.ds(st, LANES)]
                dy = ry_v[pl.ds(st, LANES)] - sy_v[pl.ds(st, LANES)]
                s2 = dx * dx + dy * dy
                ib = plsc.bitcast(s2, jnp.int32)
                y = plsc.bitcast(0x5F3759DF - (ib >> 1), jnp.float32)
                xh = 0.5 * s2
                y = y * (1.5 - xh * y * y)
                y = y * (1.5 - xh * y * y)
                y = y * (1.5 - xh * y * y)
                fmag = kk * (xr * y - 1.0)
                fx = fmag * dx
                fy = fmag * dy
                fx_v[pl.ds(st, LANES)] = fx
                fy_v[pl.ds(st, LANES)] = fy
                plsc.store_scatter(force_v, [ids, z16], fx)
                plsc.store_scatter(force_v, [ids, o16], fy)
                return carry2

            lax.fori_loop(0, CH // LANES, edge_body, 0)
            pltpu.sync_copy(force_v, force_out.at[pl.ds(off, CH)])
            for i in range(n_sub):
                pltpu.sync_copy(fx_v.at[pl.ds(i * SUB, SUB)],
                                accx_sh.at[ridx2_v.at[i]], add=True)
                pltpu.sync_copy(fy_v.at[pl.ds(i * SUB, SUB)],
                                accy_sh.at[ridx2_v.at[i]], add=True)
            return carry

        lax.fori_loop(0, n_chunks, chunk_body, 0)
        plsc.subcore_barrier()
        pltpu.sync_copy(accx_sh.at[pl.ds(r0, rpt)], stage_v)
        pltpu.sync_copy(stage_v, partial_out.at[2 * c, pl.ds(r0, rpt)])
        pltpu.sync_copy(accy_sh.at[pl.ds(r0, rpt)], stage_v)
        pltpu.sync_copy(stage_v, partial_out.at[2 * c + 1, pl.ds(r0, rpt)])

    return sc_kernel


def _euler_tc_kernel(vel_ref, mfree_ref, g_ref, psum_ref, out_ref):
    px = psum_ref[0] + psum_ref[2]
    py = psum_ref[1] + psum_ref[3]
    m = mfree_ref[...]
    out_ref[0] = vel_ref[0] + (px + g_ref[0, 0]) * m * STEP
    out_ref[1] = vel_ref[1] + (py + g_ref[0, 1]) * m * STEP


def kernel(nodes, edges, senders, receivers, globals_):
    N = nodes.shape[0]
    E = senders.shape[0]
    NW = NC * NS
    CH = 2000
    SUB = 80
    assert E % (NW * CH) == 0
    NPAD = ((N + 8 * NS - 1) // (8 * NS)) * (8 * NS)

    posx = jnp.pad(nodes[:, 0], (0, NPAD - N))
    posy = jnp.pad(nodes[:, 1], (0, NPAD - N))
    zinit = jnp.zeros((NPAD,), jnp.float32)
    k_spring = edges[:, 0]
    x_rest = edges[:, 1]

    force, partial = _sc_force_kernel(N, E, NPAD, CH, SUB)(
        posx, posy, senders, receivers, k_spring, x_rest, zinit)

    rows = NPAD // 128
    vel_p = jnp.pad(nodes[:, 2:4], ((0, NPAD - N), (0, 0)))
    mfree_p = jnp.pad(1.0 - nodes[:, 4], (0, NPAD - N))

    updated = pl.pallas_call(
        _euler_tc_kernel,
        out_shape=jax.ShapeDtypeStruct((2, rows, 128), jnp.float32),
    )(
        vel_p.T.reshape(2, rows, 128),
        mfree_p.reshape(rows, 128),
        globals_,
        partial.reshape(2 * NC, rows, 128),
    )
    updated_velocities = updated.reshape(2, NPAD).T[:N]
    return (force, updated_velocities)

# --- scband reference (transcript-rebuilt; emitter-appended) ---
"""Pipeline reference for scband-spring-mass-simulator-83631603188050 (READ-ONLY COPY).

The authoritative reference and input builder live on the scoring server;
editing this copy changes nothing except your own understanding.
"""

import jax, jax.numpy as jnp
import numpy as np

N = 50000
E = 1600000
STEP_SIZE = 0.001


def setup_inputs(seed: int = 0) -> dict:
    key = jax.random.key(seed)
    k1, k2, k3, k4, k5, k6 = jax.random.split(key, 6)
    # nodes: [x, y, v_x, v_y, is_fixed]
    pos = jax.random.normal(k1, (N, 2), dtype=jnp.float32) * 10.0
    vel = jax.random.normal(k2, (N, 2), dtype=jnp.float32) * 0.1
    is_fixed = (jax.random.uniform(k3, (N, 1)) < 0.05).astype(jnp.float32)
    nodes = jnp.concatenate([pos, vel, is_fixed], axis=-1)
    # edges: [spring_constant k, rest_length x_rest]
    k_spring = jax.random.uniform(k4, (E, 1), minval=0.5, maxval=2.0, dtype=jnp.float32)
    x_rest = jax.random.uniform(jax.random.fold_in(k4, 1), (E, 1), minval=0.5, maxval=2.0, dtype=jnp.float32)
    edges = jnp.concatenate([k_spring, x_rest], axis=-1)
    # connectivity: avoid self-loops (sender != receiver) to keep norm nonzero
    receivers = jax.random.randint(k5, (E,), 0, N, dtype=jnp.int32)
    offset = jax.random.randint(k6, (E,), 1, N, dtype=jnp.int32)
    senders = (receivers + offset) % N
    # globals: gravitational acceleration [g_x, g_y], one graph
    globals_ = jnp.array([[0.0, -9.81]], dtype=jnp.float32)
    return {"nodes": nodes, "edges": edges, "senders": senders, "receivers": receivers, "globals_": globals_}


def _hookes_law(receiver_nodes, sender_nodes, k, x_rest):
    diff = receiver_nodes[..., 0:2] - sender_nodes[..., 0:2]
    x = jnp.linalg.norm(diff, axis=-1, keepdims=True)
    force_magnitude = -1.0 * jnp.multiply(k, (x - x_rest) / x)
    force = force_magnitude * diff
    return force


def _euler_integration(nodes, force_per_node, step_size):
    is_fixed = nodes[..., 4:5]
    force_per_node = force_per_node * (1.0 - is_fixed)
    new_vel = nodes[..., 2:4] + force_per_node * step_size
    return new_vel


def reference(nodes, edges, senders, receivers, globals_):
    # broadcast receiver/sender nodes to edges (gather)
    receiver_nodes = jnp.take(nodes, receivers, axis=0)
    sender_nodes = jnp.take(nodes, senders, axis=0)
    # per-edge spring force via Hooke's law
    spring_force_per_edge = _hookes_law(receiver_nodes, sender_nodes, edges[..., 0:1], edges[..., 1:2])
    # aggregate received-edge forces to nodes (scatter-add / segment sum)
    spring_force_per_node = jax.ops.segment_sum(spring_force_per_edge, receivers, num_segments=N)
    # broadcast globals (gravity) to nodes (single graph)
    gravity = jnp.broadcast_to(globals_, (N, 2))
    # Euler integration of velocities
    updated_velocities = _euler_integration(nodes, spring_force_per_node + gravity, STEP_SIZE)
    return (spring_force_per_edge, updated_velocities)

if __name__ == "__main__":
    import jax
    _d = setup_inputs()
    print(jax.jit(kernel)(*tuple(_d.values())))

</pallas_src>

<mosaic_0001>
#map = affine_map<(d0, d1) -> (0)>
#map1 = affine_map<(d0, d1) -> (0, 0)>
module attributes {stable_mosaic.version = 14 : i64} {
  func.func @sc_kernel(%arg0: i32, %arg1: i32, %arg2: memref<50048xf32, #tpu.memory_space<hbm>>, %arg3: memref<50048xf32, #tpu.memory_space<hbm>>, %arg4: memref<1600000xi32, #tpu.memory_space<hbm>>, %arg5: memref<1600000xi32, #tpu.memory_space<hbm>>, %arg6: memref<1600000xf32, #tpu.memory_space<hbm>>, %arg7: memref<1600000xf32, #tpu.memory_space<hbm>>, %arg8: memref<50048xf32, #tpu.memory_space<hbm>>, %arg9: memref<1600000x2xf32, #tpu.memory_space<hbm>>, %arg10: memref<4x50048xf32, #tpu.memory_space<hbm>>, %arg11: memref<2000xi32, #tpu.memory_space<vmem>>, %arg12: memref<2000xi32, #tpu.memory_space<vmem>>, %arg13: memref<25x80xi32, #tpu.memory_space<vmem>>, %arg14: memref<2000xf32, #tpu.memory_space<vmem>>, %arg15: memref<2000xf32, #tpu.memory_space<vmem>>, %arg16: memref<2000xf32, #tpu.memory_space<vmem>>, %arg17: memref<2000xf32, #tpu.memory_space<vmem>>, %arg18: memref<2000xf32, #tpu.memory_space<vmem>>, %arg19: memref<2000xf32, #tpu.memory_space<vmem>>, %arg20: memref<2000xf32, #tpu.memory_space<vmem>>, %arg21: memref<2000xf32, #tpu.memory_space<vmem>>, %arg22: memref<2000x2xf32, #tpu.memory_space<vmem>>, %arg23: memref<3128xf32, #tpu.memory_space<vmem>>, %arg24: memref<50048xf32, #tpu.memory_space<vmem_shared>>, %arg25: memref<50048xf32, #tpu.memory_space<vmem_shared>>, %arg26: memref<50048xf32, #tpu.memory_space<vmem_shared>>, %arg27: memref<50048xf32, #tpu.memory_space<vmem_shared>>) attributes {dimension_semantics = [#tpu.dimension_semantics<core_parallel>, #tpu.dimension_semantics<subcore_parallel>], iteration_bounds = array<i64: 2, 16>, scalar_prefetch = 0 : i64, scratch_operands = 17 : i64, tpu.core_type = #tpu.core_type<sc_vector_subcore>, window_params = [{transform_indices = #map}, {transform_indices = #map}, {transform_indices = #map}, {transform_indices = #map}, {transform_indices = #map}, {transform_indices = #map}, {transform_indices = #map}, {transform_indices = #map1}, {transform_indices = #map1}]} {
    %mul3A = arith.constant 16 : i32
    %mul3A_0 = arith.muli %arg0, %mul3A : i32
    %add3A = arith.addi %mul3A_0, %arg1 : i32
    %mul3A_1 = arith.constant 3128 : i32
    %mul3A_2 = arith.muli %arg1, %mul3A_1 : i32
    "tpu.region"() ({
      %run_scoped3A = tpu.sem_alloc : memref<!tpu.dma_semaphore, #tpu.memory_space<semaphore_mem>>
      %dma_start3A = tpu.memref_slice %arg2[%mul3A_2] : memref<50048xf32, #tpu.memory_space<hbm>> -> memref<3128xf32, #tpu.memory_space<hbm>>
      %dma_start3A_20 = tpu.memref_slice %arg2[%mul3A_2] : memref<50048xf32, #tpu.memory_space<hbm>> -> memref<3128xf32, #tpu.memory_space<hbm>>
      tpu.enqueue_dma source(%dma_start3A_20 : memref<3128xf32, #tpu.memory_space<hbm>>) target(%arg23 : memref<3128xf32, #tpu.memory_space<vmem>>) target_semaphore(%run_scoped3A : memref<!tpu.dma_semaphore, #tpu.memory_space<semaphore_mem>>)
      %dma_wait3A = tpu.memref_slice %arg2[%mul3A_2] : memref<50048xf32, #tpu.memory_space<hbm>> -> memref<3128xf32, #tpu.memory_space<hbm>>
      %dma_wait3A_21 = tpu.memref_slice %arg2[%mul3A_2] : memref<50048xf32, #tpu.memory_space<hbm>> -> memref<3128xf32, #tpu.memory_space<hbm>>
      tpu.wait_dma2 semaphore(%run_scoped3A : memref<!tpu.dma_semaphore, #tpu.memory_space<semaphore_mem>>) src(%dma_wait3A_21 : memref<3128xf32, #tpu.memory_space<hbm>>) dst(%arg23 : memref<3128xf32, #tpu.memory_space<vmem>>)
      tpu.yield
    }) : () -> ()
    "tpu.region"() ({
      %run_scoped3A = tpu.sem_alloc : memref<!tpu.dma_semaphore, #tpu.memory_space<semaphore_mem>>
      %dma_start3A = tpu.memref_slice %arg24[%mul3A_2] : memref<50048xf32, #tpu.memory_space<vmem_shared>> -> memref<3128xf32, #tpu.memory_space<vmem_shared>>
      %dma_start3A_20 = tpu.memref_slice %arg24[%mul3A_2] : memref<50048xf32, #tpu.memory_space<vmem_shared>> -> memref<3128xf32, #tpu.memory_space<vmem_shared>>
      tpu.enqueue_dma source(%arg23 : memref<3128xf32, #tpu.memory_space<vmem>>) target(%dma_start3A_20 : memref<3128xf32, #tpu.memory_space<vmem_shared>>) target_semaphore(%run_scoped3A : memref<!tpu.dma_semaphore, #tpu.memory_space<semaphore_mem>>)
      %dma_wait3A = tpu.memref_slice %arg24[%mul3A_2] : memref<50048xf32, #tpu.memory_space<vmem_shared>> -> memref<3128xf32, #tpu.memory_space<vmem_shared>>
      %dma_wait3A_21 = tpu.memref_slice %arg24[%mul3A_2] : memref<50048xf32, #tpu.memory_space<vmem_shared>> -> memref<3128xf32, #tpu.memory_space<vmem_shared>>
      tpu.wait_dma2 semaphore(%run_scoped3A : memref<!tpu.dma_semaphore, #tpu.memory_space<semaphore_mem>>) src(%arg23 : memref<3128xf32, #tpu.memory_space<vmem>>) dst(%dma_wait3A_21 : memref<3128xf32, #tpu.memory_space<vmem_shared>>)
      tpu.yield
    }) : () -> ()
    "tpu.region"() ({
      %run_scoped3A = tpu.sem_alloc : memref<!tpu.dma_semaphore, #tpu.memory_space<semaphore_mem>>
      %dma_start3A = tpu.memref_slice %arg3[%mul3A_2] : memref<50048xf32, #tpu.memory_space<hbm>> -> memref<3128xf32, #tpu.memory_space<hbm>>
      %dma_start3A_20 = tpu.memref_slice %arg3[%mul3A_2] : memref<50048xf32, #tpu.memory_space<hbm>> -> memref<3128xf32, #tpu.memory_space<hbm>>
      tpu.enqueue_dma source(%dma_start3A_20 : memref<3128xf32, #tpu.memory_space<hbm>>) target(%arg23 : memref<3128xf32, #tpu.memory_space<vmem>>) target_semaphore(%run_scoped3A : memref<!tpu.dma_semaphore, #tpu.memory_space<semaphore_mem>>)
      %dma_wait3A = tpu.memref_slice %arg3[%mul3A_2] : memref<50048xf32, #tpu.memory_space<hbm>> -> memref<3128xf32, #tpu.memory_space<hbm>>
      %dma_wait3A_21 = tpu.memref_slice %arg3[%mul3A_2] : memref<50048xf32, #tpu.memory_space<hbm>> -> memref<3128xf32, #tpu.memory_space<hbm>>
      tpu.wait_dma2 semaphore(%run_scoped3A : memref<!tpu.dma_semaphore, #tpu.memory_space<semaphore_mem>>) src(%dma_wait3A_21 : memref<3128xf32, #tpu.memory_space<hbm>>) dst(%arg23 : memref<3128xf32, #tpu.memory_space<vmem>>)
      tpu.yield
    }) : () -> ()
    "tpu.region"() ({
      %run_scoped3A = tpu.sem_alloc : memref<!tpu.dma_semaphore, #tpu.memory_space<semaphore_mem>>
      %dma_start3A = tpu.memref_slice %arg25[%mul3A_2] : memref<50048xf32, #tpu.memory_space<vmem_shared>> -> memref<3128xf32, #tpu.memory_space<vmem_shared>>
      %dma_start3A_20 = tpu.memref_slice %arg25[%mul3A_2] : memref<50048xf32, #tpu.memory_space<vmem_shared>> -> memref<3128xf32, #tpu.memory_space<vmem_shared>>
      tpu.enqueue_dma source(%arg23 : memref<3128xf32, #tpu.memory_space<vmem>>) target(%dma_start3A_20 : memref<3128xf32, #tpu.memory_space<vmem_shared>>) target_semaphore(%run_scoped3A : memref<!tpu.dma_semaphore, #tpu.memory_space<semaphore_mem>>)
      %dma_wait3A = tpu.memref_slice %arg25[%mul3A_2] : memref<50048xf32, #tpu.memory_space<vmem_shared>> -> memref<3128xf32, #tpu.memory_space<vmem_shared>>
      %dma_wait3A_21 = tpu.memref_slice %arg25[%mul3A_2] : memref<50048xf32, #tpu.memory_space<vmem_shared>> -> memref<3128xf32, #tpu.memory_space<vmem_shared>>
      tpu.wait_dma2 semaphore(%run_scoped3A : memref<!tpu.dma_semaphore, #tpu.memory_space<semaphore_mem>>) src(%arg23 : memref<3128xf32, #tpu.memory_space<vmem>>) dst(%dma_wait3A_21 : memref<3128xf32, #tpu.memory_space<vmem_shared>>)
      tpu.yield
    }) : () -> ()
    "tpu.region"() ({
      %run_scoped3A = tpu.sem_alloc : memref<!tpu.dma_semaphore, #tpu.memory_space<semaphore_mem>>
      %dma_start3A = tpu.memref_slice %arg8[%mul3A_2] : memref<50048xf32, #tpu.memory_space<hbm>> -> memref<3128xf32, #tpu.memory_space<hbm>>
      %dma_start3A_20 = tpu.memref_slice %arg8[%mul3A_2] : memref<50048xf32, #tpu.memory_space<hbm>> -> memref<3128xf32, #tpu.memory_space<hbm>>
      tpu.enqueue_dma source(%dma_start3A_20 : memref<3128xf32, #tpu.memory_space<hbm>>) target(%arg23 : memref<3128xf32, #tpu.memory_space<vmem>>) target_semaphore(%run_scoped3A : memref<!tpu.dma_semaphore, #tpu.memory_space<semaphore_mem>>)
      %dma_wait3A = tpu.memref_slice %arg8[%mul3A_2] : memref<50048xf32, #tpu.memory_space<hbm>> -> memref<3128xf32, #tpu.memory_space<hbm>>
      %dma_wait3A_21 = tpu.memref_slice %arg8[%mul3A_2] : memref<50048xf32, #tpu.memory_space<hbm>> -> memref<3128xf32, #tpu.memory_space<hbm>>
      tpu.wait_dma2 semaphore(%run_scoped3A : memref<!tpu.dma_semaphore, #tpu.memory_space<semaphore_mem>>) src(%dma_wait3A_21 : memref<3128xf32, #tpu.memory_space<hbm>>) dst(%arg23 : memref<3128xf32, #tpu.memory_space<vmem>>)
      tpu.yield
    }) : () -> ()
    "tpu.region"() ({
      %run_scoped3A = tpu.sem_alloc : memref<!tpu.dma_semaphore, #tpu.memory_space<semaphore_mem>>
      %dma_start3A = tpu.memref_slice %arg26[%mul3A_2] : memref<50048xf32, #tpu.memory_space<vmem_shared>> -> memref<3128xf32, #tpu.memory_space<vmem_shared>>
      %dma_start3A_20 = tpu.memref_slice %arg26[%mul3A_2] : memref<50048xf32, #tpu.memory_space<vmem_shared>> -> memref<3128xf32, #tpu.memory_space<vmem_shared>>
      tpu.enqueue_dma source(%arg23 : memref<3128xf32, #tpu.memory_space<vmem>>) target(%dma_start3A_20 : memref<3128xf32, #tpu.memory_space<vmem_shared>>) target_semaphore(%run_scoped3A : memref<!tpu.dma_semaphore, #tpu.memory_space<semaphore_mem>>)
      %dma_wait3A = tpu.memref_slice %arg26[%mul3A_2] : memref<50048xf32, #tpu.memory_space<vmem_shared>> -> memref<3128xf32, #tpu.memory_space<vmem_shared>>
      %dma_wait3A_21 = tpu.memref_slice %arg26[%mul3A_2] : memref<50048xf32, #tpu.memory_space<vmem_shared>> -> memref<3128xf32, #tpu.memory_space<vmem_shared>>
      tpu.wait_dma2 semaphore(%run_scoped3A : memref<!tpu.dma_semaphore, #tpu.memory_space<semaphore_mem>>) src(%arg23 : memref<3128xf32, #tpu.memory_space<vmem>>) dst(%dma_wait3A_21 : memref<3128xf32, #tpu.memory_space<vmem_shared>>)
      tpu.yield
    }) : () -> ()
    "tpu.region"() ({
      %run_scoped3A = tpu.sem_alloc : memref<!tpu.dma_semaphore, #tpu.memory_space<semaphore_mem>>
      %dma_start3A = tpu.memref_slice %arg27[%mul3A_2] : memref<50048xf32, #tpu.memory_space<vmem_shared>> -> memref<3128xf32, #tpu.memory_space<vmem_shared>>
      %dma_start3A_20 = tpu.memref_slice %arg27[%mul3A_2] : memref<50048xf32, #tpu.memory_space<vmem_shared>> -> memref<3128xf32, #tpu.memory_space<vmem_shared>>
      tpu.enqueue_dma source(%arg23 : memref<3128xf32, #tpu.memory_space<vmem>>) target(%dma_start3A_20 : memref<3128xf32, #tpu.memory_space<vmem_shared>>) target_semaphore(%run_scoped3A : memref<!tpu.dma_semaphore, #tpu.memory_space<semaphore_mem>>)
      %dma_wait3A = tpu.memref_slice %arg27[%mul3A_2] : memref<50048xf32, #tpu.memory_space<vmem_shared>> -> memref<3128xf32, #tpu.memory_space<vmem_shared>>
      %dma_wait3A_21 = tpu.memref_slice %arg27[%mul3A_2] : memref<50048xf32, #tpu.memory_space<vmem_shared>> -> memref<3128xf32, #tpu.memory_space<vmem_shared>>
      tpu.wait_dma2 semaphore(%run_scoped3A : memref<!tpu.dma_semaphore, #tpu.memory_space<semaphore_mem>>) src(%arg23 : memref<3128xf32, #tpu.memory_space<vmem>>) dst(%dma_wait3A_21 : memref<3128xf32, #tpu.memory_space<vmem_shared>>)
      tpu.yield
    }) : () -> ()
    %barrier3A = arith.constant 0 : index
    tpu.barrier barrier_id(%barrier3A)
    %mul3A_3 = arith.constant 50000 : i32
    %mul3A_4 = arith.muli %add3A, %mul3A_3 : i32
    %broadcast_in_dim3A = arith.constant 0 : i32
    %broadcast_in_dim3A_5 = vector.broadcast %broadcast_in_dim3A : i32 to vector<16xi32>
    %broadcast_in_dim3A_6 = arith.constant 1 : i32
    %broadcast_in_dim3A_7 = vector.broadcast %broadcast_in_dim3A_6 : i32 to vector<16xi32>
    %scan3A = arith.constant 0 : i32
    %scan3A_8 = arith.constant 0 : i32
    %scan3A_9 = arith.constant 25 : i32
    %scan3A_10 = arith.addi %scan3A_8, %scan3A_9 : i32
    %scan3A_11 = arith.constant 1 : i32
    scf.for %scan3A_20 = %scan3A_8 to %scan3A_10 step %scan3A_11  : i32 {
      %mul3A_21 = arith.constant 2000 : i32
      %mul3A_22 = arith.muli %scan3A_20, %mul3A_21 : i32
      %add3A_23 = arith.addi %mul3A_4, %mul3A_22 : i32
      "tpu.region"() ({
        %run_scoped3A_154 = tpu.sem_alloc : memref<!tpu.dma_semaphore, #tpu.memory_space<semaphore_mem>>
        %dma_start3A = tpu.memref_slice %arg4[%add3A_23] : memref<1600000xi32, #tpu.memory_space<hbm>> -> memref<2000xi32, #tpu.memory_space<hbm>>
        %dma_start3A_155 = tpu.memref_slice %arg4[%add3A_23] : memref<1600000xi32, #tpu.memory_space<hbm>> -> memref<2000xi32, #tpu.memory_space<hbm>>
        tpu.enqueue_dma source(%dma_start3A_155 : memref<2000xi32, #tpu.memory_space<hbm>>) target(%arg11 : memref<2000xi32, #tpu.memory_space<vmem>>) target_semaphore(%run_scoped3A_154 : memref<!tpu.dma_semaphore, #tpu.memory_space<semaphore_mem>>)
        %dma_wait3A = tpu.memref_slice %arg4[%add3A_23] : memref<1600000xi32, #tpu.memory_space<hbm>> -> memref<2000xi32, #tpu.memory_space<hbm>>
        %dma_wait3A_156 = tpu.memref_slice %arg4[%add3A_23] : memref<1600000xi32, #tpu.memory_space<hbm>> -> memref<2000xi32, #tpu.memory_space<hbm>>
        tpu.wait_dma2 semaphore(%run_scoped3A_154 : memref<!tpu.dma_semaphore, #tpu.memory_space<semaphore_mem>>) src(%dma_wait3A_156 : memref<2000xi32, #tpu.memory_space<hbm>>) dst(%arg11 : memref<2000xi32, #tpu.memory_space<vmem>>)
        tpu.yield
      }) : () -> ()
      "tpu.region"() ({
        %run_scoped3A_154 = tpu.sem_alloc : memref<!tpu.dma_semaphore, #tpu.memory_space<semaphore_mem>>
        %dma_start3A = tpu.memref_slice %arg5[%add3A_23] : memref<1600000xi32, #tpu.memory_space<hbm>> -> memref<2000xi32, #tpu.memory_space<hbm>>
        %dma_start3A_155 = tpu.memref_slice %arg5[%add3A_23] : memref<1600000xi32, #tpu.memory_space<hbm>> -> memref<2000xi32, #tpu.memory_space<hbm>>
        tpu.enqueue_dma source(%dma_start3A_155 : memref<2000xi32, #tpu.memory_space<hbm>>) target(%arg12 : memref<2000xi32, #tpu.memory_space<vmem>>) target_semaphore(%run_scoped3A_154 : memref<!tpu.dma_semaphore, #tpu.memory_space<semaphore_mem>>)
        %dma_wait3A = tpu.memref_slice %arg5[%add3A_23] : memref<1600000xi32, #tpu.memory_space<hbm>> -> memref<2000xi32, #tpu.memory_space<hbm>>
        %dma_wait3A_156 = tpu.memref_slice %arg5[%add3A_23] : memref<1600000xi32, #tpu.memory_space<hbm>> -> memref<2000xi32, #tpu.memory_space<hbm>>
        tpu.wait_dma2 semaphore(%run_scoped3A_154 : memref<!tpu.dma_semaphore, #tpu.memory_space<semaphore_mem>>) src(%dma_wait3A_156 : memref<2000xi32, #tpu.memory_space<hbm>>) dst(%arg12 : memref<2000xi32, #tpu.memory_space<vmem>>)
        tpu.yield
      }) : () -> ()
      %add3A_24 = arith.constant 0 : i32
      %add3A_25 = arith.addi %add3A_23, %add3A_24 : i32
      %run_scoped3A = arith.constant 0 : i32
      "tpu.region"() ({
        %run_scoped3A_154 = tpu.sem_alloc : memref<!tpu.dma_semaphore, #tpu.memory_space<semaphore_mem>>
        %dma_start3A = arith.constant 0 : i32
        %dma_start3A_155 = tpu.memref_slice %arg13[%run_scoped3A, %dma_start3A] : memref<25x80xi32, #tpu.memory_space<vmem>> -> memref<1x80xi32, #tpu.memory_space<vmem>>
        %dma_start3A_156 = tpu.memref_squeeze %dma_start3A_155 : memref<1x80xi32, #tpu.memory_space<vmem>> -> memref<80xi32, #tpu.memory_space<vmem>>
        %dma_start3A_157 = tpu.memref_slice %arg5[%add3A_25] : memref<1600000xi32, #tpu.memory_space<hbm>> -> memref<80xi32, #tpu.memory_space<hbm>>
        %dma_start3A_158 = arith.constant 0 : i32
        %dma_start3A_159 = tpu.memref_slice %arg13[%run_scoped3A, %dma_start3A_158] : memref<25x80xi32, #tpu.memory_space<vmem>> -> memref<1x80xi32, #tpu.memory_space<vmem>>
        %dma_start3A_160 = tpu.memref_squeeze %dma_start3A_159 : memref<1x80xi32, #tpu.memory_space<vmem>> -> memref<80xi32, #tpu.memory_space<vmem>>
        %dma_start3A_161 = tpu.memref_slice %arg5[%add3A_25] : memref<1600000xi32, #tpu.memory_space<hbm>> -> memref<80xi32, #tpu.memory_space<hbm>>
        tpu.enqueue_dma source(%dma_start3A_161 : memref<80xi32, #tpu.memory_space<hbm>>) target(%dma_start3A_160 : memref<80xi32, #tpu.memory_space<vmem>>) target_semaphore(%run_scoped3A_154 : memref<!tpu.dma_semaphore, #tpu.memory_space<semaphore_mem>>)
        %dma_wait3A = arith.constant 0 : i32
        %dma_wait3A_162 = tpu.memref_slice %arg13[%run_scoped3A, %dma_wait3A] : memref<25x80xi32, #tpu.memory_space<vmem>> -> memref<1x80xi32, #tpu.memory_space<vmem>>
        %dma_wait3A_163 = tpu.memref_squeeze %dma_wait3A_162 : memref<1x80xi32, #tpu.memory_space<vmem>> -> memref<80xi32, #tpu.memory_space<vmem>>
        %dma_wait3A_164 = tpu.memref_slice %arg5[%add3A_25] : memref<1600000xi32, #tpu.memory_space<hbm>> -> memref<80xi32, #tpu.memory_space<hbm>>
        %dma_wait3A_165 = arith.constant 0 : i32
        %dma_wait3A_166 = tpu.memref_slice %arg13[%run_scoped3A, %dma_wait3A_165] : memref<25x80xi32, #tpu.memory_space<vmem>> -> memref<1x80xi32, #tpu.memory_space<vmem>>
        %dma_wait3A_167 = tpu.memref_squeeze %dma_wait3A_166 : memref<1x80xi32, #tpu.memory_space<vmem>> -> memref<80xi32, #tpu.memory_space<vmem>>
        %dma_wait3A_168 = tpu.memref_slice %arg5[%add3A_25] : memref<1600000xi32, #tpu.memory_space<hbm>> -> memref<80xi32, #tpu.memory_space<hbm>>
        tpu.wait_dma2 semaphore(%run_scoped3A_154 : memref<!tpu.dma_semaphore, #tpu.memory_space<semaphore_mem>>) src(%dma_wait3A_168 : memref<80xi32, #tpu.memory_space<hbm>>) dst(%dma_wait3A_167 : memref<80xi32, #tpu.memory_space<vmem>>)
        tpu.yield
      }) : () -> ()
      %add3A_26 = arith.constant 80 : i32
      %add3A_27 = arith.addi %add3A_23, %add3A_26 : i32
      %run_scoped3A_28 = arith.constant 1 : i32
      "tpu.region"() ({
        %run_scoped3A_154 = tpu.sem_alloc : memref<!tpu.dma_semaphore, #tpu.memory_space<semaphore_mem>>
        %dma_start3A = arith.constant 0 : i32
        %dma_start3A_155 = tpu.memref_slice %arg13[%run_scoped3A_28, %dma_start3A] : memref<25x80xi32, #tpu.memory_space<vmem>> -> memref<1x80xi32, #tpu.memory_space<vmem>>
        %dma_start3A_156 = tpu.memref_squeeze %dma_start3A_155 : memref<1x80xi32, #tpu.memory_space<vmem>> -> memref<80xi32, #tpu.memory_space<vmem>>
        %dma_start3A_157 = tpu.memref_slice %arg5[%add3A_27] : memref<1600000xi32, #tpu.memory_space<hbm>> -> memref<80xi32, #tpu.memory_space<hbm>>
        %dma_start3A_158 = arith.constant 0 : i32
        %dma_start3A_159 = tpu.memref_slice %arg13[%run_scoped3A_28, %dma_start3A_158] : memref<25x80xi32, #tpu.memory_space<vmem>> -> memref<1x80xi32, #tpu.memory_space<vmem>>
        %dma_start3A_160 = tpu.memref_squeeze %dma_start3A_159 : memref<1x80xi32, #tpu.memory_space<vmem>> -> memref<80xi32, #tpu.memory_space<vmem>>
        %dma_start3A_161 = tpu.memref_slice %arg5[%add3A_27] : memref<1600000xi32, #tpu.memory_space<hbm>> -> memref<80xi32, #tpu.memory_space<hbm>>
        tpu.enqueue_dma source(%dma_start3A_161 : memref<80xi32, #tpu.memory_space<hbm>>) target(%dma_start3A_160 : memref<80xi32, #tpu.memory_space<vmem>>) target_semaphore(%run_scoped3A_154 : memref<!tpu.dma_semaphore, #tpu.memory_space<semaphore_mem>>)
        %dma_wait3A = arith.constant 0 : i32
        %dma_wait3A_162 = tpu.memref_slice %arg13[%run_scoped3A_28, %dma_wait3A] : memref<25x80xi32, #tpu.memory_space<vmem>> -> memref<1x80xi32, #tpu.memory_space<vmem>>
        %dma_wait3A_163 = tpu.memref_squeeze %dma_wait3A_162 : memref<1x80xi32, #tpu.memory_space<vmem>> -> memref<80xi32, #tpu.memory_space<vmem>>
        %dma_wait3A_164 = tpu.memref_slice %arg5[%add3A_27] : memref<1600000xi32, #tpu.memory_space<hbm>> -> memref<80xi32, #tpu.memory_space<hbm>>
        %dma_wait3A_165 = arith.constant 0 : i32
        %dma_wait3A_166 = tpu.memref_slice %arg13[%run_scoped3A_28, %dma_wait3A_165] : memref<25x80xi32, #tpu.memory_space<vmem>> -> memref<1x80xi32, #tpu.memory_space<vmem>>
        %dma_wait3A_167 = tpu.memref_squeeze %dma_wait3A_166 : memref<1x80xi32, #tpu.memory_space<vmem>> -> memref<80xi32, #tpu.memory_space<vmem>>
        %dma_wait3A_168 = tpu.memref_slice %arg5[%add3A_27] : memref<1600000xi32, #tpu.memory_space<hbm>> -> memref<80xi32, #tpu.memory_space<hbm>>
        tpu.wait_dma2 semaphore(%run_scoped3A_154 : memref<!tpu.dma_semaphore, #tpu.memory_space<semaphore_mem>>) src(%dma_wait3A_168 : memref<80xi32, #tpu.memory_space<hbm>>) dst(%dma_wait3A_167 : memref<80xi32, #tpu.memory_space<vmem>>)
        tpu.yield
      }) : () -> ()
      %add3A_29 = arith.constant 160 : i32
      %add3A_30 = arith.addi %add3A_23, %add3A_29 : i32
      %run_scoped3A_31 = arith.constant 2 : i32
      "tpu.region"() ({
        %run_scoped3A_154 = tpu.sem_alloc : memref<!tpu.dma_semaphore, #tpu.memory_space<semaphore_mem>>
        %dma_start3A = arith.constant 0 : i32
        %dma_start3A_155 = tpu.memref_slice %arg13[%run_scoped3A_31, %dma_start3A] : memref<25x80xi32, #tpu.memory_space<vmem>> -> memref<1x80xi32, #tpu.memory_space<vmem>>
        %dma_start3A_156 = tpu.memref_squeeze %dma_start3A_155 : memref<1x80xi32, #tpu.memory_space<vmem>> -> memref<80xi32, #tpu.memory_space<vmem>>
        %dma_start3A_157 = tpu.memref_slice %arg5[%add3A_30] : memref<1600000xi32, #tpu.memory_space<hbm>> -> memref<80xi32, #tpu.memory_space<hbm>>
        %dma_start3A_158 = arith.constant 0 : i32
        %dma_start3A_159 = tpu.memref_slice %arg13[%run_scoped3A_31, %dma_start3A_158] : memref<25x80xi32, #tpu.memory_space<vmem>> -> memref<1x80xi32, #tpu.memory_space<vmem>>
        %dma_start3A_160 = tpu.memref_squeeze %dma_start3A_159 : memref<1x80xi32, #tpu.memory_space<vmem>> -> memref<80xi32, #tpu.memory_space<vmem>>
        %dma_start3A_161 = tpu.memref_slice %arg5[%add3A_30] : memref<1600000xi32, #tpu.memory_space<hbm>> -> memref<80xi32, #tpu.memory_space<hbm>>
        tpu.enqueue_dma source(%dma_start3A_161 : memref<80xi32, #tpu.memory_space<hbm>>) target(%dma_start3A_160 : memref<80xi32, #tpu.memory_space<vmem>>) target_semaphore(%run_scoped3A_154 : memref<!tpu.dma_semaphore, #tpu.memory_space<semaphore_mem>>)
        %dma_wait3A = arith.constant 0 : i32
        %dma_wait3A_162 = tpu.memref_slice %arg13[%run_scoped3A_31, %dma_wait3A] : memref<25x80xi32, #tpu.memory_space<vmem>> -> memref<1x80xi32, #tpu.memory_space<vmem>>
        %dma_wait3A_163 = tpu.memref_squeeze %dma_wait3A_162 : memref<1x80xi32, #tpu.memory_space<vmem>> -> memref<80xi32, #tpu.memory_space<vmem>>
        %dma_wait3A_164 = tpu.memref_slice %arg5[%add3A_30] : memref<1600000xi32, #tpu.memory_space<hbm>> -> memref<80xi32, #tpu.memory_space<hbm>>
        %dma_wait3A_165 = arith.constant 0 : i32
        %dma_wait3A_166 = tpu.memref_slice %arg13[%run_scoped3A_31, %dma_wait3A_165] : memref<25x80xi32, #tpu.memory_space<vmem>> -> memref<1x80xi32, #tpu.memory_space<vmem>>
        %dma_wait3A_167 = tpu.memref_squeeze %dma_wait3A_166 : memref<1x80xi32, #tpu.memory_space<vmem>> -> memref<80xi32, #tpu.memory_space<vmem>>
        %dma_wait3A_168 = tpu.memref_slice %arg5[%add3A_30] : memref<1600000xi32, #tpu.memory_space<hbm>> -> memref<80xi32, #tpu.memory_space<hbm>>
        tpu.wait_dma2 semaphore(%run_scoped3A_154 : memref<!tpu.dma_semaphore, #tpu.memory_space<semaphore_mem>>) src(%dma_wait3A_168 : memref<80xi32, #tpu.memory_space<hbm>>) dst(%dma_wait3A_167 : memref<80xi32, #tpu.memory_space<vmem>>)
        tpu.yield
      }) : () -> ()
      %add3A_32 = arith.constant 240 : i32
      %add3A_33 = arith.addi %add3A_23, %add3A_32 : i32
      %run_scoped3A_34 = arith.constant 3 : i32
      "tpu.region"() ({
        %run_scoped3A_154 = tpu.sem_alloc : memref<!tpu.dma_semaphore, #tpu.memory_space<semaphore_mem>>
        %dma_start3A = arith.constant 0 : i32
        %dma_start3A_155 = tpu.memref_slice %arg13[%run_scoped3A_34, %dma_start3A] : memref<25x80xi32, #tpu.memory_space<vmem>> -> memref<1x80xi32, #tpu.memory_space<vmem>>
        %dma_start3A_156 = tpu.memref_squeeze %dma_start3A_155 : memref<1x80xi32, #tpu.memory_space<vmem>> -> memref<80xi32, #tpu.memory_space<vmem>>
        %dma_start3A_157 = tpu.memref_slice %arg5[%add3A_33] : memref<1600000xi32, #tpu.memory_space<hbm>> -> memref<80xi32, #tpu.memory_space<hbm>>
        %dma_start3A_158 = arith.constant 0 : i32
        %dma_start3A_159 = tpu.memref_slice %arg13[%run_scoped3A_34, %dma_start3A_158] : memref<25x80xi32, #tpu.memory_space<vmem>> -> memref<1x80xi32, #tpu.memory_space<vmem>>
        %dma_start3A_160 = tpu.memref_squeeze %dma_start3A_159 : memref<1x80xi32, #tpu.memory_space<vmem>> -> memref<80xi32, #tpu.memory_space<vmem>>
        %dma_start3A_161 = tpu.memref_slice %arg5[%add3A_33] : memref<1600000xi32, #tpu.memory_space<hbm>> -> memref<80xi32, #tpu.memory_space<hbm>>
        tpu.enqueue_dma source(%dma_start3A_161 : memref<80xi32, #tpu.memory_space<hbm>>) target(%dma_start3A_160 : memref<80xi32, #tpu.memory_space<vmem>>) target_semaphore(%run_scoped3A_154 : memref<!tpu.dma_semaphore, #tpu.memory_space<semaphore_mem>>)
        %dma_wait3A = arith.constant 0 : i32
        %dma_wait3A_162 = tpu.memref_slice %arg13[%run_scoped3A_34, %dma_wait3A] : memref<25x80xi32, #tpu.memory_space<vmem>> -> memref<1x80xi32, #tpu.memory_space<vmem>>
        %dma_wait3A_163 = tpu.memref_squeeze %dma_wait3A_162 : memref<1x80xi32, #tpu.memory_space<vmem>> -> memref<80xi32, #tpu.memory_space<vmem>>
        %dma_wait3A_164 = tpu.memref_slice %arg5[%add3A_33] : memref<1600000xi32, #tpu.memory_space<hbm>> -> memref<80xi32, #tpu.memory_space<hbm>>
        %dma_wait3A_165 = arith.constant 0 : i32
        %dma_wait3A_166 = tpu.memref_slice %arg13[%run_scoped3A_34, %dma_wait3A_165] : memref<25x80xi32, #tpu.memory_space<vmem>> -> memref<1x80xi32, #tpu.memory_space<vmem>>
        %dma_wait3A_167 = tpu.memref_squeeze %dma_wait3A_166 : memref<1x80xi32, #tpu.memory_space<vmem>> -> memref<80xi32, #tpu.memory_space<vmem>>
        %dma_wait3A_168 = tpu.memref_slice %arg5[%add3A_33] : memref<1600000xi32, #tpu.memory_space<hbm>> -> memref<80xi32, #tpu.memory_space<hbm>>
        tpu.wait_dma2 semaphore(%run_scoped3A_154 : memref<!tpu.dma_semaphore, #tpu.memory_space<semaphore_mem>>) src(%dma_wait3A_168 : memref<80xi32, #tpu.memory_space<hbm>>) dst(%dma_wait3A_167 : memref<80xi32, #tpu.memory_space<vmem>>)
        tpu.yield
      }) : () -> ()
      %add3A_35 = arith.constant 320 : i32
      %add3A_36 = arith.addi %add3A_23, %add3A_35 : i32
      %run_scoped3A_37 = arith.constant 4 : i32
      "tpu.region"() ({
        %run_scoped3A_154 = tpu.sem_alloc : memref<!tpu.dma_semaphore, #tpu.memory_space<semaphore_mem>>
        %dma_start3A = arith.constant 0 : i32
        %dma_start3A_155 = tpu.memref_slice %arg13[%run_scoped3A_37, %dma_start3A] : memref<25x80xi32, #tpu.memory_space<vmem>> -> memref<1x80xi32, #tpu.memory_space<vmem>>
        %dma_start3A_156 = tpu.memref_squeeze %dma_start3A_155 : memref<1x80xi32, #tpu.memory_space<vmem>> -> memref<80xi32, #tpu.memory_space<vmem>>
        %dma_start3A_157 = tpu.memref_slice %arg5[%add3A_36] : memref<1600000xi32, #tpu.memory_space<hbm>> -> memref<80xi32, #tpu.memory_space<hbm>>
        %dma_start3A_158 = arith.constant 0 : i32
        %dma_start3A_159 = tpu.memref_slice %arg13[%run_scoped3A_37, %dma_start3A_158] : memref<25x80xi32, #tpu.memory_space<vmem>> -> memref<1x80xi32, #tpu.memory_space<vmem>>
        %dma_start3A_160 = tpu.memref_squeeze %dma_start3A_159 : memref<1x80xi32, #tpu.memory_space<vmem>> -> memref<80xi32, #tpu.memory_space<vmem>>
        %dma_start3A_161 = tpu.memref_slice %arg5[%add3A_36] : memref<1600000xi32, #tpu.memory_space<hbm>> -> memref<80xi32, #tpu.memory_space<hbm>>
        tpu.enqueue_dma source(%dma_start3A_161 : memref<80xi32, #tpu.memory_space<hbm>>) target(%dma_start3A_160 : memref<80xi32, #tpu.memory_space<vmem>>) target_semaphore(%run_scoped3A_154 : memref<!tpu.dma_semaphore, #tpu.memory_space<semaphore_mem>>)
        %dma_wait3A = arith.constant 0 : i32
        %dma_wait3A_162 = tpu.memref_slice %arg13[%run_scoped3A_37, %dma_wait3A] : memref<25x80xi32, #tpu.memory_space<vmem>> -> memref<1x80xi32, #tpu.memory_space<vmem>>
        %dma_wait3A_163 = tpu.memref_squeeze %dma_wait3A_162 : memref<1x80xi32, #tpu.memory_space<vmem>> -> memref<80xi32, #tpu.memory_space<vmem>>
        %dma_wait3A_164 = tpu.memref_slice %arg5[%add3A_36] : memref<1600000xi32, #tpu.memory_space<hbm>> -> memref<80xi32, #tpu.memory_space<hbm>>
        %dma_wait3A_165 = arith.constant 0 : i32
        %dma_wait3A_166 = tpu.memref_slice %arg13[%run_scoped3A_37, %dma_wait3A_165] : memref<25x80xi32, #tpu.memory_space<vmem>> -> memref<1x80xi32, #tpu.memory_space<vmem>>
        %dma_wait3A_167 = tpu.memref_squeeze %dma_wait3A_166 : memref<1x80xi32, #tpu.memory_space<vmem>> -> memref<80xi32, #tpu.memory_space<vmem>>
        %dma_wait3A_168 = tpu.memref_slice %arg5[%add3A_36] : memref<1600000xi32, #tpu.memory_space<hbm>> -> memref<80xi32, #tpu.memory_space<hbm>>
        tpu.wait_dma2 semaphore(%run_scoped3A_154 : memref<!tpu.dma_semaphore, #tpu.memory_space<semaphore_mem>>) src(%dma_wait3A_168 : memref<80xi32, #tpu.memory_space<hbm>>) dst(%dma_wait3A_167 : memref<80xi32, #tpu.memory_space<vmem>>)
        tpu.yield
      }) : () -> ()
      %add3A_38 = arith.constant 400 : i32
      %add3A_39 = arith.addi %add3A_23, %add3A_38 : i32
      %run_scoped3A_40 = arith.constant 5 : i32
      "tpu.region"() ({
        %run_scoped3A_154 = tpu.sem_alloc : memref<!tpu.dma_semaphore, #tpu.memory_space<semaphore_mem>>
        %dma_start3A = arith.constant 0 : i32
        %dma_start3A_155 = tpu.memref_slice %arg13[%run_scoped3A_40, %dma_start3A] : memref<25x80xi32, #tpu.memory_space<vmem>> -> memref<1x80xi32, #tpu.memory_space<vmem>>
        %dma_start3A_156 = tpu.memref_squeeze %dma_start3A_155 : memref<1x80xi32, #tpu.memory_space<vmem>> -> memref<80xi32, #tpu.memory_space<vmem>>
        %dma_start3A_157 = tpu.memref_slice %arg5[%add3A_39] : memref<1600000xi32, #tpu.memory_space<hbm>> -> memref<80xi32, #tpu.memory_space<hbm>>
        %dma_start3A_158 = arith.constant 0 : i32
        %dma_start3A_159 = tpu.memref_slice %arg13[%run_scoped3A_40, %dma_start3A_158] : memref<25x80xi32, #tpu.memory_space<vmem>> -> memref<1x80xi32, #tpu.memory_space<vmem>>
        %dma_start3A_160 = tpu.memref_squeeze %dma_start3A_159 : memref<1x80xi32, #tpu.memory_space<vmem>> -> memref<80xi32, #tpu.memory_space<vmem>>
        %dma_start3A_161 = tpu.memref_slice %arg5[%add3A_39] : memref<1600000xi32, #tpu.memory_space<hbm>> -> memref<80xi32, #tpu.memory_space<hbm>>
        tpu.enqueue_dma source(%dma_start3A_161 : memref<80xi32, #tpu.memory_space<hbm>>) target(%dma_start3A_160 : memref<80xi32, #tpu.memory_space<vmem>>) target_semaphore(%run_scoped3A_154 : memref<!tpu.dma_semaphore, #tpu.memory_space<semaphore_mem>>)
        %dma_wait3A = arith.constant 0 : i32
        %dma_wait3A_162 = tpu.memref_slice %arg13[%run_scoped3A_40, %dma_wait3A] : memref<25x80xi32, #tpu.memory_space<vmem>> -> memref<1x80xi32, #tpu.memory_space<vmem>>
        %dma_wait3A_163 = tpu.memref_squeeze %dma_wait3A_162 : memref<1x80xi32, #tpu.memory_space<vmem>> -> memref<80xi32, #tpu.memory_space<vmem>>
        %dma_wait3A_164 = tpu.memref_slice %arg5[%add3A_39] : memref<1600000xi32, #tpu.memory_space<hbm>> -> memref<80xi32, #tpu.memory_space<hbm>>
        %dma_wait3A_165 = arith.constant 0 : i32
        %dma_wait3A_166 = tpu.memref_slice %arg13[%run_scoped3A_40, %dma_wait3A_165] : memref<25x80xi32, #tpu.memory_space<vmem>> -> memref<1x80xi32, #tpu.memory_space<vmem>>
        %dma_wait3A_167 = tpu.memref_squeeze %dma_wait3A_166 : memref<1x80xi32, #tpu.memory_space<vmem>> -> memref<80xi32, #tpu.memory_space<vmem>>
        %dma_wait3A_168 = tpu.memref_slice %arg5[%add3A_39] : memref<1600000xi32, #tpu.memory_space<hbm>> -> memref<80xi32, #tpu.memory_space<hbm>>
        tpu.wait_dma2 semaphore(%run_scoped3A_154 : memref<!tpu.dma_semaphore, #tpu.memory_space<semaphore_mem>>) src(%dma_wait3A_168 : memref<80xi32, #tpu.memory_space<hbm>>) dst(%dma_wait3A_167 : memref<80xi32, #tpu.memory_space<vmem>>)
        tpu.yield
      }) : () -> ()
      %add3A_41 = arith.constant 480 : i32
      %add3A_42 = arith.addi %add3A_23, %add3A_41 : i32
      %run_scoped3A_43 = arith.constant 6 : i32
      "tpu.region"() ({
        %run_scoped3A_154 = tpu.sem_alloc : memref<!tpu.dma_semaphore, #tpu.memory_space<semaphore_mem>>
        %dma_start3A = arith.constant 0 : i32
        %dma_start3A_155 = tpu.memref_slice %arg13[%run_scoped3A_43, %dma_start3A] : memref<25x80xi32, #tpu.memory_space<vmem>> -> memref<1x80xi32, #tpu.memory_space<vmem>>
        %dma_start3A_156 = tpu.memref_squeeze %dma_start3A_155 : memref<1x80xi32, #tpu.memory_space<vmem>> -> memref<80xi32, #tpu.memory_space<vmem>>
        %dma_start3A_157 = tpu.memref_slice %arg5[%add3A_42] : memref<1600000xi32, #tpu.memory_space<hbm>> -> memref<80xi32, #tpu.memory_space<hbm>>
        %dma_start3A_158 = arith.constant 0 : i32
        %dma_start3A_159 = tpu.memref_slice %arg13[%run_scoped3A_43, %dma_start3A_158] : memref<25x80xi32, #tpu.memory_space<vmem>> -> memref<1x80xi32, #tpu.memory_space<vmem>>
        %dma_start3A_160 = tpu.memref_squeeze %dma_start3A_159 : memref<1x80xi32, #tpu.memory_space<vmem>> -> memref<80xi32, #tpu.memory_space<vmem>>
        %dma_start3A_161 = tpu.memref_slice %arg5[%add3A_42] : memref<1600000xi32, #tpu.memory_space<hbm>> -> memref<80xi32, #tpu.memory_space<hbm>>
        tpu.enqueue_dma source(%dma_start3A_161 : memref<80xi32, #tpu.memory_space<hbm>>) target(%dma_start3A_160 : memref<80xi32, #tpu.memory_space<vmem>>) target_semaphore(%run_scoped3A_154 : memref<!tpu.dma_semaphore, #tpu.memory_space<semaphore_mem>>)
        %dma_wait3A = arith.constant 0 : i32
        %dma_wait3A_162 = tpu.memref_slice %arg13[%run_scoped3A_43, %dma_wait3A] : memref<25x80xi32, #tpu.memory_space<vmem>> -> memref<1x80xi32, #tpu.memory_space<vmem>>
        %dma_wait3A_163 = tpu.memref_squeeze %dma_wait3A_162 : memref<1x80xi32, #tpu.memory_space<vmem>> -> memref<80xi32, #tpu.memory_space<vmem>>
        %dma_wait3A_164 = tpu.memref_slice %arg5[%add3A_42] : memref<1600000xi32, #tpu.memory_space<hbm>> -> memref<80xi32, #tpu.memory_space<hbm>>
        %dma_wait3A_165 = arith.constant 0 : i32
        %dma_wait3A_166 = tpu.memref_slice %arg13[%run_scoped3A_43, %dma_wait3A_165] : memref<25x80xi32, #tpu.memory_space<vmem>> -> memref<1x80xi32, #tpu.memory_space<vmem>>
        %dma_wait3A_167 = tpu.memref_squeeze %dma_wait3A_166 : memref<1x80xi32, #tpu.memory_space<vmem>> -> memref<80xi32, #tpu.memory_space<vmem>>
        %dma_wait3A_168 = tpu.memref_slice %arg5[%add3A_42] : memref<1600000xi32, #tpu.memory_space<hbm>> -> memref<80xi32, #tpu.memory_space<hbm>>
        tpu.wait_dma2 semaphore(%run_scoped3A_154 : memref<!tpu.dma_semaphore, #tpu.memory_space<semaphore_mem>>) src(%dma_wait3A_168 : memref<80xi32, #tpu.memory_space<hbm>>) dst(%dma_wait3A_167 : memref<80xi32, #tpu.memory_space<vmem>>)
        tpu.yield
      }) : () -> ()
      %add3A_44 = arith.constant 560 : i32
      %add3A_45 = arith.addi %add3A_23, %add3A_44 : i32
      %run_scoped3A_46 = arith.constant 7 : i32
      "tpu.region"() ({
        %run_scoped3A_154 = tpu.sem_alloc : memref<!tpu.dma_semaphore, #tpu.memory_space<semaphore_mem>>
        %dma_start3A = arith.constant 0 : i32
        %dma_start3A_155 = tpu.memref_slice %arg13[%run_scoped3A_46, %dma_start3A] : memref<25x80xi32, #tpu.memory_space<vmem>> -> memref<1x80xi32, #tpu.memory_space<vmem>>
        %dma_start3A_156 = tpu.memref_squeeze %dma_start3A_155 : memref<1x80xi32, #tpu.memory_space<vmem>> -> memref<80xi32, #tpu.memory_space<vmem>>
        %dma_start3A_157 = tpu.memref_slice %arg5[%add3A_45] : memref<1600000xi32, #tpu.memory_space<hbm>> -> memref<80xi32, #tpu.memory_space<hbm>>
        %dma_start3A_158 = arith.constant 0 : i32
        %dma_start3A_159 = tpu.memref_slice %arg13[%run_scoped3A_46, %dma_start3A_158] : memref<25x80xi32, #tpu.memory_space<vmem>> -> memref<1x80xi32, #tpu.memory_space<vmem>>
        %dma_start3A_160 = tpu.memref_squeeze %dma_start3A_159 : memref<1x80xi32, #tpu.memory_space<vmem>> -> memref<80xi32, #tpu.memory_space<vmem>>
        %dma_start3A_161 = tpu.memref_slice %arg5[%add3A_45] : memref<1600000xi32, #tpu.memory_space<hbm>> -> memref<80xi32, #tpu.memory_space<hbm>>
        tpu.enqueue_dma source(%dma_start3A_161 : memref<80xi32, #tpu.memory_space<hbm>>) target(%dma_start3A_160 : memref<80xi32, #tpu.memory_space<vmem>>) target_semaphore(%run_scoped3A_154 : memref<!tpu.dma_semaphore, #tpu.memory_space<semaphore_mem>>)
        %dma_wait3A = arith.constant 0 : i32
        %dma_wait3A_162 = tpu.memref_slice %arg13[%run_scoped3A_46, %dma_wait3A] : memref<25x80xi32, #tpu.memory_space<vmem>> -> memref<1x80xi32, #tpu.memory_space<vmem>>
        %dma_wait3A_163 = tpu.memref_squeeze %dma_wait3A_162 : memref<1x80xi32, #tpu.memory_space<vmem>> -> memref<80xi32, #tpu.memory_space<vmem>>
        %dma_wait3A_164 = tpu.memref_slice %arg5[%add3A_45] : memref<1600000xi32, #tpu.memory_space<hbm>> -> memref<80xi32, #tpu.memory_space<hbm>>
        %dma_wait3A_165 = arith.constant 0 : i32
        %dma_wait3A_166 = tpu.memref_slice %arg13[%run_scoped3A_46, %dma_wait3A_165] : memref<25x80xi32, #tpu.memory_space<vmem>> -> memref<1x80xi32, #tpu.memory_space<vmem>>
        %dma_wait3A_167 = tpu.memref_squeeze %dma_wait3A_166 : memref<1x80xi32, #tpu.memory_space<vmem>> -> memref<80xi32, #tpu.memory_space<vmem>>
        %dma_wait3A_168 = tpu.memref_slice %arg5[%add3A_45] : memref<1600000xi32, #tpu.memory_space<hbm>> -> memref<80xi32, #tpu.memory_space<hbm>>
        tpu.wait_dma2 semaphore(%run_scoped3A_154 : memref<!tpu.dma_semaphore, #tpu.memory_space<semaphore_mem>>) src(%dma_wait3A_168 : memref<80xi32, #tpu.memory_space<hbm>>) dst(%dma_wait3A_167 : memref<80xi32, #tpu.memory_space<vmem>>)
        tpu.yield
      }) : () -> ()
      %add3A_47 = arith.constant 640 : i32
      %add3A_48 = arith.addi %add3A_23, %add3A_47 : i32
      %run_scoped3A_49 = arith.constant 8 : i32
      "tpu.region"() ({
        %run_scoped3A_154 = tpu.sem_alloc : memref<!tpu.dma_semaphore, #tpu.memory_space<semaphore_mem>>
        %dma_start3A = arith.constant 0 : i32
        %dma_start3A_155 = tpu.memref_slice %arg13[%run_scoped3A_49, %dma_start3A] : memref<25x80xi32, #tpu.memory_space<vmem>> -> memref<1x80xi32, #tpu.memory_space<vmem>>
        %dma_start3A_156 = tpu.memref_squeeze %dma_start3A_155 : memref<1x80xi32, #tpu.memory_space<vmem>> -> memref<80xi32, #tpu.memory_space<vmem>>
        %dma_start3A_157 = tpu.memref_slice %arg5[%add3A_48] : memref<1600000xi32, #tpu.memory_space<hbm>> -> memref<80xi32, #tpu.memory_space<hbm>>
        %dma_start3A_158 = arith.constant 0 : i32
        %dma_start3A_159 = tpu.memref_slice %arg13[%run_scoped3A_49, %dma_start3A_158] : memref<25x80xi32, #tpu.memory_space<vmem>> -> memref<1x80xi32, #tpu.memory_space<vmem>>
        %dma_start3A_160 = tpu.memref_squeeze %dma_start3A_159 : memref<1x80xi32, #tpu.memory_space<vmem>> -> memref<80xi32, #tpu.memory_space<vmem>>
        %dma_start3A_161 = tpu.memref_slice %arg5[%add3A_48] : memref<1600000xi32, #tpu.memory_space<hbm>> -> memref<80xi32, #tpu.memory_space<hbm>>
        tpu.enqueue_dma source(%dma_start3A_161 : memref<80xi32, #tpu.memory_space<hbm>>) target(%dma_start3A_160 : memref<80xi32, #tpu.memory_space<vmem>>) target_semaphore(%run_scoped3A_154 : memref<!tpu.dma_semaphore, #tpu.memory_space<semaphore_mem>>)
        %dma_wait3A = arith.constant 0 : i32
        %dma_wait3A_162 = tpu.memref_slice %arg13[%run_scoped3A_49, %dma_wait3A] : memref<25x80xi32, #tpu.memory_space<vmem>> -> memref<1x80xi32, #tpu.memory_space<vmem>>
        %dma_wait3A_163 = tpu.memref_squeeze %dma_wait3A_162 : memref<1x80xi32, #tpu.memory_space<vmem>> -> memref<80xi32, #tpu.memory_space<vmem>>
        %dma_wait3A_164 = tpu.memref_slice %arg5[%add3A_48] : memref<1600000xi32, #tpu.memory_space<hbm>> -> memref<80xi32, #tpu.memory_space<hbm>>
        %dma_wait3A_165 = arith.constant 0 : i32
        %dma_wait3A_166 = tpu.memref_slice %arg13[%run_scoped3A_49, %dma_wait3A_165] : memref<25x80xi32, #tpu.memory_space<vmem>> -> memref<1x80xi32, #tpu.memory_space<vmem>>
        %dma_wait3A_167 = tpu.memref_squeeze %dma_wait3A_166 : memref<1x80xi32, #tpu.memory_space<vmem>> -> memref<80xi32, #tpu.memory_space<vmem>>
        %dma_wait3A_168 = tpu.memref_slice %arg5[%add3A_48] : memref<1600000xi32, #tpu.memory_space<hbm>> -> memref<80xi32, #tpu.memory_space<hbm>>
        tpu.wait_dma2 semaphore(%run_scoped3A_154 : memref<!tpu.dma_semaphore, #tpu.memory_space<semaphore_mem>>) src(%dma_wait3A_168 : memref<80xi32, #tpu.memory_space<hbm>>) dst(%dma_wait3A_167 : memref<80xi32, #tpu.memory_space<vmem>>)
        tpu.yield
      }) : () -> ()
      %add3A_50 = arith.constant 720 : i32
      %add3A_51 = arith.addi %add3A_23, %add3A_50 : i32
      %run_scoped3A_52 = arith.constant 9 : i32
      "tpu.region"() ({
        %run_scoped3A_154 = tpu.sem_alloc : memref<!tpu.dma_semaphore, #tpu.memory_space<semaphore_mem>>
        %dma_start3A = arith.constant 0 : i32
        %dma_start3A_155 = tpu.memref_slice %arg13[%run_scoped3A_52, %dma_start3A] : memref<25x80xi32, #tpu.memory_space<vmem>> -> memref<1x80xi32, #tpu.memory_space<vmem>>
        %dma_start3A_156 = tpu.memref_squeeze %dma_start3A_155 : memref<1x80xi32, #tpu.memory_space<vmem>> -> memref<80xi32, #tpu.memory_space<vmem>>
        %dma_start3A_157 = tpu.memref_slice %arg5[%add3A_51] : memref<1600000xi32, #tpu.memory_space<hbm>> -> memref<80xi32, #tpu.memory_space<hbm>>
        %dma_start3A_158 = arith.constant 0 : i32
        %dma_start3A_159 = tpu.memref_slice %arg13[%run_scoped3A_52, %dma_start3A_158] : memref<25x80xi32, #tpu.memory_space<vmem>> -> memref<1x80xi32, #tpu.memory_space<vmem>>
        %dma_start3A_160 = tpu.memref_squeeze %dma_start3A_159 : memref<1x80xi32, #tpu.memory_space<vmem>> -> memref<80xi32, #tpu.memory_space<vmem>>
        %dma_start3A_161 = tpu.memref_slice %arg5[%add3A_51] : memref<1600000xi32, #tpu.memory_space<hbm>> -> memref<80xi32, #tpu.memory_space<hbm>>
        tpu.enqueue_dma source(%dma_start3A_161 : memref<80xi32, #tpu.memory_space<hbm>>) target(%dma_start3A_160 : memref<80xi32, #tpu.memory_space<vmem>>) target_semaphore(%run_scoped3A_154 : memref<!tpu.dma_semaphore, #tpu.memory_space<semaphore_mem>>)
        %dma_wait3A = arith.constant 0 : i32
        %dma_wait3A_162 = tpu.memref_slice %arg13[%run_scoped3A_52, %dma_wait3A] : memref<25x80xi32, #tpu.memory_space<vmem>> -> memref<1x80xi32, #tpu.memory_space<vmem>>
        %dma_wait3A_163 = tpu.memref_squeeze %dma_wait3A_162 : memref<1x80xi32, #tpu.memory_space<vmem>> -> memref<80xi32, #tpu.memory_space<vmem>>
        %dma_wait3A_164 = tpu.memref_slice %arg5[%add3A_51] : memref<1600000xi32, #tpu.memory_space<hbm>> -> memref<80xi32, #tpu.memory_space<hbm>>
        %dma_wait3A_165 = arith.constant 0 : i32
        %dma_wait3A_166 = tpu.memref_slice %arg13[%run_scoped3A_52, %dma_wait3A_165] : memref<25x80xi32, #tpu.memory_space<vmem>> -> memref<1x80xi32, #tpu.memory_space<vmem>>
        %dma_wait3A_167 = tpu.memref_squeeze %dma_wait3A_166 : memref<1x80xi32, #tpu.memory_space<vmem>> -> memref<80xi32, #tpu.memory_space<vmem>>
        %dma_wait3A_168 = tpu.memref_slice %arg5[%add3A_51] : memref<1600000xi32, #tpu.memory_space<hbm>> -> memref<80xi32, #tpu.memory_space<hbm>>
        tpu.wait_dma2 semaphore(%run_scoped3A_154 : memref<!tpu.dma_semaphore, #tpu.memory_space<semaphore_mem>>) src(%dma_wait3A_168 : memref<80xi32, #tpu.memory_space<hbm>>) dst(%dma_wait3A_167 : memref<80xi32, #tpu.memory_space<vmem>>)
        tpu.yield
      }) : () -> ()
      %add3A_53 = arith.constant 800 : i32
      %add3A_54 = arith.addi %add3A_23, %add3A_53 : i32
      %run_scoped3A_55 = arith.constant 10 : i32
      "tpu.region"() ({
        %run_scoped3A_154 = tpu.sem_alloc : memref<!tpu.dma_semaphore, #tpu.memory_space<semaphore_mem>>
        %dma_start3A = arith.constant 0 : i32
        %dma_start3A_155 = tpu.memref_slice %arg13[%run_scoped3A_55, %dma_start3A] : memref<25x80xi32, #tpu.memory_space<vmem>> -> memref<1x80xi32, #tpu.memory_space<vmem>>
        %dma_start3A_156 = tpu.memref_squeeze %dma_start3A_155 : memref<1x80xi32, #tpu.memory_space<vmem>> -> memref<80xi32, #tpu.memory_space<vmem>>
        %dma_start3A_157 = tpu.memref_slice %arg5[%add3A_54] : memref<1600000xi32, #tpu.memory_space<hbm>> -> memref<80xi32, #tpu.memory_space<hbm>>
        %dma_start3A_158 = arith.constant 0 : i32
        %dma_start3A_159 = tpu.memref_slice %arg13[%run_scoped3A_55, %dma_start3A_158] : memref<25x80xi32, #tpu.memory_space<vmem>> -> memref<1x80xi32, #tpu.memory_space<vmem>>
        %dma_start3A_160 = tpu.memref_squeeze %dma_start3A_159 : memref<1x80xi32, #tpu.memory_space<vmem>> -> memref<80xi32, #tpu.memory_space<vmem>>
        %dma_start3A_161 = tpu.memref_slice %arg5[%add3A_54] : memref<1600000xi32, #tpu.memory_space<hbm>> -> memref<80xi32, #tpu.memory_space<hbm>>
        tpu.enqueue_dma source(%dma_start3A_161 : memref<80xi32, #tpu.memory_space<hbm>>) target(%dma_start3A_160 : memref<80xi32, #tpu.memory_space<vmem>>) target_semaphore(%run_scoped3A_154 : memref<!tpu.dma_semaphore, #tpu.memory_space<semaphore_mem>>)
        %dma_wait3A = arith.constant 0 : i32
        %dma_wait3A_162 = tpu.memref_slice %arg13[%run_scoped3A_55, %dma_wait3A] : memref<25x80xi32, #tpu.memory_space<vmem>> -> memref<1x80xi32, #tpu.memory_space<vmem>>
        %dma_wait3A_163 = tpu.memref_squeeze %dma_wait3A_162 : memref<1x80xi32, #tpu.memory_space<vmem>> -> memref<80xi32, #tpu.memory_space<vmem>>
        %dma_wait3A_164 = tpu.memref_slice %arg5[%add3A_54] : memref<1600000xi32, #tpu.memory_space<hbm>> -> memref<80xi32, #tpu.memory_space<hbm>>
        %dma_wait3A_165 = arith.constant 0 : i32
        %dma_wait3A_166 = tpu.memref_slice %arg13[%run_scoped3A_55, %dma_wait3A_165] : memref<25x80xi32, #tpu.memory_space<vmem>> -> memref<1x80xi32, #tpu.memory_space<vmem>>
        %dma_wait3A_167 = tpu.memref_squeeze %dma_wait3A_166 : memref<1x80xi32, #tpu.memory_space<vmem>> -> memref<80xi32, #tpu.memory_space<vmem>>
        %dma_wait3A_168 = tpu.memref_slice %arg5[%add3A_54] : memref<1600000xi32, #tpu.memory_space<hbm>> -> memref<80xi32, #tpu.memory_space<hbm>>
        tpu.wait_dma2 semaphore(%run_scoped3A_154 : memref<!tpu.dma_semaphore, #tpu.memory_space<semaphore_mem>>) src(%dma_wait3A_168 : memref<80xi32, #tpu.memory_space<hbm>>) dst(%dma_wait3A_167 : memref<80xi32, #tpu.memory_space<vmem>>)
        tpu.yield
      }) : () -> ()
      %add3A_56 = arith.constant 880 : i32
      %add3A_57 = arith.addi %add3A_23, %add3A_56 : i32
      %run_scoped3A_58 = arith.constant 11 : i32
      "tpu.region"() ({
        %run_scoped3A_154 = tpu.sem_alloc : memref<!tpu.dma_semaphore, #tpu.memory_space<semaphore_mem>>
        %dma_start3A = arith.constant 0 : i32
        %dma_start3A_155 = tpu.memref_slice %arg13[%run_scoped3A_58, %dma_start3A] : memref<25x80xi32, #tpu.memory_space<vmem>> -> memref<1x80xi32, #tpu.memory_space<vmem>>
        %dma_start3A_156 = tpu.memref_squeeze %dma_start3A_155 : memref<1x80xi32, #tpu.memory_space<vmem>> -> memref<80xi32, #tpu.memory_space<vmem>>
        %dma_start3A_157 = tpu.memref_slice %arg5[%add3A_57] : memref<1600000xi32, #tpu.memory_space<hbm>> -> memref<80xi32, #tpu.memory_space<hbm>>
        %dma_start3A_158 = arith.constant 0 : i32
        %dma_start3A_159 = tpu.memref_slice %arg13[%run_scoped3A_58, %dma_start3A_158] : memref<25x80xi32, #tpu.memory_space<vmem>> -> memref<1x80xi32, #tpu.memory_space<vmem>>
        %dma_start3A_160 = tpu.memref_squeeze %dma_start3A_159 : memref<1x80xi32, #tpu.memory_space<vmem>> -> memref<80xi32, #tpu.memory_space<vmem>>
        %dma_start3A_161 = tpu.memref_slice %arg5[%add3A_57] : memref<1600000xi32, #tpu.memory_space<hbm>> -> memref<80xi32, #tpu.memory_space<hbm>>
        tpu.enqueue_dma source(%dma_start3A_161 : memref<80xi32, #tpu.memory_space<hbm>>) target(%dma_start3A_160 : memref<80xi32, #tpu.memory_space<vmem>>) target_semaphore(%run_scoped3A_154 : memref<!tpu.dma_semaphore, #tpu.memory_space<semaphore_mem>>)
        %dma_wait3A = arith.constant 0 : i32
        %dma_wait3A_162 = tpu.memref_slice %arg13[%run_scoped3A_58, %dma_wait3A] : memref<25x80xi32, #tpu.memory_space<vmem>> -> memref<1x80xi32, #tpu.memory_space<vmem>>
        %dma_wait3A_163 = tpu.memref_squeeze %dma_wait3A_162 : memref<1x80xi32, #tpu.memory_space<vmem>> -> memref<80xi32, #tpu.memory_space<vmem>>
        %dma_wait3A_164 = tpu.memref_slice %arg5[%add3A_57] : memref<1600000xi32, #tpu.memory_space<hbm>> -> memref<80xi32, #tpu.memory_space<hbm>>
        %dma_wait3A_165 = arith.constant 0 : i32
        %dma_wait3A_166 = tpu.memref_slice %arg13[%run_scoped3A_58, %dma_wait3A_165] : memref<25x80xi32, #tpu.memory_space<vmem>> -> memref<1x80xi32, #tpu.memory_space<vmem>>
        %dma_wait3A_167 = tpu.memref_squeeze %dma_wait3A_166 : memref<1x80xi32, #tpu.memory_space<vmem>> -> memref<80xi32, #tpu.memory_space<vmem>>
        %dma_wait3A_168 = tpu.memref_slice %arg5[%add3A_57] : memref<1600000xi32, #tpu.memory_space<hbm>> -> memref<80xi32, #tpu.memory_space<hbm>>
        tpu.wait_dma2 semaphore(%run_scoped3A_154 : memref<!tpu.dma_semaphore, #tpu.memory_space<semaphore_mem>>) src(%dma_wait3A_168 : memref<80xi32, #tpu.memory_space<hbm>>) dst(%dma_wait3A_167 : memref<80xi32, #tpu.memory_space<vmem>>)
        tpu.yield
      }) : () -> ()
      %add3A_59 = arith.constant 960 : i32
      %add3A_60 = arith.addi %add3A_23, %add3A_59 : i32
      %run_scoped3A_61 = arith.constant 12 : i32
      "tpu.region"() ({
        %run_scoped3A_154 = tpu.sem_alloc : memref<!tpu.dma_semaphore, #tpu.memory_space<semaphore_mem>>
        %dma_start3A = arith.constant 0 : i32
        %dma_start3A_155 = tpu.memref_slice %arg13[%run_scoped3A_61, %dma_start3A] : memref<25x80xi32, #tpu.memory_space<vmem>> -> memref<1x80xi32, #tpu.memory_space<vmem>>
        %dma_start3A_156 = tpu.memref_squeeze %dma_start3A_155 : memref<1x80xi32, #tpu.memory_space<vmem>> -> memref<80xi32, #tpu.memory_space<vmem>>
        %dma_start3A_157 = tpu.memref_slice %arg5[%add3A_60] : memref<1600000xi32, #tpu.memory_space<hbm>> -> memref<80xi32, #tpu.memory_space<hbm>>
        %dma_start3A_158 = arith.constant 0 : i32
        %dma_start3A_159 = tpu.memref_slice %arg13[%run_scoped3A_61, %dma_start3A_158] : memref<25x80xi32, #tpu.memory_space<vmem>> -> memref<1x80xi32, #tpu.memory_space<vmem>>
        %dma_start3A_160 = tpu.memref_squeeze %dma_start3A_159 : memref<1x80xi32, #tpu.memory_space<vmem>> -> memref<80xi32, #tpu.memory_space<vmem>>
        %dma_start3A_161 = tpu.memref_slice %arg5[%add3A_60] : memref<1600000xi32, #tpu.memory_space<hbm>> -> memref<80xi32, #tpu.memory_space<hbm>>
        tpu.enqueue_dma source(%dma_start3A_161 : memref<80xi32, #tpu.memory_space<hbm>>) target(%dma_start3A_160 : memref<80xi32, #tpu.memory_space<vmem>>) target_semaphore(%run_scoped3A_154 : memref<!tpu.dma_semaphore, #tpu.memory_space<semaphore_mem>>)
        %dma_wait3A = arith.constant 0 : i32
        %dma_wait3A_162 = tpu.memref_slice %arg13[%run_scoped3A_61, %dma_wait3A] : memref<25x80xi32, #tpu.memory_space<vmem>> -> memref<1x80xi32, #tpu.memory_space<vmem>>
        %dma_wait3A_163 = tpu.memref_squeeze %dma_wait3A_162 : memref<1x80xi32, #tpu.memory_space<vmem>> -> memref<80xi32, #tpu.memory_space<vmem>>
        %dma_wait3A_164 = tpu.memref_slice %arg5[%add3A_60] : memref<1600000xi32, #tpu.memory_space<hbm>> -> memref<80xi32, #tpu.memory_space<hbm>>
        %dma_wait3A_165 = arith.constant 0 : i32
        %dma_wait3A_166 = tpu.memref_slice %arg13[%run_scoped3A_61, %dma_wait3A_165] : memref<25x80xi32, #tpu.memory_space<vmem>> -> memref<1x80xi32, #tpu.memory_space<vmem>>
        %dma_wait3A_167 = tpu.memref_squeeze %dma_wait3A_166 : memref<1x80xi32, #tpu.memory_space<vmem>> -> memref<80xi32, #tpu.memory_space<vmem>>
        %dma_wait3A_168 = tpu.memref_slice %arg5[%add3A_60] : memref<1600000xi32, #tpu.memory_space<hbm>> -> memref<80xi32, #tpu.memory_space<hbm>>
        tpu.wait_dma2 semaphore(%run_scoped3A_154 : memref<!tpu.dma_semaphore, #tpu.memory_space<semaphore_mem>>) src(%dma_wait3A_168 : memref<80xi32, #tpu.memory_space<hbm>>) dst(%dma_wait3A_167 : memref<80xi32, #tpu.memory_space<vmem>>)
        tpu.yield
      }) : () -> ()
      %add3A_62 = arith.constant 1040 : i32
      %add3A_63 = arith.addi %add3A_23, %add3A_62 : i32
      %run_scoped3A_64 = arith.constant 13 : i32
      "tpu.region"() ({
        %run_scoped3A_154 = tpu.sem_alloc : memref<!tpu.dma_semaphore, #tpu.memory_space<semaphore_mem>>
        %dma_start3A = arith.constant 0 : i32
        %dma_start3A_155 = tpu.memref_slice %arg13[%run_scoped3A_64, %dma_start3A] : memref<25x80xi32, #tpu.memory_space<vmem>> -> memref<1x80xi32, #tpu.memory_space<vmem>>
        %dma_start3A_156 = tpu.memref_squeeze %dma_start3A_155 : memref<1x80xi32, #tpu.memory_space<vmem>> -> memref<80xi32, #tpu.memory_space<vmem>>
        %dma_start3A_157 = tpu.memref_slice %arg5[%add3A_63] : memref<1600000xi32, #tpu.memory_space<hbm>> -> memref<80xi32, #tpu.memory_space<hbm>>
        %dma_start3A_158 = arith.constant 0 : i32
        %dma_start3A_159 = tpu.memref_slice %arg13[%run_scoped3A_64, %dma_start3A_158] : memref<25x80xi32, #tpu.memory_space<vmem>> -> memref<1x80xi32, #tpu.memory_space<vmem>>
        %dma_start3A_160 = tpu.memref_squeeze %dma_start3A_159 : memref<1x80xi32, #tpu.memory_space<vmem>> -> memref<80xi32, #tpu.memory_space<vmem>>
        %dma_start3A_161 = tpu.memref_slice %arg5[%add3A_63] : memref<1600000xi32, #tpu.memory_space<hbm>> -> memref<80xi32, #tpu.memory_space<hbm>>
        tpu.enqueue_dma source(%dma_start3A_161 : memref<80xi32, #tpu.memory_space<hbm>>) target(%dma_start3A_160 : memref<80xi32, #tpu.memory_space<vmem>>) target_semaphore(%run_scoped3A_154 : memref<!tpu.dma_semaphore, #tpu.memory_space<semaphore_mem>>)
        %dma_wait3A = arith.constant 0 : i32
        %dma_wait3A_162 = tpu.memref_slice %arg13[%run_scoped3A_64, %dma_wait3A] : memref<25x80xi32, #tpu.memory_space<vmem>> -> memref<1x80xi32, #tpu.memory_space<vmem>>
        %dma_wait3A_163 = tpu.memref_squeeze %dma_wait3A_162 : memref<1x80xi32, #tpu.memory_space<vmem>> -> memref<80xi32, #tpu.memory_space<vmem>>
        %dma_wait3A_164 = tpu.memref_slice %arg5[%add3A_63] : memref<1600000xi32, #tpu.memory_space<hbm>> -> memref<80xi32, #tpu.memory_space<hbm>>
        %dma_wait3A_165 = arith.constant 0 : i32
        %dma_wait3A_166 = tpu.memref_slice %arg13[%run_scoped3A_64, %dma_wait3A_165] : memref<25x80xi32, #tpu.memory_space<vmem>> -> memref<1x80xi32, #tpu.memory_space<vmem>>
        %dma_wait3A_167 = tpu.memref_squeeze %dma_wait3A_166 : memref<1x80xi32, #tpu.memory_space<vmem>> -> memref<80xi32, #tpu.memory_space<vmem>>
        %dma_wait3A_168 = tpu.memref_slice %arg5[%add3A_63] : memref<1600000xi32, #tpu.memory_space<hbm>> -> memref<80xi32, #tpu.memory_space<hbm>>
        tpu.wait_dma2 semaphore(%run_scoped3A_154 : memref<!tpu.dma_semaphore, #tpu.memory_space<semaphore_mem>>) src(%dma_wait3A_168 : memref<80xi32, #tpu.memory_space<hbm>>) dst(%dma_wait3A_167 : memref<80xi32, #tpu.memory_space<vmem>>)
        tpu.yield
      }) : () -> ()
      %add3A_65 = arith.constant 1120 : i32
      %add3A_66 = arith.addi %add3A_23, %add3A_65 : i32
      %run_scoped3A_67 = arith.constant 14 : i32
      "tpu.region"() ({
        %run_scoped3A_154 = tpu.sem_alloc : memref<!tpu.dma_semaphore, #tpu.memory_space<semaphore_mem>>
        %dma_start3A = arith.constant 0 : i32
        %dma_start3A_155 = tpu.memref_slice %arg13[%run_scoped3A_67, %dma_start3A] : memref<25x80xi32, #tpu.memory_space<vmem>> -> memref<1x80xi32, #tpu.memory_space<vmem>>
        %dma_start3A_156 = tpu.memref_squeeze %dma_start3A_155 : memref<1x80xi32, #tpu.memory_space<vmem>> -> memref<80xi32, #tpu.memory_space<vmem>>
        %dma_start3A_157 = tpu.memref_slice %arg5[%add3A_66] : memref<1600000xi32, #tpu.memory_space<hbm>> -> memref<80xi32, #tpu.memory_space<hbm>>
        %dma_start3A_158 = arith.constant 0 : i32
        %dma_start3A_159 = tpu.memref_slice %arg13[%run_scoped3A_67, %dma_start3A_158] : memref<25x80xi32, #tpu.memory_space<vmem>> -> memref<1x80xi32, #tpu.memory_space<vmem>>
        %dma_start3A_160 = tpu.memref_squeeze %dma_start3A_159 : memref<1x80xi32, #tpu.memory_space<vmem>> -> memref<80xi32, #tpu.memory_space<vmem>>
        %dma_start3A_161 = tpu.memref_slice %arg5[%add3A_66] : memref<1600000xi32, #tpu.memory_space<hbm>> -> memref<80xi32, #tpu.memory_space<hbm>>
        tpu.enqueue_dma source(%dma_start3A_161 : memref<80xi32, #tpu.memory_space<hbm>>) target(%dma_start3A_160 : memref<80xi32, #tpu.memory_space<vmem>>) target_semaphore(%run_scoped3A_154 : memref<!tpu.dma_semaphore, #tpu.memory_space<semaphore_mem>>)
        %dma_wait3A = arith.constant 0 : i32
        %dma_wait3A_162 = tpu.memref_slice %arg13[%run_scoped3A_67, %dma_wait3A] : memref<25x80xi32, #tpu.memory_space<vmem>> -> memref<1x80xi32, #tpu.memory_space<vmem>>
        %dma_wait3A_163 = tpu.memref_squeeze %dma_wait3A_162 : memref<1x80xi32, #tpu.memory_space<vmem>> -> memref<80xi32, #tpu.memory_space<vmem>>
        %dma_wait3A_164 = tpu.memref_slice %arg5[%add3A_66] : memref<1600000xi32, #tpu.memory_space<hbm>> -> memref<80xi32, #tpu.memory_space<hbm>>
        %dma_wait3A_165 = arith.constant 0 : i32
        %dma_wait3A_166 = tpu.memref_slice %arg13[%run_scoped3A_67, %dma_wait3A_165] : memref<25x80xi32, #tpu.memory_space<vmem>> -> memref<1x80xi32, #tpu.memory_space<vmem>>
        %dma_wait3A_167 = tpu.memref_squeeze %dma_wait3A_166 : memref<1x80xi32, #tpu.memory_space<vmem>> -> memref<80xi32, #tpu.memory_space<vmem>>
        %dma_wait3A_168 = tpu.memref_slice %arg5[%add3A_66] : memref<1600000xi32, #tpu.memory_space<hbm>> -> memref<80xi32, #tpu.memory_space<hbm>>
        tpu.wait_dma2 semaphore(%run_scoped3A_154 : memref<!tpu.dma_semaphore, #tpu.memory_space<semaphore_mem>>) src(%dma_wait3A_168 : memref<80xi32, #tpu.memory_space<hbm>>) dst(%dma_wait3A_167 : memref<80xi32, #tpu.memory_space<vmem>>)
        tpu.yield
      }) : () -> ()
      %add3A_68 = arith.constant 1200 : i32
      %add3A_69 = arith.addi %add3A_23, %add3A_68 : i32
      %run_scoped3A_70 = arith.constant 15 : i32
      "tpu.region"() ({
        %run_scoped3A_154 = tpu.sem_alloc : memref<!tpu.dma_semaphore, #tpu.memory_space<semaphore_mem>>
        %dma_start3A = arith.constant 0 : i32
        %dma_start3A_155 = tpu.memref_slice %arg13[%run_scoped3A_70, %dma_start3A] : memref<25x80xi32, #tpu.memory_space<vmem>> -> memref<1x80xi32, #tpu.memory_space<vmem>>
        %dma_start3A_156 = tpu.memref_squeeze %dma_start3A_155 : memref<1x80xi32, #tpu.memory_space<vmem>> -> memref<80xi32, #tpu.memory_space<vmem>>
        %dma_start3A_157 = tpu.memref_slice %arg5[%add3A_69] : memref<1600000xi32, #tpu.memory_space<hbm>> -> memref<80xi32, #tpu.memory_space<hbm>>
        %dma_start3A_158 = arith.constant 0 : i32
        %dma_start3A_159 = tpu.memref_slice %arg13[%run_scoped3A_70, %dma_start3A_158] : memref<25x80xi32, #tpu.memory_space<vmem>> -> memref<1x80xi32, #tpu.memory_space<vmem>>
        %dma_start3A_160 = tpu.memref_squeeze %dma_start3A_159 : memref<1x80xi32, #tpu.memory_space<vmem>> -> memref<80xi32, #tpu.memory_space<vmem>>
        %dma_start3A_161 = tpu.memref_slice %arg5[%add3A_69] : memref<1600000xi32, #tpu.memory_space<hbm>> -> memref<80xi32, #tpu.memory_space<hbm>>
        tpu.enqueue_dma source(%dma_start3A_161 : memref<80xi32, #tpu.memory_space<hbm>>) target(%dma_start3A_160 : memref<80xi32, #tpu.memory_space<vmem>>) target_semaphore(%run_scoped3A_154 : memref<!tpu.dma_semaphore, #tpu.memory_space<semaphore_mem>>)
        %dma_wait3A = arith.constant 0 : i32
        %dma_wait3A_162 = tpu.memref_slice %arg13[%run_scoped3A_70, %dma_wait3A] : memref<25x80xi32, #tpu.memory_space<vmem>> -> memref<1x80xi32, #tpu.memory_space<vmem>>
        %dma_wait3A_163 = tpu.memref_squeeze %dma_wait3A_162 : memref<1x80xi32, #tpu.memory_space<vmem>> -> memref<80xi32, #tpu.memory_space<vmem>>
        %dma_wait3A_164 = tpu.memref_slice %arg5[%add3A_69] : memref<1600000xi32, #tpu.memory_space<hbm>> -> memref<80xi32, #tpu.memory_space<hbm>>
        %dma_wait3A_165 = arith.constant 0 : i32
        %dma_wait3A_166 = tpu.memref_slice %arg13[%run_scoped3A_70, %dma_wait3A_165] : memref<25x80xi32, #tpu.memory_space<vmem>> -> memref<1x80xi32, #tpu.memory_space<vmem>>
        %dma_wait3A_167 = tpu.memref_squeeze %dma_wait3A_166 : memref<1x80xi32, #tpu.memory_space<vmem>> -> memref<80xi32, #tpu.memory_space<vmem>>
        %dma_wait3A_168 = tpu.memref_slice %arg5[%add3A_69] : memref<1600000xi32, #tpu.memory_space<hbm>> -> memref<80xi32, #tpu.memory_space<hbm>>
        tpu.wait_dma2 semaphore(%run_scoped3A_154 : memref<!tpu.dma_semaphore, #tpu.memory_space<semaphore_mem>>) src(%dma_wait3A_168 : memref<80xi32, #tpu.memory_space<hbm>>) dst(%dma_wait3A_167 : memref<80xi32, #tpu.memory_space<vmem>>)
        tpu.yield
      }) : () -> ()
      %add3A_71 = arith.constant 1280 : i32
      %add3A_72 = arith.addi %add3A_23, %add3A_71 : i32
      %run_scoped3A_73 = arith.constant 16 : i32
      "tpu.region"() ({
        %run_scoped3A_154 = tpu.sem_alloc : memref<!tpu.dma_semaphore, #tpu.memory_space<semaphore_mem>>
        %dma_start3A = arith.constant 0 : i32
        %dma_start3A_155 = tpu.memref_slice %arg13[%run_scoped3A_73, %dma_start3A] : memref<25x80xi32, #tpu.memory_space<vmem>> -> memref<1x80xi32, #tpu.memory_space<vmem>>
        %dma_start3A_156 = tpu.memref_squeeze %dma_start3A_155 : memref<1x80xi32, #tpu.memory_space<vmem>> -> memref<80xi32, #tpu.memory_space<vmem>>
        %dma_start3A_157 = tpu.memref_slice %arg5[%add3A_72] : memref<1600000xi32, #tpu.memory_space<hbm>> -> memref<80xi32, #tpu.memory_space<hbm>>
        %dma_start3A_158 = arith.constant 0 : i32
        %dma_start3A_159 = tpu.memref_slice %arg13[%run_scoped3A_73, %dma_start3A_158] : memref<25x80xi32, #tpu.memory_space<vmem>> -> memref<1x80xi32, #tpu.memory_space<vmem>>
        %dma_start3A_160 = tpu.memref_squeeze %dma_start3A_159 : memref<1x80xi32, #tpu.memory_space<vmem>> -> memref<80xi32, #tpu.memory_space<vmem>>
        %dma_start3A_161 = tpu.memref_slice %arg5[%add3A_72] : memref<1600000xi32, #tpu.memory_space<hbm>> -> memref<80xi32, #tpu.memory_space<hbm>>
        tpu.enqueue_dma source(%dma_start3A_161 : memref<80xi32, #tpu.memory_space<hbm>>) target(%dma_start3A_160 : memref<80xi32, #tpu.memory_space<vmem>>) target_semaphore(%run_scoped3A_154 : memref<!tpu.dma_semaphore, #tpu.memory_space<semaphore_mem>>)
        %dma_wait3A = arith.constant 0 : i32
        %dma_wait3A_162 = tpu.memref_slice %arg13[%run_scoped3A_73, %dma_wait3A] : memref<25x80xi32, #tpu.memory_space<vmem>> -> memref<1x80xi32, #tpu.memory_space<vmem>>
        %dma_wait3A_163 = tpu.memref_squeeze %dma_wait3A_162 : memref<1x80xi32, #tpu.memory_space<vmem>> -> memref<80xi32, #tpu.memory_space<vmem>>
        %dma_wait3A_164 = tpu.memref_slice %arg5[%add3A_72] : memref<1600000xi32, #tpu.memory_space<hbm>> -> memref<80xi32, #tpu.memory_space<hbm>>
        %dma_wait3A_165 = arith.constant 0 : i32
        %dma_wait3A_166 = tpu.memref_slice %arg13[%run_scoped3A_73, %dma_wait3A_165] : memref<25x80xi32, #tpu.memory_space<vmem>> -> memref<1x80xi32, #tpu.memory_space<vmem>>
        %dma_wait3A_167 = tpu.memref_squeeze %dma_wait3A_166 : memref<1x80xi32, #tpu.memory_space<vmem>> -> memref<80xi32, #tpu.memory_space<vmem>>
        %dma_wait3A_168 = tpu.memref_slice %arg5[%add3A_72] : memref<1600000xi32, #tpu.memory_space<hbm>> -> memref<80xi32, #tpu.memory_space<hbm>>
        tpu.wait_dma2 semaphore(%run_scoped3A_154 : memref<!tpu.dma_semaphore, #tpu.memory_space<semaphore_mem>>) src(%dma_wait3A_168 : memref<80xi32, #tpu.memory_space<hbm>>) dst(%dma_wait3A_167 : memref<80xi32, #tpu.memory_space<vmem>>)
        tpu.yield
      }) : () -> ()
      %add3A_74 = arith.constant 1360 : i32
      %add3A_75 = arith.addi %add3A_23, %add3A_74 : i32
      %run_scoped3A_76 = arith.constant 17 : i32
      "tpu.region"() ({
        %run_scoped3A_154 = tpu.sem_alloc : memref<!tpu.dma_semaphore, #tpu.memory_space<semaphore_mem>>
        %dma_start3A = arith.constant 0 : i32
        %dma_start3A_155 = tpu.memref_slice %arg13[%run_scoped3A_76, %dma_start3A] : memref<25x80xi32, #tpu.memory_space<vmem>> -> memref<1x80xi32, #tpu.memory_space<vmem>>
        %dma_start3A_156 = tpu.memref_squeeze %dma_start3A_155 : memref<1x80xi32, #tpu.memory_space<vmem>> -> memref<80xi32, #tpu.memory_space<vmem>>
        %dma_start3A_157 = tpu.memref_slice %arg5[%add3A_75] : memref<1600000xi32, #tpu.memory_space<hbm>> -> memref<80xi32, #tpu.memory_space<hbm>>
        %dma_start3A_158 = arith.constant 0 : i32
        %dma_start3A_159 = tpu.memref_slice %arg13[%run_scoped3A_76, %dma_start3A_158] : memref<25x80xi32, #tpu.memory_space<vmem>> -> memref<1x80xi32, #tpu.memory_space<vmem>>
        %dma_start3A_160 = tpu.memref_squeeze %dma_start3A_159 : memref<1x80xi32, #tpu.memory_space<vmem>> -> memref<80xi32, #tpu.memory_space<vmem>>
        %dma_start3A_161 = tpu.memref_slice %arg5[%add3A_75] : memref<1600000xi32, #tpu.memory_space<hbm>> -> memref<80xi32, #tpu.memory_space<hbm>>
        tpu.enqueue_dma source(%dma_start3A_161 : memref<80xi32, #tpu.memory_space<hbm>>) target(%dma_start3A_160 : memref<80xi32, #tpu.memory_space<vmem>>) target_semaphore(%run_scoped3A_154 : memref<!tpu.dma_semaphore, #tpu.memory_space<semaphore_mem>>)
        %dma_wait3A = arith.constant 0 : i32
        %dma_wait3A_162 = tpu.memref_slice %arg13[%run_scoped3A_76, %dma_wait3A] : memref<25x80xi32, #tpu.memory_space<vmem>> -> memref<1x80xi32, #tpu.memory_space<vmem>>
        %dma_wait3A_163 = tpu.memref_squeeze %dma_wait3A_162 : memref<1x80xi32, #tpu.memory_space<vmem>> -> memref<80xi32, #tpu.memory_space<vmem>>
        %dma_wait3A_164 = tpu.memref_slice %arg5[%add3A_75] : memref<1600000xi32, #tpu.memory_space<hbm>> -> memref<80xi32, #tpu.memory_space<hbm>>
        %dma_wait3A_165 = arith.constant 0 : i32
        %dma_wait3A_166 = tpu.memref_slice %arg13[%run_scoped3A_76, %dma_wait3A_165] : memref<25x80xi32, #tpu.memory_space<vmem>> -> memref<1x80xi32, #tpu.memory_space<vmem>>
        %dma_wait3A_167 = tpu.memref_squeeze %dma_wait3A_166 : memref<1x80xi32, #tpu.memory_space<vmem>> -> memref<80xi32, #tpu.memory_space<vmem>>
        %dma_wait3A_168 = tpu.memref_slice %arg5[%add3A_75] : memref<1600000xi32, #tpu.memory_space<hbm>> -> memref<80xi32, #tpu.memory_space<hbm>>
        tpu.wait_dma2 semaphore(%run_scoped3A_154 : memref<!tpu.dma_semaphore, #tpu.memory_space<semaphore_mem>>) src(%dma_wait3A_168 : memref<80xi32, #tpu.memory_space<hbm>>) dst(%dma_wait3A_167 : memref<80xi32, #tpu.memory_space<vmem>>)
        tpu.yield
      }) : () -> ()
      %add3A_77 = arith.constant 1440 : i32
      %add3A_78 = arith.addi %add3A_23, %add3A_77 : i32
      %run_scoped3A_79 = arith.constant 18 : i32
      "tpu.region"() ({
        %run_scoped3A_154 = tpu.sem_alloc : memref<!tpu.dma_semaphore, #tpu.memory_space<semaphore_mem>>
        %dma_start3A = arith.constant 0 : i32
        %dma_start3A_155 = tpu.memref_slice %arg13[%run_scoped3A_79, %dma_start3A] : memref<25x80xi32, #tpu.memory_space<vmem>> -> memref<1x80xi32, #tpu.memory_space<vmem>>
        %dma_start3A_156 = tpu.memref_squeeze %dma_start3A_155 : memref<1x80xi32, #tpu.memory_space<vmem>> -> memref<80xi32, #tpu.memory_space<vmem>>
        %dma_start3A_157 = tpu.memref_slice %arg5[%add3A_78] : memref<1600000xi32, #tpu.memory_space<hbm>> -> memref<80xi32, #tpu.memory_space<hbm>>
        %dma_start3A_158 = arith.constant 0 : i32
        %dma_start3A_159 = tpu.memref_slice %arg13[%run_scoped3A_79, %dma_start3A_158] : memref<25x80xi32, #tpu.memory_space<vmem>> -> memref<1x80xi32, #tpu.memory_space<vmem>>
        %dma_start3A_160 = tpu.memref_squeeze %dma_start3A_159 : memref<1x80xi32, #tpu.memory_space<vmem>> -> memref<80xi32, #tpu.memory_space<vmem>>
        %dma_start3A_161 = tpu.memref_slice %arg5[%add3A_78] : memref<1600000xi32, #tpu.memory_space<hbm>> -> memref<80xi32, #tpu.memory_space<hbm>>
        tpu.enqueue_dma source(%dma_start3A_161 : memref<80xi32, #tpu.memory_space<hbm>>) target(%dma_start3A_160 : memref<80xi32, #tpu.memory_space<vmem>>) target_semaphore(%run_scoped3A_154 : memref<!tpu.dma_semaphore, #tpu.memory_space<semaphore_mem>>)
        %dma_wait3A = arith.constant 0 : i32
        %dma_wait3A_162 = tpu.memref_slice %arg13[%run_scoped3A_79, %dma_wait3A] : memref<25x80xi32, #tpu.memory_space<vmem>> -> memref<1x80xi32, #tpu.memory_space<vmem>>
        %dma_wait3A_163 = tpu.memref_squeeze %dma_wait3A_162 : memref<1x80xi32, #tpu.memory_space<vmem>> -> memref<80xi32, #tpu.memory_space<vmem>>
        %dma_wait3A_164 = tpu.memref_slice %arg5[%add3A_78] : memref<1600000xi32, #tpu.memory_space<hbm>> -> memref<80xi32, #tpu.memory_space<hbm>>
        %dma_wait3A_165 = arith.constant 0 : i32
        %dma_wait3A_166 = tpu.memref_slice %arg13[%run_scoped3A_79, %dma_wait3A_165] : memref<25x80xi32, #tpu.memory_space<vmem>> -> memref<1x80xi32, #tpu.memory_space<vmem>>
        %dma_wait3A_167 = tpu.memref_squeeze %dma_wait3A_166 : memref<1x80xi32, #tpu.memory_space<vmem>> -> memref<80xi32, #tpu.memory_space<vmem>>
        %dma_wait3A_168 = tpu.memref_slice %arg5[%add3A_78] : memref<1600000xi32, #tpu.memory_space<hbm>> -> memref<80xi32, #tpu.memory_space<hbm>>
        tpu.wait_dma2 semaphore(%run_scoped3A_154 : memref<!tpu.dma_semaphore, #tpu.memory_space<semaphore_mem>>) src(%dma_wait3A_168 : memref<80xi32, #tpu.memory_space<hbm>>) dst(%dma_wait3A_167 : memref<80xi32, #tpu.memory_space<vmem>>)
        tpu.yield
      }) : () -> ()
      %add3A_80 = arith.constant 1520 : i32
      %add3A_81 = arith.addi %add3A_23, %add3A_80 : i32
      %run_scoped3A_82 = arith.constant 19 : i32
      "tpu.region"() ({
        %run_scoped3A_154 = tpu.sem_alloc : memref<!tpu.dma_semaphore, #tpu.memory_space<semaphore_mem>>
        %dma_start3A = arith.constant 0 : i32
        %dma_start3A_155 = tpu.memref_slice %arg13[%run_scoped3A_82, %dma_start3A] : memref<25x80xi32, #tpu.memory_space<vmem>> -> memref<1x80xi32, #tpu.memory_space<vmem>>
        %dma_start3A_156 = tpu.memref_squeeze %dma_start3A_155 : memref<1x80xi32, #tpu.memory_space<vmem>> -> memref<80xi32, #tpu.memory_space<vmem>>
        %dma_start3A_157 = tpu.memref_slice %arg5[%add3A_81] : memref<1600000xi32, #tpu.memory_space<hbm>> -> memref<80xi32, #tpu.memory_space<hbm>>
        %dma_start3A_158 = arith.constant 0 : i32
        %dma_start3A_159 = tpu.memref_slice %arg13[%run_scoped3A_82, %dma_start3A_158] : memref<25x80xi32, #tpu.memory_space<vmem>> -> memref<1x80xi32, #tpu.memory_space<vmem>>
        %dma_start3A_160 = tpu.memref_squeeze %dma_start3A_159 : memref<1x80xi32, #tpu.memory_space<vmem>> -> memref<80xi32, #tpu.memory_space<vmem>>
        %dma_start3A_161 = tpu.memref_slice %arg5[%add3A_81] : memref<1600000xi32, #tpu.memory_space<hbm>> -> memref<80xi32, #tpu.memory_space<hbm>>
        tpu.enqueue_dma source(%dma_start3A_161 : memref<80xi32, #tpu.memory_space<hbm>>) target(%dma_start3A_160 : memref<80xi32, #tpu.memory_space<vmem>>) target_semaphore(%run_scoped3A_154 : memref<!tpu.dma_semaphore, #tpu.memory_space<semaphore_mem>>)
        %dma_wait3A = arith.constant 0 : i32
        %dma_wait3A_162 = tpu.memref_slice %arg13[%run_scoped3A_82, %dma_wait3A] : memref<25x80xi32, #tpu.memory_space<vmem>> -> memref<1x80xi32, #tpu.memory_space<vmem>>
        %dma_wait3A_163 = tpu.memref_squeeze %dma_wait3A_162 : memref<1x80xi32, #tpu.memory_space<vmem>> -> memref<80xi32, #tpu.memory_space<vmem>>
        %dma_wait3A_164 = tpu.memref_slice %arg5[%add3A_81] : memref<1600000xi32, #tpu.memory_space<hbm>> -> memref<80xi32, #tpu.memory_space<hbm>>
        %dma_wait3A_165 = arith.constant 0 : i32
        %dma_wait3A_166 = tpu.memref_slice %arg13[%run_scoped3A_82, %dma_wait3A_165] : memref<25x80xi32, #tpu.memory_space<vmem>> -> memref<1x80xi32, #tpu.memory_space<vmem>>
        %dma_wait3A_167 = tpu.memref_squeeze %dma_wait3A_166 : memref<1x80xi32, #tpu.memory_space<vmem>> -> memref<80xi32, #tpu.memory_space<vmem>>
        %dma_wait3A_168 = tpu.memref_slice %arg5[%add3A_81] : memref<1600000xi32, #tpu.memory_space<hbm>> -> memref<80xi32, #tpu.memory_space<hbm>>
        tpu.wait_dma2 semaphore(%run_scoped3A_154 : memref<!tpu.dma_semaphore, #tpu.memory_space<semaphore_mem>>) src(%dma_wait3A_168 : memref<80xi32, #tpu.memory_space<hbm>>) dst(%dma_wait3A_167 : memref<80xi32, #tpu.memory_space<vmem>>)
        tpu.yield
      }) : () -> ()
      %add3A_83 = arith.constant 1600 : i32
      %add3A_84 = arith.addi %add3A_23, %add3A_83 : i32
      %run_scoped3A_85 = arith.constant 20 : i32
      "tpu.region"() ({
        %run_scoped3A_154 = tpu.sem_alloc : memref<!tpu.dma_semaphore, #tpu.memory_space<semaphore_mem>>
        %dma_start3A = arith.constant 0 : i32
        %dma_start3A_155 = tpu.memref_slice %arg13[%run_scoped3A_85, %dma_start3A] : memref<25x80xi32, #tpu.memory_space<vmem>> -> memref<1x80xi32, #tpu.memory_space<vmem>>
        %dma_start3A_156 = tpu.memref_squeeze %dma_start3A_155 : memref<1x80xi32, #tpu.memory_space<vmem>> -> memref<80xi32, #tpu.memory_space<vmem>>
        %dma_start3A_157 = tpu.memref_slice %arg5[%add3A_84] : memref<1600000xi32, #tpu.memory_space<hbm>> -> memref<80xi32, #tpu.memory_space<hbm>>
        %dma_start3A_158 = arith.constant 0 : i32
        %dma_start3A_159 = tpu.memref_slice %arg13[%run_scoped3A_85, %dma_start3A_158] : memref<25x80xi32, #tpu.memory_space<vmem>> -> memref<1x80xi32, #tpu.memory_space<vmem>>
        %dma_start3A_160 = tpu.memref_squeeze %dma_start3A_159 : memref<1x80xi32, #tpu.memory_space<vmem>> -> memref<80xi32, #tpu.memory_space<vmem>>
        %dma_start3A_161 = tpu.memref_slice %arg5[%add3A_84] : memref<1600000xi32, #tpu.memory_space<hbm>> -> memref<80xi32, #tpu.memory_space<hbm>>
        tpu.enqueue_dma source(%dma_start3A_161 : memref<80xi32, #tpu.memory_space<hbm>>) target(%dma_start3A_160 : memref<80xi32, #tpu.memory_space<vmem>>) target_semaphore(%run_scoped3A_154 : memref<!tpu.dma_semaphore, #tpu.memory_space<semaphore_mem>>)
        %dma_wait3A = arith.constant 0 : i32
        %dma_wait3A_162 = tpu.memref_slice %arg13[%run_scoped3A_85, %dma_wait3A] : memref<25x80xi32, #tpu.memory_space<vmem>> -> memref<1x80xi32, #tpu.memory_space<vmem>>
        %dma_wait3A_163 = tpu.memref_squeeze %dma_wait3A_162 : memref<1x80xi32, #tpu.memory_space<vmem>> -> memref<80xi32, #tpu.memory_space<vmem>>
        %dma_wait3A_164 = tpu.memref_slice %arg5[%add3A_84] : memref<1600000xi32, #tpu.memory_space<hbm>> -> memref<80xi32, #tpu.memory_space<hbm>>
        %dma_wait3A_165 = arith.constant 0 : i32
        %dma_wait3A_166 = tpu.memref_slice %arg13[%run_scoped3A_85, %dma_wait3A_165] : memref<25x80xi32, #tpu.memory_space<vmem>> -> memref<1x80xi32, #tpu.memory_space<vmem>>
        %dma_wait3A_167 = tpu.memref_squeeze %dma_wait3A_166 : memref<1x80xi32, #tpu.memory_space<vmem>> -> memref<80xi32, #tpu.memory_space<vmem>>
        %dma_wait3A_168 = tpu.memref_slice %arg5[%add3A_84] : memref<1600000xi32, #tpu.memory_space<hbm>> -> memref<80xi32, #tpu.memory_space<hbm>>
        tpu.wait_dma2 semaphore(%run_scoped3A_154 : memref<!tpu.dma_semaphore, #tpu.memory_space<semaphore_mem>>) src(%dma_wait3A_168 : memref<80xi32, #tpu.memory_space<hbm>>) dst(%dma_wait3A_167 : memref<80xi32, #tpu.memory_space<vmem>>)
        tpu.yield
      }) : () -> ()
      %add3A_86 = arith.constant 1680 : i32
      %add3A_87 = arith.addi %add3A_23, %add3A_86 : i32
      %run_scoped3A_88 = arith.constant 21 : i32
      "tpu.region"() ({
        %run_scoped3A_154 = tpu.sem_alloc : memref<!tpu.dma_semaphore, #tpu.memory_space<semaphore_mem>>
        %dma_start3A = arith.constant 0 : i32
        %dma_start3A_155 = tpu.memref_slice %arg13[%run_scoped3A_88, %dma_start3A] : memref<25x80xi32, #tpu.memory_space<vmem>> -> memref<1x80xi32, #tpu.memory_space<vmem>>
        %dma_start3A_156 = tpu.memref_squeeze %dma_start3A_155 : memref<1x80xi32, #tpu.memory_space<vmem>> -> memref<80xi32, #tpu.memory_space<vmem>>
        %dma_start3A_157 = tpu.memref_slice %arg5[%add3A_87] : memref<1600000xi32, #tpu.memory_space<hbm>> -> memref<80xi32, #tpu.memory_space<hbm>>
        %dma_start3A_158 = arith.constant 0 : i32
        %dma_start3A_159 = tpu.memref_slice %arg13[%run_scoped3A_88, %dma_start3A_158] : memref<25x80xi32, #tpu.memory_space<vmem>> -> memref<1x80xi32, #tpu.memory_space<vmem>>
        %dma_start3A_160 = tpu.memref_squeeze %dma_start3A_159 : memref<1x80xi32, #tpu.memory_space<vmem>> -> memref<80xi32, #tpu.memory_space<vmem>>
        %dma_start3A_161 = tpu.memref_slice %arg5[%add3A_87] : memref<1600000xi32, #tpu.memory_space<hbm>> -> memref<80xi32, #tpu.memory_space<hbm>>
        tpu.enqueue_dma source(%dma_start3A_161 : memref<80xi32, #tpu.memory_space<hbm>>) target(%dma_start3A_160 : memref<80xi32, #tpu.memory_space<vmem>>) target_semaphore(%run_scoped3A_154 : memref<!tpu.dma_semaphore, #tpu.memory_space<semaphore_mem>>)
        %dma_wait3A = arith.constant 0 : i32
        %dma_wait3A_162 = tpu.memref_slice %arg13[%run_scoped3A_88, %dma_wait3A] : memref<25x80xi32, #tpu.memory_space<vmem>> -> memref<1x80xi32, #tpu.memory_space<vmem>>
        %dma_wait3A_163 = tpu.memref_squeeze %dma_wait3A_162 : memref<1x80xi32, #tpu.memory_space<vmem>> -> memref<80xi32, #tpu.memory_space<vmem>>
        %dma_wait3A_164 = tpu.memref_slice %arg5[%add3A_87] : memref<1600000xi32, #tpu.memory_space<hbm>> -> memref<80xi32, #tpu.memory_space<hbm>>
        %dma_wait3A_165 = arith.constant 0 : i32
        %dma_wait3A_166 = tpu.memref_slice %arg13[%run_scoped3A_88, %dma_wait3A_165] : memref<25x80xi32, #tpu.memory_space<vmem>> -> memref<1x80xi32, #tpu.memory_space<vmem>>
        %dma_wait3A_167 = tpu.memref_squeeze %dma_wait3A_166 : memref<1x80xi32, #tpu.memory_space<vmem>> -> memref<80xi32, #tpu.memory_space<vmem>>
        %dma_wait3A_168 = tpu.memref_slice %arg5[%add3A_87] : memref<1600000xi32, #tpu.memory_space<hbm>> -> memref<80xi32, #tpu.memory_space<hbm>>
        tpu.wait_dma2 semaphore(%run_scoped3A_154 : memref<!tpu.dma_semaphore, #tpu.memory_space<semaphore_mem>>) src(%dma_wait3A_168 : memref<80xi32, #tpu.memory_space<hbm>>) dst(%dma_wait3A_167 : memref<80xi32, #tpu.memory_space<vmem>>)
        tpu.yield
      }) : () -> ()
      %add3A_89 = arith.constant 1760 : i32
      %add3A_90 = arith.addi %add3A_23, %add3A_89 : i32
      %run_scoped3A_91 = arith.constant 22 : i32
      "tpu.region"() ({
        %run_scoped3A_154 = tpu.sem_alloc : memref<!tpu.dma_semaphore, #tpu.memory_space<semaphore_mem>>
        %dma_start3A = arith.constant 0 : i32
        %dma_start3A_155 = tpu.memref_slice %arg13[%run_scoped3A_91, %dma_start3A] : memref<25x80xi32, #tpu.memory_space<vmem>> -> memref<1x80xi32, #tpu.memory_space<vmem>>
        %dma_start3A_156 = tpu.memref_squeeze %dma_start3A_155 : memref<1x80xi32, #tpu.memory_space<vmem>> -> memref<80xi32, #tpu.memory_space<vmem>>
        %dma_start3A_157 = tpu.memref_slice %arg5[%add3A_90] : memref<1600000xi32, #tpu.memory_space<hbm>> -> memref<80xi32, #tpu.memory_space<hbm>>
        %dma_start3A_158 = arith.constant 0 : i32
        %dma_start3A_159 = tpu.memref_slice %arg13[%run_scoped3A_91, %dma_start3A_158] : memref<25x80xi32, #tpu.memory_space<vmem>> -> memref<1x80xi32, #tpu.memory_space<vmem>>
        %dma_start3A_160 = tpu.memref_squeeze %dma_start3A_159 : memref<1x80xi32, #tpu.memory_space<vmem>> -> memref<80xi32, #tpu.memory_space<vmem>>
        %dma_start3A_161 = tpu.memref_slice %arg5[%add3A_90] : memref<1600000xi32, #tpu.memory_space<hbm>> -> memref<80xi32, #tpu.memory_space<hbm>>
        tpu.enqueue_dma source(%dma_start3A_161 : memref<80xi32, #tpu.memory_space<hbm>>) target(%dma_start3A_160 : memref<80xi32, #tpu.memory_space<vmem>>) target_semaphore(%run_scoped3A_154 : memref<!tpu.dma_semaphore, #tpu.memory_space<semaphore_mem>>)
        %dma_wait3A = arith.constant 0 : i32
        %dma_wait3A_162 = tpu.memref_slice %arg13[%run_scoped3A_91, %dma_wait3A] : memref<25x80xi32, #tpu.memory_space<vmem>> -> memref<1x80xi32, #tpu.memory_space<vmem>>
        %dma_wait3A_163 = tpu.memref_squeeze %dma_wait3A_162 : memref<1x80xi32, #tpu.memory_space<vmem>> -> memref<80xi32, #tpu.memory_space<vmem>>
        %dma_wait3A_164 = tpu.memref_slice %arg5[%add3A_90] : memref<1600000xi32, #tpu.memory_space<hbm>> -> memref<80xi32, #tpu.memory_space<hbm>>
        %dma_wait3A_165 = arith.constant 0 : i32
        %dma_wait3A_166 = tpu.memref_slice %arg13[%run_scoped3A_91, %dma_wait3A_165] : memref<25x80xi32, #tpu.memory_space<vmem>> -> memref<1x80xi32, #tpu.memory_space<vmem>>
        %dma_wait3A_167 = tpu.memref_squeeze %dma_wait3A_166 : memref<1x80xi32, #tpu.memory_space<vmem>> -> memref<80xi32, #tpu.memory_space<vmem>>
        %dma_wait3A_168 = tpu.memref_slice %arg5[%add3A_90] : memref<1600000xi32, #tpu.memory_space<hbm>> -> memref<80xi32, #tpu.memory_space<hbm>>
        tpu.wait_dma2 semaphore(%run_scoped3A_154 : memref<!tpu.dma_semaphore, #tpu.memory_space<semaphore_mem>>) src(%dma_wait3A_168 : memref<80xi32, #tpu.memory_space<hbm>>) dst(%dma_wait3A_167 : memref<80xi32, #tpu.memory_space<vmem>>)
        tpu.yield
      }) : () -> ()
      %add3A_92 = arith.constant 1840 : i32
      %add3A_93 = arith.addi %add3A_23, %add3A_92 : i32
      %run_scoped3A_94 = arith.constant 23 : i32
      "tpu.region"() ({
        %run_scoped3A_154 = tpu.sem_alloc : memref<!tpu.dma_semaphore, #tpu.memory_space<semaphore_mem>>
        %dma_start3A = arith.constant 0 : i32
        %dma_start3A_155 = tpu.memref_slice %arg13[%run_scoped3A_94, %dma_start3A] : memref<25x80xi32, #tpu.memory_space<vmem>> -> memref<1x80xi32, #tpu.memory_space<vmem>>
        %dma_start3A_156 = tpu.memref_squeeze %dma_start3A_155 : memref<1x80xi32, #tpu.memory_space<vmem>> -> memref<80xi32, #tpu.memory_space<vmem>>
        %dma_start3A_157 = tpu.memref_slice %arg5[%add3A_93] : memref<1600000xi32, #tpu.memory_space<hbm>> -> memref<80xi32, #tpu.memory_space<hbm>>
        %dma_start3A_158 = arith.constant 0 : i32
        %dma_start3A_159 = tpu.memref_slice %arg13[%run_scoped3A_94, %dma_start3A_158] : memref<25x80xi32, #tpu.memory_space<vmem>> -> memref<1x80xi32, #tpu.memory_space<vmem>>
        %dma_start3A_160 = tpu.memref_squeeze %dma_start3A_159 : memref<1x80xi32, #tpu.memory_space<vmem>> -> memref<80xi32, #tpu.memory_space<vmem>>
        %dma_start3A_161 = tpu.memref_slice %arg5[%add3A_93] : memref<1600000xi32, #tpu.memory_space<hbm>> -> memref<80xi32, #tpu.memory_space<hbm>>
        tpu.enqueue_dma source(%dma_start3A_161 : memref<80xi32, #tpu.memory_space<hbm>>) target(%dma_start3A_160 : memref<80xi32, #tpu.memory_space<vmem>>) target_semaphore(%run_scoped3A_154 : memref<!tpu.dma_semaphore, #tpu.memory_space<semaphore_mem>>)
        %dma_wait3A = arith.constant 0 : i32
        %dma_wait3A_162 = tpu.memref_slice %arg13[%run_scoped3A_94, %dma_wait3A] : memref<25x80xi32, #tpu.memory_space<vmem>> -> memref<1x80xi32, #tpu.memory_space<vmem>>
        %dma_wait3A_163 = tpu.memref_squeeze %dma_wait3A_162 : memref<1x80xi32, #tpu.memory_space<vmem>> -> memref<80xi32, #tpu.memory_space<vmem>>
        %dma_wait3A_164 = tpu.memref_slice %arg5[%add3A_93] : memref<1600000xi32, #tpu.memory_space<hbm>> -> memref<80xi32, #tpu.memory_space<hbm>>
        %dma_wait3A_165 = arith.constant 0 : i32
        %dma_wait3A_166 = tpu.memref_slice %arg13[%run_scoped3A_94, %dma_wait3A_165] : memref<25x80xi32, #tpu.memory_space<vmem>> -> memref<1x80xi32, #tpu.memory_space<vmem>>
        %dma_wait3A_167 = tpu.memref_squeeze %dma_wait3A_166 : memref<1x80xi32, #tpu.memory_space<vmem>> -> memref<80xi32, #tpu.memory_space<vmem>>
        %dma_wait3A_168 = tpu.memref_slice %arg5[%add3A_93] : memref<1600000xi32, #tpu.memory_space<hbm>> -> memref<80xi32, #tpu.memory_space<hbm>>
        tpu.wait_dma2 semaphore(%run_scoped3A_154 : memref<!tpu.dma_semaphore, #tpu.memory_space<semaphore_mem>>) src(%dma_wait3A_168 : memref<80xi32, #tpu.memory_space<hbm>>) dst(%dma_wait3A_167 : memref<80xi32, #tpu.memory_space<vmem>>)
        tpu.yield
      }) : () -> ()
      %add3A_95 = arith.constant 1920 : i32
      %add3A_96 = arith.addi %add3A_23, %add3A_95 : i32
      %run_scoped3A_97 = arith.constant 24 : i32
      "tpu.region"() ({
        %run_scoped3A_154 = tpu.sem_alloc : memref<!tpu.dma_semaphore, #tpu.memory_space<semaphore_mem>>
        %dma_start3A = arith.constant 0 : i32
        %dma_start3A_155 = tpu.memref_slice %arg13[%run_scoped3A_97, %dma_start3A] : memref<25x80xi32, #tpu.memory_space<vmem>> -> memref<1x80xi32, #tpu.memory_space<vmem>>
        %dma_start3A_156 = tpu.memref_squeeze %dma_start3A_155 : memref<1x80xi32, #tpu.memory_space<vmem>> -> memref<80xi32, #tpu.memory_space<vmem>>
        %dma_start3A_157 = tpu.memref_slice %arg5[%add3A_96] : memref<1600000xi32, #tpu.memory_space<hbm>> -> memref<80xi32, #tpu.memory_space<hbm>>
        %dma_start3A_158 = arith.constant 0 : i32
        %dma_start3A_159 = tpu.memref_slice %arg13[%run_scoped3A_97, %dma_start3A_158] : memref<25x80xi32, #tpu.memory_space<vmem>> -> memref<1x80xi32, #tpu.memory_space<vmem>>
        %dma_start3A_160 = tpu.memref_squeeze %dma_start3A_159 : memref<1x80xi32, #tpu.memory_space<vmem>> -> memref<80xi32, #tpu.memory_space<vmem>>
        %dma_start3A_161 = tpu.memref_slice %arg5[%add3A_96] : memref<1600000xi32, #tpu.memory_space<hbm>> -> memref<80xi32, #tpu.memory_space<hbm>>
        tpu.enqueue_dma source(%dma_start3A_161 : memref<80xi32, #tpu.memory_space<hbm>>) target(%dma_start3A_160 : memref<80xi32, #tpu.memory_space<vmem>>) target_semaphore(%run_scoped3A_154 : memref<!tpu.dma_semaphore, #tpu.memory_space<semaphore_mem>>)
        %dma_wait3A = arith.constant 0 : i32
        %dma_wait3A_162 = tpu.memref_slice %arg13[%run_scoped3A_97, %dma_wait3A] : memref<25x80xi32, #tpu.memory_space<vmem>> -> memref<1x80xi32, #tpu.memory_space<vmem>>
        %dma_wait3A_163 = tpu.memref_squeeze %dma_wait3A_162 : memref<1x80xi32, #tpu.memory_space<vmem>> -> memref<80xi32, #tpu.memory_space<vmem>>
        %dma_wait3A_164 = tpu.memref_slice %arg5[%add3A_96] : memref<1600000xi32, #tpu.memory_space<hbm>> -> memref<80xi32, #tpu.memory_space<hbm>>
        %dma_wait3A_165 = arith.constant 0 : i32
        %dma_wait3A_166 = tpu.memref_slice %arg13[%run_scoped3A_97, %dma_wait3A_165] : memref<25x80xi32, #tpu.memory_space<vmem>> -> memref<1x80xi32, #tpu.memory_space<vmem>>
        %dma_wait3A_167 = tpu.memref_squeeze %dma_wait3A_166 : memref<1x80xi32, #tpu.memory_space<vmem>> -> memref<80xi32, #tpu.memory_space<vmem>>
        %dma_wait3A_168 = tpu.memref_slice %arg5[%add3A_96] : memref<1600000xi32, #tpu.memory_space<hbm>> -> memref<80xi32, #tpu.memory_space<hbm>>
        tpu.wait_dma2 semaphore(%run_scoped3A_154 : memref<!tpu.dma_semaphore, #tpu.memory_space<semaphore_mem>>) src(%dma_wait3A_168 : memref<80xi32, #tpu.memory_space<hbm>>) dst(%dma_wait3A_167 : memref<80xi32, #tpu.memory_space<vmem>>)
        tpu.yield
      }) : () -> ()
      "tpu.region"() ({
        %run_scoped3A_154 = tpu.sem_alloc : memref<!tpu.dma_semaphore, #tpu.memory_space<semaphore_mem>>
        %dma_start3A = tpu.memref_slice %arg6[%add3A_23] : memref<1600000xf32, #tpu.memory_space<hbm>> -> memref<2000xf32, #tpu.memory_space<hbm>>
        %dma_start3A_155 = tpu.memref_slice %arg6[%add3A_23] : memref<1600000xf32, #tpu.memory_space<hbm>> -> memref<2000xf32, #tpu.memory_space<hbm>>
        tpu.enqueue_dma source(%dma_start3A_155 : memref<2000xf32, #tpu.memory_space<hbm>>) target(%arg14 : memref<2000xf32, #tpu.memory_space<vmem>>) target_semaphore(%run_scoped3A_154 : memref<!tpu.dma_semaphore, #tpu.memory_space<semaphore_mem>>)
        %dma_wait3A = tpu.memref_slice %arg6[%add3A_23] : memref<1600000xf32, #tpu.memory_space<hbm>> -> memref<2000xf32, #tpu.memory_space<hbm>>
        %dma_wait3A_156 = tpu.memref_slice %arg6[%add3A_23] : memref<1600000xf32, #tpu.memory_space<hbm>> -> memref<2000xf32, #tpu.memory_space<hbm>>
        tpu.wait_dma2 semaphore(%run_scoped3A_154 : memref<!tpu.dma_semaphore, #tpu.memory_space<semaphore_mem>>) src(%dma_wait3A_156 : memref<2000xf32, #tpu.memory_space<hbm>>) dst(%arg14 : memref<2000xf32, #tpu.memory_space<vmem>>)
        tpu.yield
      }) : () -> ()
      "tpu.region"() ({
        %run_scoped3A_154 = tpu.sem_alloc : memref<!tpu.dma_semaphore, #tpu.memory_space<semaphore_mem>>
        %dma_start3A = tpu.memref_slice %arg7[%add3A_23] : memref<1600000xf32, #tpu.memory_space<hbm>> -> memref<2000xf32, #tpu.memory_space<hbm>>
        %dma_start3A_155 = tpu.memref_slice %arg7[%add3A_23] : memref<1600000xf32, #tpu.memory_space<hbm>> -> memref<2000xf32, #tpu.memory_space<hbm>>
        tpu.enqueue_dma source(%dma_start3A_155 : memref<2000xf32, #tpu.memory_space<hbm>>) target(%arg15 : memref<2000xf32, #tpu.memory_space<vmem>>) target_semaphore(%run_scoped3A_154 : memref<!tpu.dma_semaphore, #tpu.memory_space<semaphore_mem>>)
        %dma_wait3A = tpu.memref_slice %arg7[%add3A_23] : memref<1600000xf32, #tpu.memory_space<hbm>> -> memref<2000xf32, #tpu.memory_space<hbm>>
        %dma_wait3A_156 = tpu.memref_slice %arg7[%add3A_23] : memref<1600000xf32, #tpu.memory_space<hbm>> -> memref<2000xf32, #tpu.memory_space<hbm>>
        tpu.wait_dma2 semaphore(%run_scoped3A_154 : memref<!tpu.dma_semaphore, #tpu.memory_space<semaphore_mem>>) src(%dma_wait3A_156 : memref<2000xf32, #tpu.memory_space<hbm>>) dst(%arg15 : memref<2000xf32, #tpu.memory_space<vmem>>)
        tpu.yield
      }) : () -> ()
      "tpu.region"() ({
        %run_scoped3A_154 = tpu.sem_alloc : memref<!tpu.dma_semaphore, #tpu.memory_space<semaphore_mem>>
        %dma_start3A = arith.constant 0 : i32
        %dma_start3A_155 = tpu.memref_slice %arg24[%dma_start3A] : memref<50048xf32, #tpu.memory_space<vmem_shared>> -> memref<50048xf32, #tpu.memory_space<vmem_shared>>
        tpu.enqueue_indirect_dma source(%dma_start3A_155 : memref<50048xf32, #tpu.memory_space<vmem_shared>>) target(%arg16 : memref<2000xf32, #tpu.memory_space<vmem>>) offsets(%arg11 : memref<2000xi32, #tpu.memory_space<vmem>>) semaphore(%run_scoped3A_154 : memref<!tpu.dma_semaphore, #tpu.memory_space<semaphore_mem>>)
        %dma_wait3A = arith.constant 0 : i32
        %dma_wait3A_156 = tpu.memref_slice %arg24[%dma_wait3A] : memref<50048xf32, #tpu.memory_space<vmem_shared>> -> memref<50048xf32, #tpu.memory_space<vmem_shared>>
        tpu.wait_indirect_dma semaphore(%run_scoped3A_154 : memref<!tpu.dma_semaphore, #tpu.memory_space<semaphore_mem>>) src(%dma_wait3A_156 : memref<50048xf32, #tpu.memory_space<vmem_shared>>) dst(%arg16 : memref<2000xf32, #tpu.memory_space<vmem>>)
        tpu.yield
      }) : () -> ()
      "tpu.region"() ({
        %run_scoped3A_154 = tpu.sem_alloc : memref<!tpu.dma_semaphore, #tpu.memory_space<semaphore_mem>>
        %dma_start3A = arith.constant 0 : i32
        %dma_start3A_155 = tpu.memref_slice %arg25[%dma_start3A] : memref<50048xf32, #tpu.memory_space<vmem_shared>> -> memref<50048xf32, #tpu.memory_space<vmem_shared>>
        tpu.enqueue_indirect_dma source(%dma_start3A_155 : memref<50048xf32, #tpu.memory_space<vmem_shared>>) target(%arg17 : memref<2000xf32, #tpu.memory_space<vmem>>) offsets(%arg11 : memref<2000xi32, #tpu.memory_space<vmem>>) semaphore(%run_scoped3A_154 : memref<!tpu.dma_semaphore, #tpu.memory_space<semaphore_mem>>)
        %dma_wait3A = arith.constant 0 : i32
        %dma_wait3A_156 = tpu.memref_slice %arg25[%dma_wait3A] : memref<50048xf32, #tpu.memory_space<vmem_shared>> -> memref<50048xf32, #tpu.memory_space<vmem_shared>>
        tpu.wait_indirect_dma semaphore(%run_scoped3A_154 : memref<!tpu.dma_semaphore, #tpu.memory_space<semaphore_mem>>) src(%dma_wait3A_156 : memref<50048xf32, #tpu.memory_space<vmem_shared>>) dst(%arg17 : memref<2000xf32, #tpu.memory_space<vmem>>)
        tpu.yield
      }) : () -> ()
      "tpu.region"() ({
        %run_scoped3A_154 = tpu.sem_alloc : memref<!tpu.dma_semaphore, #tpu.memory_space<semaphore_mem>>
        %dma_start3A = arith.constant 0 : i32
        %dma_start3A_155 = tpu.memref_slice %arg24[%dma_start3A] : memref<50048xf32, #tpu.memory_space<vmem_shared>> -> memref<50048xf32, #tpu.memory_space<vmem_shared>>
        tpu.enqueue_indirect_dma source(%dma_start3A_155 : memref<50048xf32, #tpu.memory_space<vmem_shared>>) target(%arg18 : memref<2000xf32, #tpu.memory_space<vmem>>) offsets(%arg12 : memref<2000xi32, #tpu.memory_space<vmem>>) semaphore(%run_scoped3A_154 : memref<!tpu.dma_semaphore, #tpu.memory_space<semaphore_mem>>)
        %dma_wait3A = arith.constant 0 : i32
        %dma_wait3A_156 = tpu.memref_slice %arg24[%dma_wait3A] : memref<50048xf32, #tpu.memory_space<vmem_shared>> -> memref<50048xf32, #tpu.memory_space<vmem_shared>>
        tpu.wait_indirect_dma semaphore(%run_scoped3A_154 : memref<!tpu.dma_semaphore, #tpu.memory_space<semaphore_mem>>) src(%dma_wait3A_156 : memref<50048xf32, #tpu.memory_space<vmem_shared>>) dst(%arg18 : memref<2000xf32, #tpu.memory_space<vmem>>)
        tpu.yield
      }) : () -> ()
      "tpu.region"() ({
        %run_scoped3A_154 = tpu.sem_alloc : memref<!tpu.dma_semaphore, #tpu.memory_space<semaphore_mem>>
        %dma_start3A = arith.constant 0 : i32
        %dma_start3A_155 = tpu.memref_slice %arg25[%dma_start3A] : memref<50048xf32, #tpu.memory_space<vmem_shared>> -> memref<50048xf32, #tpu.memory_space<vmem_shared>>
        tpu.enqueue_indirect_dma source(%dma_start3A_155 : memref<50048xf32, #tpu.memory_space<vmem_shared>>) target(%arg19 : memref<2000xf32, #tpu.memory_space<vmem>>) offsets(%arg12 : memref<2000xi32, #tpu.memory_space<vmem>>) semaphore(%run_scoped3A_154 : memref<!tpu.dma_semaphore, #tpu.memory_space<semaphore_mem>>)
        %dma_wait3A = arith.constant 0 : i32
        %dma_wait3A_156 = tpu.memref_slice %arg25[%dma_wait3A] : memref<50048xf32, #tpu.memory_space<vmem_shared>> -> memref<50048xf32, #tpu.memory_space<vmem_shared>>
        tpu.wait_indirect_dma semaphore(%run_scoped3A_154 : memref<!tpu.dma_semaphore, #tpu.memory_space<semaphore_mem>>) src(%dma_wait3A_156 : memref<50048xf32, #tpu.memory_space<vmem_shared>>) dst(%arg19 : memref<2000xf32, #tpu.memory_space<vmem>>)
        tpu.yield
      }) : () -> ()
      %scan3A_98 = arith.constant 0 : i32
      %scan3A_99 = arith.constant 0 : i32
      %scan3A_100 = arith.constant 125 : i32
      %scan3A_101 = arith.addi %scan3A_99, %scan3A_100 : i32
      %scan3A_102 = arith.constant 1 : i32
      scf.for %scan3A_154 = %scan3A_99 to %scan3A_101 step %scan3A_102  : i32 {
        %mul3A_155 = arith.constant 16 : i32
        %mul3A_156 = arith.muli %scan3A_154, %mul3A_155 : i32
        %iota3A = tpu.iota {dimensions = array<i32: 0>} : vector<16xi32>
        %add3A_157 = vector.broadcast %mul3A_156 : i32 to vector<16xi32>
        %add3A_158 = arith.addi %iota3A, %add3A_157 : vector<16xi32>
        %get3A = arith.index_cast %mul3A_156 : i32 to index
        %get3A_159 = tpu.vector_load %arg14[%get3A] {strides = array<i32>} : memref<2000xf32, #tpu.memory_space<vmem>>, vector<16xf32>,
        %get3A_160 = arith.index_cast %mul3A_156 : i32 to index
        %get3A_161 = tpu.vector_load %arg15[%get3A_160] {strides = array<i32>} : memref<2000xf32, #tpu.memory_space<vmem>>, vector<16xf32>,
        %get3A_162 = arith.index_cast %mul3A_156 : i32 to index
        %get3A_163 = tpu.vector_load %arg18[%get3A_162] {strides = array<i32>} : memref<2000xf32, #tpu.memory_space<vmem>>, vector<16xf32>,
        %get3A_164 = arith.index_cast %mul3A_156 : i32 to index
        %get3A_165 = tpu.vector_load %arg16[%get3A_164] {strides = array<i32>} : memref<2000xf32, #tpu.memory_space<vmem>>, vector<16xf32>,
        %sub3A = arith.subf %get3A_163, %get3A_165 : vector<16xf32>
        %get3A_166 = arith.index_cast %mul3A_156 : i32 to index
        %get3A_167 = tpu.vector_load %arg19[%get3A_166] {strides = array<i32>} : memref<2000xf32, #tpu.memory_space<vmem>>, vector<16xf32>,
        %get3A_168 = arith.index_cast %mul3A_156 : i32 to index
        %get3A_169 = tpu.vector_load %arg17[%get3A_168] {strides = array<i32>} : memref<2000xf32, #tpu.memory_space<vmem>>, vector<16xf32>,
        %sub3A_170 = arith.subf %get3A_167, %get3A_169 : vector<16xf32>
        %mul3A_171 = arith.mulf %sub3A, %sub3A : vector<16xf32>
        %mul3A_172 = arith.mulf %sub3A_170, %sub3A_170 : vector<16xf32>
        %add3A_173 = arith.addf %mul3A_171, %mul3A_172 : vector<16xf32>
        %bitcast3A = vector.bitcast %add3A_173 : vector<16xf32> to vector<16xi32>
        %shift_right_arithmetic3A = arith.constant 1 : i32
        %shift_right_arithmetic3A_174 = vector.broadcast %shift_right_arithmetic3A : i32 to vector<16xi32>
        %shift_right_arithmetic3A_175 = arith.shrsi %bitcast3A, %shift_right_arithmetic3A_174 : vector<16xi32>
        %sub3A_176 = arith.constant 1597463007 : i32
        %sub3A_177 = vector.broadcast %sub3A_176 : i32 to vector<16xi32>
        %sub3A_178 = arith.subi %sub3A_177, %shift_right_arithmetic3A_175 : vector<16xi32>
        %bitcast3A_179 = vector.bitcast %sub3A_178 : vector<16xi32> to vector<16xf32>
        %mul3A_180 = arith.constant 5.000000e-01 : f32
        %mul3A_181 = vector.broadcast %mul3A_180 : f32 to vector<16xf32>
        %mul3A_182 = arith.mulf %mul3A_181, %add3A_173 : vector<16xf32>
        %mul3A_183 = arith.mulf %mul3A_182, %bitcast3A_179 : vector<16xf32>
        %mul3A_184 = arith.mulf %mul3A_183, %bitcast3A_179 : vector<16xf32>
        %sub3A_185 = arith.constant 1.500000e+00 : f32
        %sub3A_186 = vector.broadcast %sub3A_185 : f32 to vector<16xf32>
        %sub3A_187 = arith.subf %sub3A_186, %mul3A_184 : vector<16xf32>
        %mul3A_188 = arith.mulf %bitcast3A_179, %sub3A_187 : vector<16xf32>
        %mul3A_189 = arith.mulf %mul3A_182, %mul3A_188 : vector<16xf32>
        %mul3A_190 = arith.mulf %mul3A_189, %mul3A_188 : vector<16xf32>
        %sub3A_191 = arith.constant 1.500000e+00 : f32
        %sub3A_192 = vector.broadcast %sub3A_191 : f32 to vector<16xf32>
        %sub3A_193 = arith.subf %sub3A_192, %mul3A_190 : vector<16xf32>
        %mul3A_194 = arith.mulf %mul3A_188, %sub3A_193 : vector<16xf32>
        %mul3A_195 = arith.mulf %mul3A_182, %mul3A_194 : vector<16xf32>
        %mul3A_196 = arith.mulf %mul3A_195, %mul3A_194 : vector<16xf32>
        %sub3A_197 = arith.constant 1.500000e+00 : f32
        %sub3A_198 = vector.broadcast %sub3A_197 : f32 to vector<16xf32>
        %sub3A_199 = arith.subf %sub3A_198, %mul3A_196 : vector<16xf32>
        %mul3A_200 = arith.mulf %mul3A_194, %sub3A_199 : vector<16xf32>
        %mul3A_201 = arith.mulf %get3A_161, %mul3A_200 : vector<16xf32>
        %sub3A_202 = arith.constant 1.000000e+00 : f32
        %sub3A_203 = vector.broadcast %sub3A_202 : f32 to vector<16xf32>
        %sub3A_204 = arith.subf %mul3A_201, %sub3A_203 : vector<16xf32>
        %mul3A_205 = arith.mulf %get3A_159, %sub3A_204 : vector<16xf32>
        %mul3A_206 = arith.mulf %mul3A_205, %sub3A : vector<16xf32>
        %mul3A_207 = arith.mulf %mul3A_205, %sub3A_170 : vector<16xf32>
        %swap3A = arith.index_cast %mul3A_156 : i32 to index
        %swap3A_208 = tpu.vector_load %arg20[%swap3A] {strides = array<i32>} : memref<2000xf32, #tpu.memory_space<vmem>>, vector<16xf32>,
        tpu.vector_store %arg20[%swap3A], %mul3A_206 {strides = array<i32>} : memref<2000xf32, #tpu.memory_space<vmem>>, vector<16xf32>,
        %swap3A_209 = arith.index_cast %mul3A_156 : i32 to index
        %swap3A_210 = tpu.vector_load %arg21[%swap3A_209] {strides = array<i32>} : memref<2000xf32, #tpu.memory_space<vmem>>, vector<16xf32>,
        tpu.vector_store %arg21[%swap3A_209], %mul3A_207 {strides = array<i32>} : memref<2000xf32, #tpu.memory_space<vmem>>, vector<16xf32>,
        tpu.vector_store_idx %arg22[%add3A_158, %broadcast_in_dim3A_5], %mul3A_206 : memref<2000x2xf32, #tpu.memory_space<vmem>>[vector<16xi32>, vector<16xi32>], vector<16xf32>,
        tpu.vector_store_idx %arg22[%add3A_158, %broadcast_in_dim3A_7], %mul3A_207 : memref<2000x2xf32, #tpu.memory_space<vmem>>[vector<16xi32>, vector<16xi32>], vector<16xf32>,
      }
      %scan3A_103 = arith.constant 125 : i32
      "tpu.region"() ({
        %run_scoped3A_154 = tpu.sem_alloc : memref<!tpu.dma_semaphore, #tpu.memory_space<semaphore_mem>>
        %dma_start3A = arith.constant 0 : i32
        %dma_start3A_155 = tpu.memref_slice %arg9[%add3A_23, %dma_start3A] : memref<1600000x2xf32, #tpu.memory_space<hbm>> -> memref<2000x2xf32, #tpu.memory_space<hbm>>
        %dma_start3A_156 = arith.constant 0 : i32
        %dma_start3A_157 = tpu.memref_slice %arg9[%add3A_23, %dma_start3A_156] : memref<1600000x2xf32, #tpu.memory_space<hbm>> -> memref<2000x2xf32, #tpu.memory_space<hbm>>
        tpu.enqueue_dma source(%arg22 : memref<2000x2xf32, #tpu.memory_space<vmem>>) target(%dma_start3A_157 : memref<2000x2xf32, #tpu.memory_space<hbm>>) target_semaphore(%run_scoped3A_154 : memref<!tpu.dma_semaphore, #tpu.memory_space<semaphore_mem>>)
        %dma_wait3A = arith.constant 0 : i32
        %dma_wait3A_158 = tpu.memref_slice %arg9[%add3A_23, %dma_wait3A] : memref<1600000x2xf32, #tpu.memory_space<hbm>> -> memref<2000x2xf32, #tpu.memory_space<hbm>>
        %dma_wait3A_159 = arith.constant 0 : i32
        %dma_wait3A_160 = tpu.memref_slice %arg9[%add3A_23, %dma_wait3A_159] : memref<1600000x2xf32, #tpu.memory_space<hbm>> -> memref<2000x2xf32, #tpu.memory_space<hbm>>
        tpu.wait_dma2 semaphore(%run_scoped3A_154 : memref<!tpu.dma_semaphore, #tpu.memory_space<semaphore_mem>>) src(%arg22 : memref<2000x2xf32, #tpu.memory_space<vmem>>) dst(%dma_wait3A_160 : memref<2000x2xf32, #tpu.memory_space<hbm>>)
        tpu.yield
      }) : () -> ()
      %run_scoped3A_104 = arith.constant 0 : i32
      "tpu.region"() ({
        %run_scoped3A_154 = tpu.sem_alloc : memref<!tpu.dma_semaphore, #tpu.memory_space<semaphore_mem>>
        %dma_start3A = arith.constant 0 : i32
        %dma_start3A_155 = tpu.memref_slice %arg20[%dma_start3A] : memref<2000xf32, #tpu.memory_space<vmem>> -> memref<80xf32, #tpu.memory_space<vmem>>
        %dma_start3A_156 = arith.constant 0 : i32
        %dma_start3A_157 = tpu.memref_slice %arg13[%run_scoped3A_104, %dma_start3A_156] : memref<25x80xi32, #tpu.memory_space<vmem>> -> memref<1x80xi32, #tpu.memory_space<vmem>>
        %dma_start3A_158 = tpu.memref_squeeze %dma_start3A_157 : memref<1x80xi32, #tpu.memory_space<vmem>> -> memref<80xi32, #tpu.memory_space<vmem>>
        %dma_start3A_159 = arith.constant 0 : i32
        %dma_start3A_160 = tpu.memref_slice %arg26[%dma_start3A_159] : memref<50048xf32, #tpu.memory_space<vmem_shared>> -> memref<50048xf32, #tpu.memory_space<vmem_shared>>
        tpu.enqueue_indirect_dma source(%dma_start3A_155 : memref<80xf32, #tpu.memory_space<vmem>>) target(%dma_start3A_160 : memref<50048xf32, #tpu.memory_space<vmem_shared>>) offsets(%dma_start3A_158 : memref<80xi32, #tpu.memory_space<vmem>>) semaphore(%run_scoped3A_154 : memref<!tpu.dma_semaphore, #tpu.memory_space<semaphore_mem>>) {add = true}
        %dma_wait3A = arith.constant 0 : i32
        %dma_wait3A_161 = tpu.memref_slice %arg20[%dma_wait3A] : memref<2000xf32, #tpu.memory_space<vmem>> -> memref<80xf32, #tpu.memory_space<vmem>>
        %dma_wait3A_162 = arith.constant 0 : i32
        %dma_wait3A_163 = tpu.memref_slice %arg13[%run_scoped3A_104, %dma_wait3A_162] : memref<25x80xi32, #tpu.memory_space<vmem>> -> memref<1x80xi32, #tpu.memory_space<vmem>>
        %dma_wait3A_164 = tpu.memref_squeeze %dma_wait3A_163 : memref<1x80xi32, #tpu.memory_space<vmem>> -> memref<80xi32, #tpu.memory_space<vmem>>
        %dma_wait3A_165 = arith.constant 0 : i32
        %dma_wait3A_166 = tpu.memref_slice %arg26[%dma_wait3A_165] : memref<50048xf32, #tpu.memory_space<vmem_shared>> -> memref<50048xf32, #tpu.memory_space<vmem_shared>>
        tpu.wait_indirect_dma semaphore(%run_scoped3A_154 : memref<!tpu.dma_semaphore, #tpu.memory_space<semaphore_mem>>) src(%dma_wait3A_161 : memref<80xf32, #tpu.memory_space<vmem>>) dst(%dma_wait3A_166 : memref<50048xf32, #tpu.memory_space<vmem_shared>>)
        tpu.yield
      }) : () -> ()
      %run_scoped3A_105 = arith.constant 0 : i32
      "tpu.region"() ({
        %run_scoped3A_154 = tpu.sem_alloc : memref<!tpu.dma_semaphore, #tpu.memory_space<semaphore_mem>>
        %dma_start3A = arith.constant 0 : i32
        %dma_start3A_155 = tpu.memref_slice %arg21[%dma_start3A] : memref<2000xf32, #tpu.memory_space<vmem>> -> memref<80xf32, #tpu.memory_space<vmem>>
        %dma_start3A_156 = arith.constant 0 : i32
        %dma_start3A_157 = tpu.memref_slice %arg13[%run_scoped3A_105, %dma_start3A_156] : memref<25x80xi32, #tpu.memory_space<vmem>> -> memref<1x80xi32, #tpu.memory_space<vmem>>
        %dma_start3A_158 = tpu.memref_squeeze %dma_start3A_157 : memref<1x80xi32, #tpu.memory_space<vmem>> -> memref<80xi32, #tpu.memory_space<vmem>>
        %dma_start3A_159 = arith.constant 0 : i32
        %dma_start3A_160 = tpu.memref_slice %arg27[%dma_start3A_159] : memref<50048xf32, #tpu.memory_space<vmem_shared>> -> memref<50048xf32, #tpu.memory_space<vmem_shared>>
        tpu.enqueue_indirect_dma source(%dma_start3A_155 : memref<80xf32, #tpu.memory_space<vmem>>) target(%dma_start3A_160 : memref<50048xf32, #tpu.memory_space<vmem_shared>>) offsets(%dma_start3A_158 : memref<80xi32, #tpu.memory_space<vmem>>) semaphore(%run_scoped3A_154 : memref<!tpu.dma_semaphore, #tpu.memory_space<semaphore_mem>>) {add = true}
        %dma_wait3A = arith.constant 0 : i32
        %dma_wait3A_161 = tpu.memref_slice %arg21[%dma_wait3A] : memref<2000xf32, #tpu.memory_space<vmem>> -> memref<80xf32, #tpu.memory_space<vmem>>
        %dma_wait3A_162 = arith.constant 0 : i32
        %dma_wait3A_163 = tpu.memref_slice %arg13[%run_scoped3A_105, %dma_wait3A_162] : memref<25x80xi32, #tpu.memory_space<vmem>> -> memref<1x80xi32, #tpu.memory_space<vmem>>
        %dma_wait3A_164 = tpu.memref_squeeze %dma_wait3A_163 : memref<1x80xi32, #tpu.memory_space<vmem>> -> memref<80xi32, #tpu.memory_space<vmem>>
        %dma_wait3A_165 = arith.constant 0 : i32
        %dma_wait3A_166 = tpu.memref_slice %arg27[%dma_wait3A_165] : memref<50048xf32, #tpu.memory_space<vmem_shared>> -> memref<50048xf32, #tpu.memory_space<vmem_shared>>
        tpu.wait_indirect_dma semaphore(%run_scoped3A_154 : memref<!tpu.dma_semaphore, #tpu.memory_space<semaphore_mem>>) src(%dma_wait3A_161 : memref<80xf32, #tpu.memory_space<vmem>>) dst(%dma_wait3A_166 : memref<50048xf32, #tpu.memory_space<vmem_shared>>)
        tpu.yield
      }) : () -> ()
      %run_scoped3A_106 = arith.constant 1 : i32
      "tpu.region"() ({
        %run_scoped3A_154 = tpu.sem_alloc : memref<!tpu.dma_semaphore, #tpu.memory_space<semaphore_mem>>
        %dma_start3A = arith.constant 80 : i32
        %dma_start3A_155 = tpu.memref_slice %arg20[%dma_start3A] : memref<2000xf32, #tpu.memory_space<vmem>> -> memref<80xf32, #tpu.memory_space<vmem>>
        %dma_start3A_156 = arith.constant 0 : i32
        %dma_start3A_157 = tpu.memref_slice %arg13[%run_scoped3A_106, %dma_start3A_156] : memref<25x80xi32, #tpu.memory_space<vmem>> -> memref<1x80xi32, #tpu.memory_space<vmem>>
        %dma_start3A_158 = tpu.memref_squeeze %dma_start3A_157 : memref<1x80xi32, #tpu.memory_space<vmem>> -> memref<80xi32, #tpu.memory_space<vmem>>
        %dma_start3A_159 = arith.constant 0 : i32
        %dma_start3A_160 = tpu.memref_slice %arg26[%dma_start3A_159] : memref<50048xf32, #tpu.memory_space<vmem_shared>> -> memref<50048xf32, #tpu.memory_space<vmem_shared>>
        tpu.enqueue_indirect_dma source(%dma_start3A_155 : memref<80xf32, #tpu.memory_space<vmem>>) target(%dma_start3A_160 : memref<50048xf32, #tpu.memory_space<vmem_shared>>) offsets(%dma_start3A_158 : memref<80xi32, #tpu.memory_space<vmem>>) semaphore(%run_scoped3A_154 : memref<!tpu.dma_semaphore, #tpu.memory_space<semaphore_mem>>) {add = true}
        %dma_wait3A = arith.constant 80 : i32
        %dma_wait3A_161 = tpu.memref_slice %arg20[%dma_wait3A] : memref<2000xf32, #tpu.memory_space<vmem>> -> memref<80xf32, #tpu.memory_space<vmem>>
        %dma_wait3A_162 = arith.constant 0 : i32
        %dma_wait3A_163 = tpu.memref_slice %arg13[%run_scoped3A_106, %dma_wait3A_162] : memref<25x80xi32, #tpu.memory_space<vmem>> -> memref<1x80xi32, #tpu.memory_space<vmem>>
        %dma_wait3A_164 = tpu.memref_squeeze %dma_wait3A_163 : memref<1x80xi32, #tpu.memory_space<vmem>> -> memref<80xi32, #tpu.memory_space<vmem>>
        %dma_wait3A_165 = arith.constant 0 : i32
        %dma_wait3A_166 = tpu.memref_slice %arg26[%dma_wait3A_165] : memref<50048xf32, #tpu.memory_space<vmem_shared>> -> memref<50048xf32, #tpu.memory_space<vmem_shared>>
        tpu.wait_indirect_dma semaphore(%run_scoped3A_154 : memref<!tpu.dma_semaphore, #tpu.memory_space<semaphore_mem>>) src(%dma_wait3A_161 : memref<80xf32, #tpu.memory_space<vmem>>) dst(%dma_wait3A_166 : memref<50048xf32, #tpu.memory_space<vmem_shared>>)
        tpu.yield
      }) : () -> ()
      %run_scoped3A_107 = arith.constant 1 : i32
      "tpu.region"() ({
        %run_scoped3A_154 = tpu.sem_alloc : memref<!tpu.dma_semaphore, #tpu.memory_space<semaphore_mem>>
        %dma_start3A = arith.constant 80 : i32
        %dma_start3A_155 = tpu.memref_slice %arg21[%dma_start3A] : memref<2000xf32, #tpu.memory_space<vmem>> -> memref<80xf32, #tpu.memory_space<vmem>>
        %dma_start3A_156 = arith.constant 0 : i32
        %dma_start3A_157 = tpu.memref_slice %arg13[%run_scoped3A_107, %dma_start3A_156] : memref<25x80xi32, #tpu.memory_space<vmem>> -> memref<1x80xi32, #tpu.memory_space<vmem>>
        %dma_start3A_158 = tpu.memref_squeeze %dma_start3A_157 : memref<1x80xi32, #tpu.memory_space<vmem>> -> memref<80xi32, #tpu.memory_space<vmem>>
        %dma_start3A_159 = arith.constant 0 : i32
        %dma_start3A_160 = tpu.memref_slice %arg27[%dma_start3A_159] : memref<50048xf32, #tpu.memory_space<vmem_shared>> -> memref<50048xf32, #tpu.memory_space<vmem_shared>>
        tpu.enqueue_indirect_dma source(%dma_start3A_155 : memref<80xf32, #tpu.memory_space<vmem>>) target(%dma_start3A_160 : memref<50048xf32, #tpu.memory_space<vmem_shared>>) offsets(%dma_start3A_158 : memref<80xi32, #tpu.memory_space<vmem>>) semaphore(%run_scoped3A_154 : memref<!tpu.dma_semaphore, #tpu.memory_space<semaphore_mem>>) {add = true}
        %dma_wait3A = arith.constant 80 : i32
        %dma_wait3A_161 = tpu.memref_slice %arg21[%dma_wait3A] : memref<2000xf32, #tpu.memory_space<vmem>> -> memref<80xf32, #tpu.memory_space<vmem>>
        %dma_wait3A_162 = arith.constant 0 : i32
        %dma_wait3A_163 = tpu.memref_slice %arg13[%run_scoped3A_107, %dma_wait3A_162] : memref<25x80xi32, #tpu.memory_space<vmem>> -> memref<1x80xi32, #tpu.memory_space<vmem>>
        %dma_wait3A_164 = tpu.memref_squeeze %dma_wait3A_163 : memref<1x80xi32, #tpu.memory_space<vmem>> -> memref<80xi32, #tpu.memory_space<vmem>>
        %dma_wait3A_165 = arith.constant 0 : i32
        %dma_wait3A_166 = tpu.memref_slice %arg27[%dma_wait3A_165] : memref<50048xf32, #tpu.memory_space<vmem_shared>> -> memref<50048xf32, #tpu.memory_space<vmem_shared>>
        tpu.wait_indirect_dma semaphore(%run_scoped3A_154 : memref<!tpu.dma_semaphore, #tpu.memory_space<semaphore_mem>>) src(%dma_wait3A_161 : memref<80xf32, #tpu.memory_space<vmem>>) dst(%dma_wait3A_166 : memref<50048xf32, #tpu.memory_space<vmem_shared>>)
        tpu.yield
      }) : () -> ()
      %run_scoped3A_108 = arith.constant 2 : i32
      "tpu.region"() ({
        %run_scoped3A_154 = tpu.sem_alloc : memref<!tpu.dma_semaphore, #tpu.memory_space<semaphore_mem>>
        %dma_start3A = arith.constant 160 : i32
        %dma_start3A_155 = tpu.memref_slice %arg20[%dma_start3A] : memref<2000xf32, #tpu.memory_space<vmem>> -> memref<80xf32, #tpu.memory_space<vmem>>
        %dma_start3A_156 = arith.constant 0 : i32
        %dma_start3A_157 = tpu.memref_slice %arg13[%run_scoped3A_108, %dma_start3A_156] : memref<25x80xi32, #tpu.memory_space<vmem>> -> memref<1x80xi32, #tpu.memory_space<vmem>>
        %dma_start3A_158 = tpu.memref_squeeze %dma_start3A_157 : memref<1x80xi32, #tpu.memory_space<vmem>> -> memref<80xi32, #tpu.memory_space<vmem>>
        %dma_start3A_159 = arith.constant 0 : i32
        %dma_start3A_160 = tpu.memref_slice %arg26[%dma_start3A_159] : memref<50048xf32, #tpu.memory_space<vmem_shared>> -> memref<50048xf32, #tpu.memory_space<vmem_shared>>
        tpu.enqueue_indirect_dma source(%dma_start3A_155 : memref<80xf32, #tpu.memory_space<vmem>>) target(%dma_start3A_160 : memref<50048xf32, #tpu.memory_space<vmem_shared>>) offsets(%dma_start3A_158 : memref<80xi32, #tpu.memory_space<vmem>>) semaphore(%run_scoped3A_154 : memref<!tpu.dma_semaphore, #tpu.memory_space<semaphore_mem>>) {add = true}
        %dma_wait3A = arith.constant 160 : i32
        %dma_wait3A_161 = tpu.memref_slice %arg20[%dma_wait3A] : memref<2000xf32, #tpu.memory_space<vmem>> -> memref<80xf32, #tpu.memory_space<vmem>>
        %dma_wait3A_162 = arith.constant 0 : i32
        %dma_wait3A_163 = tpu.memref_slice %arg13[%run_scoped3A_108, %dma_wait3A_162] : memref<25x80xi32, #tpu.memory_space<vmem>> -> memref<1x80xi32, #tpu.memory_space<vmem>>
        %dma_wait3A_164 = tpu.memref_squeeze %dma_wait3A_163 : memref<1x80xi32, #tpu.memory_space<vmem>> -> memref<80xi32, #tpu.memory_space<vmem>>
        %dma_wait3A_165 = arith.constant 0 : i32
        %dma_wait3A_166 = tpu.memref_slice %arg26[%dma_wait3A_165] : memref<50048xf32, #tpu.memory_space<vmem_shared>> -> memref<50048xf32, #tpu.memory_space<vmem_shared>>
        tpu.wait_indirect_dma semaphore(%run_scoped3A_154 : memref<!tpu.dma_semaphore, #tpu.memory_space<semaphore_mem>>) src(%dma_wait3A_161 : memref<80xf32, #tpu.memory_space<vmem>>) dst(%dma_wait3A_166 : memref<50048xf32, #tpu.memory_space<vmem_shared>>)
        tpu.yield
      }) : () -> ()
      %run_scoped3A_109 = arith.constant 2 : i32
      "tpu.region"() ({
        %run_scoped3A_154 = tpu.sem_alloc : memref<!tpu.dma_semaphore, #tpu.memory_space<semaphore_mem>>
        %dma_start3A = arith.constant 160 : i32
        %dma_start3A_155 = tpu.memref_slice %arg21[%dma_start3A] : memref<2000xf32, #tpu.memory_space<vmem>> -> memref<80xf32, #tpu.memory_space<vmem>>
        %dma_start3A_156 = arith.constant 0 : i32
        %dma_start3A_157 = tpu.memref_slice %arg13[%run_scoped3A_109, %dma_start3A_156] : memref<25x80xi32, #tpu.memory_space<vmem>> -> memref<1x80xi32, #tpu.memory_space<vmem>>
        %dma_start3A_158 = tpu.memref_squeeze %dma_start3A_157 : memref<1x80xi32, #tpu.memory_space<vmem>> -> memref<80xi32, #tpu.memory_space<vmem>>
        %dma_start3A_159 = arith.constant 0 : i32
        %dma_start3A_160 = tpu.memref_slice %arg27[%dma_start3A_159] : memref<50048xf32, #tpu.memory_space<vmem_shared>> -> memref<50048xf32, #tpu.memory_space<vmem_shared>>
        tpu.enqueue_indirect_dma source(%dma_start3A_155 : memref<80xf32, #tpu.memory_space<vmem>>) target(%dma_start3A_160 : memref<50048xf32, #tpu.memory_space<vmem_shared>>) offsets(%dma_start3A_158 : memref<80xi32, #tpu.memory_space<vmem>>) semaphore(%run_scoped3A_154 : memref<!tpu.dma_semaphore, #tpu.memory_space<semaphore_mem>>) {add = true}
        %dma_wait3A = arith.constant 160 : i32
        %dma_wait3A_161 = tpu.memref_slice %arg21[%dma_wait3A] : memref<2000xf32, #tpu.memory_space<vmem>> -> memref<80xf32, #tpu.memory_space<vmem>>
        %dma_wait3A_162 = arith.constant 0 : i32
        %dma_wait3A_163 = tpu.memref_slice %arg13[%run_scoped3A_109, %dma_wait3A_162] : memref<25x80xi32, #tpu.memory_space<vmem>> -> memref<1x80xi32, #tpu.memory_space<vmem>>
        %dma_wait3A_164 = tpu.memref_squeeze %dma_wait3A_163 : memref<1x80xi32, #tpu.memory_space<vmem>> -> memref<80xi32, #tpu.memory_space<vmem>>
        %dma_wait3A_165 = arith.constant 0 : i32
        %dma_wait3A_166 = tpu.memref_slice %arg27[%dma_wait3A_165] : memref<50048xf32, #tpu.memory_space<vmem_shared>> -> memref<50048xf32, #tpu.memory_space<vmem_shared>>
        tpu.wait_indirect_dma semaphore(%run_scoped3A_154 : memref<!tpu.dma_semaphore, #tpu.memory_space<semaphore_mem>>) src(%dma_wait3A_161 : memref<80xf32, #tpu.memory_space<vmem>>) dst(%dma_wait3A_166 : memref<50048xf32, #tpu.memory_space<vmem_shared>>)
        tpu.yield
      }) : () -> ()
      %run_scoped3A_110 = arith.constant 3 : i32
      "tpu.region"() ({
        %run_scoped3A_154 = tpu.sem_alloc : memref<!tpu.dma_semaphore, #tpu.memory_space<semaphore_mem>>
        %dma_start3A = arith.constant 240 : i32
        %dma_start3A_155 = tpu.memref_slice %arg20[%dma_start3A] : memref<2000xf32, #tpu.memory_space<vmem>> -> memref<80xf32, #tpu.memory_space<vmem>>
        %dma_start3A_156 = arith.constant 0 : i32
        %dma_start3A_157 = tpu.memref_slice %arg13[%run_scoped3A_110, %dma_start3A_156] : memref<25x80xi32, #tpu.memory_space<vmem>> -> memref<1x80xi32, #tpu.memory_space<vmem>>
        %dma_start3A_158 = tpu.memref_squeeze %dma_start3A_157 : memref<1x80xi32, #tpu.memory_space<vmem>> -> memref<80xi32, #tpu.memory_space<vmem>>
        %dma_start3A_159 = arith.constant 0 : i32
        %dma_start3A_160 = tpu.memref_slice %arg26[%dma_start3A_159] : memref<50048xf32, #tpu.memory_space<vmem_shared>> -> memref<50048xf32, #tpu.memory_space<vmem_shared>>
        tpu.enqueue_indirect_dma source(%dma_start3A_155 : memref<80xf32, #tpu.memory_space<vmem>>) target(%dma_start3A_160 : memref<50048xf32, #tpu.memory_space<vmem_shared>>) offsets(%dma_start3A_158 : memref<80xi32, #tpu.memory_space<vmem>>) semaphore(%run_scoped3A_154 : memref<!tpu.dma_semaphore, #tpu.memory_space<semaphore_mem>>) {add = true}
        %dma_wait3A = arith.constant 240 : i32
        %dma_wait3A_161 = tpu.memref_slice %arg20[%dma_wait3A] : memref<2000xf32, #tpu.memory_space<vmem>> -> memref<80xf32, #tpu.memory_space<vmem>>
        %dma_wait3A_162 = arith.constant 0 : i32
        %dma_wait3A_163 = tpu.memref_slice %arg13[%run_scoped3A_110, %dma_wait3A_162] : memref<25x80xi32, #tpu.memory_space<vmem>> -> memref<1x80xi32, #tpu.memory_space<vmem>>
        %dma_wait3A_164 = tpu.memref_squeeze %dma_wait3A_163 : memref<1x80xi32, #tpu.memory_space<vmem>> -> memref<80xi32, #tpu.memory_space<vmem>>
        %dma_wait3A_165 = arith.constant 0 : i32
        %dma_wait3A_166 = tpu.memref_slice %arg26[%dma_wait3A_165] : memref<50048xf32, #tpu.memory_space<vmem_shared>> -> memref<50048xf32, #tpu.memory_space<vmem_shared>>
        tpu.wait_indirect_dma semaphore(%run_scoped3A_154 : memref<!tpu.dma_semaphore, #tpu.memory_space<semaphore_mem>>) src(%dma_wait3A_161 : memref<80xf32, #tpu.memory_space<vmem>>) dst(%dma_wait3A_166 : memref<50048xf32, #tpu.memory_space<vmem_shared>>)
        tpu.yield
      }) : () -> ()
      %run_scoped3A_111 = arith.constant 3 : i32
      "tpu.region"() ({
        %run_scoped3A_154 = tpu.sem_alloc : memref<!tpu.dma_semaphore, #tpu.memory_space<semaphore_mem>>
        %dma_start3A = arith.constant 240 : i32
        %dma_start3A_155 = tpu.memref_slice %arg21[%dma_start3A] : memref<2000xf32, #tpu.memory_space<vmem>> -> memref<80xf32, #tpu.memory_space<vmem>>
        %dma_start3A_156 = arith.constant 0 : i32
        %dma_start3A_157 = tpu.memref_slice %arg13[%run_scoped3A_111, %dma_start3A_156] : memref<25x80xi32, #tpu.memory_space<vmem>> -> memref<1x80xi32, #tpu.memory_space<vmem>>
        %dma_start3A_158 = tpu.memref_squeeze %dma_start3A_157 : memref<1x80xi32, #tpu.memory_space<vmem>> -> memref<80xi32, #tpu.memory_space<vmem>>
        %dma_start3A_159 = arith.constant 0 : i32
        %dma_start3A_160 = tpu.memref_slice %arg27[%dma_start3A_159] : memref<50048xf32, #tpu.memory_space<vmem_shared>> -> memref<50048xf32, #tpu.memory_space<vmem_shared>>
        tpu.enqueue_indirect_dma source(%dma_start3A_155 : memref<80xf32, #tpu.memory_space<vmem>>) target(%dma_start3A_160 : memref<50048xf32, #tpu.memory_space<vmem_shared>>) offsets(%dma_start3A_158 : memref<80xi32, #tpu.memory_space<vmem>>) semaphore(%run_scoped3A_154 : memref<!tpu.dma_semaphore, #tpu.memory_space<semaphore_mem>>) {add = true}
        %dma_wait3A = arith.constant 240 : i32
        %dma_wait3A_161 = tpu.memref_slice %arg21[%dma_wait3A] : memref<2000xf32, #tpu.memory_space<vmem>> -> memref<80xf32, #tpu.memory_space<vmem>>
        %dma_wait3A_162 = arith.constant 0 : i32
        %dma_wait3A_163 = tpu.memref_slice %arg13[%run_scoped3A_111, %dma_wait3A_162] : memref<25x80xi32, #tpu.memory_space<vmem>> -> memref<1x80xi32, #tpu.memory_space<vmem>>
        %dma_wait3A_164 = tpu.memref_squeeze %dma_wait3A_163 : memref<1x80xi32, #tpu.memory_space<vmem>> -> memref<80xi32, #tpu.memory_space<vmem>>
        %dma_wait3A_165 = arith.constant 0 : i32
        %dma_wait3A_166 = tpu.memref_slice %arg27[%dma_wait3A_165] : memref<50048xf32, #tpu.memory_space<vmem_shared>> -> memref<50048xf32, #tpu.memory_space<vmem_shared>>
        tpu.wait_indirect_dma semaphore(%run_scoped3A_154 : memref<!tpu.dma_semaphore, #tpu.memory_space<semaphore_mem>>) src(%dma_wait3A_161 : memref<80xf32, #tpu.memory_space<vmem>>) dst(%dma_wait3A_166 : memref<50048xf32, #tpu.memory_space<vmem_shared>>)
        tpu.yield
      }) : () -> ()
      %run_scoped3A_112 = arith.constant 4 : i32
      "tpu.region"() ({
        %run_scoped3A_154 = tpu.sem_alloc : memref<!tpu.dma_semaphore, #tpu.memory_space<semaphore_mem>>
        %dma_start3A = arith.constant 320 : i32
        %dma_start3A_155 = tpu.memref_slice %arg20[%dma_start3A] : memref<2000xf32, #tpu.memory_space<vmem>> -> memref<80xf32, #tpu.memory_space<vmem>>
        %dma_start3A_156 = arith.constant 0 : i32
        %dma_start3A_157 = tpu.memref_slice %arg13[%run_scoped3A_112, %dma_start3A_156] : memref<25x80xi32, #tpu.memory_space<vmem>> -> memref<1x80xi32, #tpu.memory_space<vmem>>
        %dma_start3A_158 = tpu.memref_squeeze %dma_start3A_157 : memref<1x80xi32, #tpu.memory_space<vmem>> -> memref<80xi32, #tpu.memory_space<vmem>>
        %dma_start3A_159 = arith.constant 0 : i32
        %dma_start3A_160 = tpu.memref_slice %arg26[%dma_start3A_159] : memref<50048xf32, #tpu.memory_space<vmem_shared>> -> memref<50048xf32, #tpu.memory_space<vmem_shared>>
        tpu.enqueue_indirect_dma source(%dma_start3A_155 : memref<80xf32, #tpu.memory_space<vmem>>) target(%dma_start3A_160 : memref<50048xf32, #tpu.memory_space<vmem_shared>>) offsets(%dma_start3A_158 : memref<80xi32, #tpu.memory_space<vmem>>) semaphore(%run_scoped3A_154 : memref<!tpu.dma_semaphore, #tpu.memory_space<semaphore_mem>>) {add = true}
        %dma_wait3A = arith.constant 320 : i32
        %dma_wait3A_161 = tpu.memref_slice %arg20[%dma_wait3A] : memref<2000xf32, #tpu.memory_space<vmem>> -> memref<80xf32, #tpu.memory_space<vmem>>
        %dma_wait3A_162 = arith.constant 0 : i32
        %dma_wait3A_163 = tpu.memref_slice %arg13[%run_scoped3A_112, %dma_wait3A_162] : memref<25x80xi32, #tpu.memory_space<vmem>> -> memref<1x80xi32, #tpu.memory_space<vmem>>
        %dma_wait3A_164 = tpu.memref_squeeze %dma_wait3A_163 : memref<1x80xi32, #tpu.memory_space<vmem>> -> memref<80xi32, #tpu.memory_space<vmem>>
        %dma_wait3A_165 = arith.constant 0 : i32
        %dma_wait3A_166 = tpu.memref_slice %arg26[%dma_wait3A_165] : memref<50048xf32, #tpu.memory_space<vmem_shared>> -> memref<50048xf32, #tpu.memory_space<vmem_shared>>
        tpu.wait_indirect_dma semaphore(%run_scoped3A_154 : memref<!tpu.dma_semaphore, #tpu.memory_space<semaphore_mem>>) src(%dma_wait3A_161 : memref<80xf32, #tpu.memory_space<vmem>>) dst(%dma_wait3A_166 : memref<50048xf32, #tpu.memory_space<vmem_shared>>)
        tpu.yield
      }) : () -> ()
      %run_scoped3A_113 = arith.constant 4 : i32
      "tpu.region"() ({
        %run_scoped3A_154 = tpu.sem_alloc : memref<!tpu.dma_semaphore, #tpu.memory_space<semaphore_mem>>
        %dma_start3A = arith.constant 320 : i32
        %dma_start3A_155 = tpu.memref_slice %arg21[%dma_start3A] : memref<2000xf32, #tpu.memory_space<vmem>> -> memref<80xf32, #tpu.memory_space<vmem>>
        %dma_start3A_156 = arith.constant 0 : i32
        %dma_start3A_157 = tpu.memref_slice %arg13[%run_scoped3A_113, %dma_start3A_156] : memref<25x80xi32, #tpu.memory_space<vmem>> -> memref<1x80xi32, #tpu.memory_space<vmem>>
        %dma_start3A_158 = tpu.memref_squeeze %dma_start3A_157 : memref<1x80xi32, #tpu.memory_space<vmem>> -> memref<80xi32, #tpu.memory_space<vmem>>
        %dma_start3A_159 = arith.constant 0 : i32
        %dma_start3A_160 = tpu.memref_slice %arg27[%dma_start3A_159] : memref<50048xf32, #tpu.memory_space<vmem_shared>> -> memref<50048xf32, #tpu.memory_space<vmem_shared>>
        tpu.enqueue_indirect_dma source(%dma_start3A_155 : memref<80xf32, #tpu.memory_space<vmem>>) target(%dma_start3A_160 : memref<50048xf32, #tpu.memory_space<vmem_shared>>) offsets(%dma_start3A_158 : memref<80xi32, #tpu.memory_space<vmem>>) semaphore(%run_scoped3A_154 : memref<!tpu.dma_semaphore, #tpu.memory_space<semaphore_mem>>) {add = true}
        %dma_wait3A = arith.constant 320 : i32
        %dma_wait3A_161 = tpu.memref_slice %arg21[%dma_wait3A] : memref<2000xf32, #tpu.memory_space<vmem>> -> memref<80xf32, #tpu.memory_space<vmem>>
        %dma_wait3A_162 = arith.constant 0 : i32
        %dma_wait3A_163 = tpu.memref_slice %arg13[%run_scoped3A_113, %dma_wait3A_162] : memref<25x80xi32, #tpu.memory_space<vmem>> -> memref<1x80xi32, #tpu.memory_space<vmem>>
        %dma_wait3A_164 = tpu.memref_squeeze %dma_wait3A_163 : memref<1x80xi32, #tpu.memory_space<vmem>> -> memref<80xi32, #tpu.memory_space<vmem>>
        %dma_wait3A_165 = arith.constant 0 : i32
        %dma_wait3A_166 = tpu.memref_slice %arg27[%dma_wait3A_165] : memref<50048xf32, #tpu.memory_space<vmem_shared>> -> memref<50048xf32, #tpu.memory_space<vmem_shared>>
        tpu.wait_indirect_dma semaphore(%run_scoped3A_154 : memref<!tpu.dma_semaphore, #tpu.memory_space<semaphore_mem>>) src(%dma_wait3A_161 : memref<80xf32, #tpu.memory_space<vmem>>) dst(%dma_wait3A_166 : memref<50048xf32, #tpu.memory_space<vmem_shared>>)
        tpu.yield
      }) : () -> ()
      %run_scoped3A_114 = arith.constant 5 : i32
      "tpu.region"() ({
        %run_scoped3A_154 = tpu.sem_alloc : memref<!tpu.dma_semaphore, #tpu.memory_space<semaphore_mem>>
        %dma_start3A = arith.constant 400 : i32
        %dma_start3A_155 = tpu.memref_slice %arg20[%dma_start3A] : memref<2000xf32, #tpu.memory_space<vmem>> -> memref<80xf32, #tpu.memory_space<vmem>>
        %dma_start3A_156 = arith.constant 0 : i32
        %dma_start3A_157 = tpu.memref_slice %arg13[%run_scoped3A_114, %dma_start3A_156] : memref<25x80xi32, #tpu.memory_space<vmem>> -> memref<1x80xi32, #tpu.memory_space<vmem>>
        %dma_start3A_158 = tpu.memref_squeeze %dma_start3A_157 : memref<1x80xi32, #tpu.memory_space<vmem>> -> memref<80xi32, #tpu.memory_space<vmem>>
        %dma_start3A_159 = arith.constant 0 : i32
        %dma_start3A_160 = tpu.memref_slice %arg26[%dma_start3A_159] : memref<50048xf32, #tpu.memory_space<vmem_shared>> -> memref<50048xf32, #tpu.memory_space<vmem_shared>>
        tpu.enqueue_indirect_dma source(%dma_start3A_155 : memref<80xf32, #tpu.memory_space<vmem>>) target(%dma_start3A_160 : memref<50048xf32, #tpu.memory_space<vmem_shared>>) offsets(%dma_start3A_158 : memref<80xi32, #tpu.memory_space<vmem>>) semaphore(%run_scoped3A_154 : memref<!tpu.dma_semaphore, #tpu.memory_space<semaphore_mem>>) {add = true}
        %dma_wait3A = arith.constant 400 : i32
        %dma_wait3A_161 = tpu.memref_slice %arg20[%dma_wait3A] : memref<2000xf32, #tpu.memory_space<vmem>> -> memref<80xf32, #tpu.memory_space<vmem>>
        %dma_wait3A_162 = arith.constant 0 : i32
        %dma_wait3A_163 = tpu.memref_slice %arg13[%run_scoped3A_114, %dma_wait3A_162] : memref<25x80xi32, #tpu.memory_space<vmem>> -> memref<1x80xi32, #tpu.memory_space<vmem>>
        %dma_wait3A_164 = tpu.memref_squeeze %dma_wait3A_163 : memref<1x80xi32, #tpu.memory_space<vmem>> -> memref<80xi32, #tpu.memory_space<vmem>>
        %dma_wait3A_165 = arith.constant 0 : i32
        %dma_wait3A_166 = tpu.memref_slice %arg26[%dma_wait3A_165] : memref<50048xf32, #tpu.memory_space<vmem_shared>> -> memref<50048xf32, #tpu.memory_space<vmem_shared>>
        tpu.wait_indirect_dma semaphore(%run_scoped3A_154 : memref<!tpu.dma_semaphore, #tpu.memory_space<semaphore_mem>>) src(%dma_wait3A_161 : memref<80xf32, #tpu.memory_space<vmem>>) dst(%dma_wait3A_166 : memref<50048xf32, #tpu.memory_space<vmem_shared>>)
        tpu.yield
      }) : () -> ()
      %run_scoped3A_115 = arith.constant 5 : i32
      "tpu.region"() ({
        %run_scoped3A_154 = tpu.sem_alloc : memref<!tpu.dma_semaphore, #tpu.memory_space<semaphore_mem>>
        %dma_start3A = arith.constant 400 : i32
        %dma_start3A_155 = tpu.memref_slice %arg21[%dma_start3A] : memref<2000xf32, #tpu.memory_space<vmem>> -> memref<80xf32, #tpu.memory_space<vmem>>
        %dma_start3A_156 = arith.constant 0 : i32
        %dma_start3A_157 = tpu.memref_slice %arg13[%run_scoped3A_115, %dma_start3A_156] : memref<25x80xi32, #tpu.memory_space<vmem>> -> memref<1x80xi32, #tpu.memory_space<vmem>>
        %dma_start3A_158 = tpu.memref_squeeze %dma_start3A_157 : memref<1x80xi32, #tpu.memory_space<vmem>> -> memref<80xi32, #tpu.memory_space<vmem>>
        %dma_start3A_159 = arith.constant 0 : i32
        %dma_start3A_160 = tpu.memref_slice %arg27[%dma_start3A_159] : memref<50048xf32, #tpu.memory_space<vmem_shared>> -> memref<50048xf32, #tpu.memory_space<vmem_shared>>
        tpu.enqueue_indirect_dma source(%dma_start3A_155 : memref<80xf32, #tpu.memory_space<vmem>>) target(%dma_start3A_160 : memref<50048xf32, #tpu.memory_space<vmem_shared>>) offsets(%dma_start3A_158 : memref<80xi32, #tpu.memory_space<vmem>>) semaphore(%run_scoped3A_154 : memref<!tpu.dma_semaphore, #tpu.memory_space<semaphore_mem>>) {add = true}
        %dma_wait3A = arith.constant 400 : i32
        %dma_wait3A_161 = tpu.memref_slice %arg21[%dma_wait3A] : memref<2000xf32, #tpu.memory_space<vmem>> -> memref<80xf32, #tpu.memory_space<vmem>>
        %dma_wait3A_162 = arith.constant 0 : i32
        %dma_wait3A_163 = tpu.memref_slice %arg13[%run_scoped3A_115, %dma_wait3A_162] : memref<25x80xi32, #tpu.memory_space<vmem>> -> memref<1x80xi32, #tpu.memory_space<vmem>>
        %dma_wait3A_164 = tpu.memref_squeeze %dma_wait3A_163 : memref<1x80xi32, #tpu.memory_space<vmem>> -> memref<80xi32, #tpu.memory_space<vmem>>
        %dma_wait3A_165 = arith.constant 0 : i32
        %dma_wait3A_166 = tpu.memref_slice %arg27[%dma_wait3A_165] : memref<50048xf32, #tpu.memory_space<vmem_shared>> -> memref<50048xf32, #tpu.memory_space<vmem_shared>>
        tpu.wait_indirect_dma semaphore(%run_scoped3A_154 : memref<!tpu.dma_semaphore, #tpu.memory_space<semaphore_mem>>) src(%dma_wait3A_161 : memref<80xf32, #tpu.memory_space<vmem>>) dst(%dma_wait3A_166 : memref<50048xf32, #tpu.memory_space<vmem_shared>>)
        tpu.yield
      }) : () -> ()
      %run_scoped3A_116 = arith.constant 6 : i32
      "tpu.region"() ({
        %run_scoped3A_154 = tpu.sem_alloc : memref<!tpu.dma_semaphore, #tpu.memory_space<semaphore_mem>>
        %dma_start3A = arith.constant 480 : i32
        %dma_start3A_155 = tpu.memref_slice %arg20[%dma_start3A] : memref<2000xf32, #tpu.memory_space<vmem>> -> memref<80xf32, #tpu.memory_space<vmem>>
        %dma_start3A_156 = arith.constant 0 : i32
        %dma_start3A_157 = tpu.memref_slice %arg13[%run_scoped3A_116, %dma_start3A_156] : memref<25x80xi32, #tpu.memory_space<vmem>> -> memref<1x80xi32, #tpu.memory_space<vmem>>
        %dma_start3A_158 = tpu.memref_squeeze %dma_start3A_157 : memref<1x80xi32, #tpu.memory_space<vmem>> -> memref<80xi32, #tpu.memory_space<vmem>>
        %dma_start3A_159 = arith.constant 0 : i32
        %dma_start3A_160 = tpu.memref_slice %arg26[%dma_start3A_159] : memref<50048xf32, #tpu.memory_space<vmem_shared>> -> memref<50048xf32, #tpu.memory_space<vmem_shared>>
        tpu.enqueue_indirect_dma source(%dma_start3A_155 : memref<80xf32, #tpu.memory_space<vmem>>) target(%dma_start3A_160 : memref<50048xf32, #tpu.memory_space<vmem_shared>>) offsets(%dma_start3A_158 : memref<80xi32, #tpu.memory_space<vmem>>) semaphore(%run_scoped3A_154 : memref<!tpu.dma_semaphore, #tpu.memory_space<semaphore_mem>>) {add = true}
        %dma_wait3A = arith.constant 480 : i32
        %dma_wait3A_161 = tpu.memref_slice %arg20[%dma_wait3A] : memref<2000xf32, #tpu.memory_space<vmem>> -> memref<80xf32, #tpu.memory_space<vmem>>
        %dma_wait3A_162 = arith.constant 0 : i32
        %dma_wait3A_163 = tpu.memref_slice %arg13[%run_scoped3A_116, %dma_wait3A_162] : memref<25x80xi32, #tpu.memory_space<vmem>> -> memref<1x80xi32, #tpu.memory_space<vmem>>
        %dma_wait3A_164 = tpu.memref_squeeze %dma_wait3A_163 : memref<1x80xi32, #tpu.memory_space<vmem>> -> memref<80xi32, #tpu.memory_space<vmem>>
        %dma_wait3A_165 = arith.constant 0 : i32
        %dma_wait3A_166 = tpu.memref_slice %arg26[%dma_wait3A_165] : memref<50048xf32, #tpu.memory_space<vmem_shared>> -> memref<50048xf32, #tpu.memory_space<vmem_shared>>
        tpu.wait_indirect_dma semaphore(%run_scoped3A_154 : memref<!tpu.dma_semaphore, #tpu.memory_space<semaphore_mem>>) src(%dma_wait3A_161 : memref<80xf32, #tpu.memory_space<vmem>>) dst(%dma_wait3A_166 : memref<50048xf32, #tpu.memory_space<vmem_shared>>)
        tpu.yield
      }) : () -> ()
      %run_scoped3A_117 = arith.constant 6 : i32
      "tpu.region"() ({
        %run_scoped3A_154 = tpu.sem_alloc : memref<!tpu.dma_semaphore, #tpu.memory_space<semaphore_mem>>
        %dma_start3A = arith.constant 480 : i32
        %dma_start3A_155 = tpu.memref_slice %arg21[%dma_start3A] : memref<2000xf32, #tpu.memory_space<vmem>> -> memref<80xf32, #tpu.memory_space<vmem>>
        %dma_start3A_156 = arith.constant 0 : i32
        %dma_start3A_157 = tpu.memref_slice %arg13[%run_scoped3A_117, %dma_start3A_156] : memref<25x80xi32, #tpu.memory_space<vmem>> -> memref<1x80xi32, #tpu.memory_space<vmem>>
        %dma_start3A_158 = tpu.memref_squeeze %dma_start3A_157 : memref<1x80xi32, #tpu.memory_space<vmem>> -> memref<80xi32, #tpu.memory_space<vmem>>
        %dma_start3A_159 = arith.constant 0 : i32
        %dma_start3A_160 = tpu.memref_slice %arg27[%dma_start3A_159] : memref<50048xf32, #tpu.memory_space<vmem_shared>> -> memref<50048xf32, #tpu.memory_space<vmem_shared>>
        tpu.enqueue_indirect_dma source(%dma_start3A_155 : memref<80xf32, #tpu.memory_space<vmem>>) target(%dma_start3A_160 : memref<50048xf32, #tpu.memory_space<vmem_shared>>) offsets(%dma_start3A_158 : memref<80xi32, #tpu.memory_space<vmem>>) semaphore(%run_scoped3A_154 : memref<!tpu.dma_semaphore, #tpu.memory_space<semaphore_mem>>) {add = true}
        %dma_wait3A = arith.constant 480 : i32
        %dma_wait3A_161 = tpu.memref_slice %arg21[%dma_wait3A] : memref<2000xf32, #tpu.memory_space<vmem>> -> memref<80xf32, #tpu.memory_space<vmem>>
        %dma_wait3A_162 = arith.constant 0 : i32
        %dma_wait3A_163 = tpu.memref_slice %arg13[%run_scoped3A_117, %dma_wait3A_162] : memref<25x80xi32, #tpu.memory_space<vmem>> -> memref<1x80xi32, #tpu.memory_space<vmem>>
        %dma_wait3A_164 = tpu.memref_squeeze %dma_wait3A_163 : memref<1x80xi32, #tpu.memory_space<vmem>> -> memref<80xi32, #tpu.memory_space<vmem>>
        %dma_wait3A_165 = arith.constant 0 : i32
        %dma_wait3A_166 = tpu.memref_slice %arg27[%dma_wait3A_165] : memref<50048xf32, #tpu.memory_space<vmem_shared>> -> memref<50048xf32, #tpu.memory_space<vmem_shared>>
        tpu.wait_indirect_dma semaphore(%run_scoped3A_154 : memref<!tpu.dma_semaphore, #tpu.memory_space<semaphore_mem>>) src(%dma_wait3A_161 : memref<80xf32, #tpu.memory_space<vmem>>) dst(%dma_wait3A_166 : memref<50048xf32, #tpu.memory_space<vmem_shared>>)
        tpu.yield
      }) : () -> ()
      %run_scoped3A_118 = arith.constant 7 : i32
      "tpu.region"() ({
        %run_scoped3A_154 = tpu.sem_alloc : memref<!tpu.dma_semaphore, #tpu.memory_space<semaphore_mem>>
        %dma_start3A = arith.constant 560 : i32
        %dma_start3A_155 = tpu.memref_slice %arg20[%dma_start3A] : memref<2000xf32, #tpu.memory_space<vmem>> -> memref<80xf32, #tpu.memory_space<vmem>>
        %dma_start3A_156 = arith.constant 0 : i32
        %dma_start3A_157 = tpu.memref_slice %arg13[%run_scoped3A_118, %dma_start3A_156] : memref<25x80xi32, #tpu.memory_space<vmem>> -> memref<1x80xi32, #tpu.memory_space<vmem>>
        %dma_start3A_158 = tpu.memref_squeeze %dma_start3A_157 : memref<1x80xi32, #tpu.memory_space<vmem>> -> memref<80xi32, #tpu.memory_space<vmem>>
        %dma_start3A_159 = arith.constant 0 : i32
        %dma_start3A_160 = tpu.memref_slice %arg26[%dma_start3A_159] : memref<50048xf32, #tpu.memory_space<vmem_shared>> -> memref<50048xf32, #tpu.memory_space<vmem_shared>>
        tpu.enqueue_indirect_dma source(%dma_start3A_155 : memref<80xf32, #tpu.memory_space<vmem>>) target(%dma_start3A_160 : memref<50048xf32, #tpu.memory_space<vmem_shared>>) offsets(%dma_start3A_158 : memref<80xi32, #tpu.memory_space<vmem>>) semaphore(%run_scoped3A_154 : memref<!tpu.dma_semaphore, #tpu.memory_space<semaphore_mem>>) {add = true}
        %dma_wait3A = arith.constant 560 : i32
        %dma_wait3A_161 = tpu.memref_slice %arg20[%dma_wait3A] : memref<2000xf32, #tpu.memory_space<vmem>> -> memref<80xf32, #tpu.memory_space<vmem>>
        %dma_wait3A_162 = arith.constant 0 : i32
        %dma_wait3A_163 = tpu.memref_slice %arg13[%run_scoped3A_118, %dma_wait3A_162] : memref<25x80xi32, #tpu.memory_space<vmem>> -> memref<1x80xi32, #tpu.memory_space<vmem>>
        %dma_wait3A_164 = tpu.memref_squeeze %dma_wait3A_163 : memref<1x80xi32, #tpu.memory_space<vmem>> -> memref<80xi32, #tpu.memory_space<vmem>>
        %dma_wait3A_165 = arith.constant 0 : i32
        %dma_wait3A_166 = tpu.memref_slice %arg26[%dma_wait3A_165] : memref<50048xf32, #tpu.memory_space<vmem_shared>> -> memref<50048xf32, #tpu.memory_space<vmem_shared>>
        tpu.wait_indirect_dma semaphore(%run_scoped3A_154 : memref<!tpu.dma_semaphore, #tpu.memory_space<semaphore_mem>>) src(%dma_wait3A_161 : memref<80xf32, #tpu.memory_space<vmem>>) dst(%dma_wait3A_166 : memref<50048xf32, #tpu.memory_space<vmem_shared>>)
        tpu.yield
      }) : () -> ()
      %run_scoped3A_119 = arith.constant 7 : i32
      "tpu.region"() ({
        %run_scoped3A_154 = tpu.sem_alloc : memref<!tpu.dma_semaphore, #tpu.memory_space<semaphore_mem>>
        %dma_start3A = arith.constant 560 : i32
        %dma_start3A_155 = tpu.memref_slice %arg21[%dma_start3A] : memref<2000xf32, #tpu.memory_space<vmem>> -> memref<80xf32, #tpu.memory_space<vmem>>
        %dma_start3A_156 = arith.constant 0 : i32
        %dma_start3A_157 = tpu.memref_slice %arg13[%run_scoped3A_119, %dma_start3A_156] : memref<25x80xi32, #tpu.memory_space<vmem>> -> memref<1x80xi32, #tpu.memory_space<vmem>>
        %dma_start3A_158 = tpu.memref_squeeze %dma_start3A_157 : memref<1x80xi32, #tpu.memory_space<vmem>> -> memref<80xi32, #tpu.memory_space<vmem>>
        %dma_start3A_159 = arith.constant 0 : i32
        %dma_start3A_160 = tpu.memref_slice %arg27[%dma_start3A_159] : memref<50048xf32, #tpu.memory_space<vmem_shared>> -> memref<50048xf32, #tpu.memory_space<vmem_shared>>
        tpu.enqueue_indirect_dma source(%dma_start3A_155 : memref<80xf32, #tpu.memory_space<vmem>>) target(%dma_start3A_160 : memref<50048xf32, #tpu.memory_space<vmem_shared>>) offsets(%dma_start3A_158 : memref<80xi32, #tpu.memory_space<vmem>>) semaphore(%run_scoped3A_154 : memref<!tpu.dma_semaphore, #tpu.memory_space<semaphore_mem>>) {add = true}
        %dma_wait3A = arith.constant 560 : i32
        %dma_wait3A_161 = tpu.memref_slice %arg21[%dma_wait3A] : memref<2000xf32, #tpu.memory_space<vmem>> -> memref<80xf32, #tpu.memory_space<vmem>>
        %dma_wait3A_162 = arith.constant 0 : i32
        %dma_wait3A_163 = tpu.memref_slice %arg13[%run_scoped3A_119, %dma_wait3A_162] : memref<25x80xi32, #tpu.memory_space<vmem>> -> memref<1x80xi32, #tpu.memory_space<vmem>>
        %dma_wait3A_164 = tpu.memref_squeeze %dma_wait3A_163 : memref<1x80xi32, #tpu.memory_space<vmem>> -> memref<80xi32, #tpu.memory_space<vmem>>
        %dma_wait3A_165 = arith.constant 0 : i32
        %dma_wait3A_166 = tpu.memref_slice %arg27[%dma_wait3A_165] : memref<50048xf32, #tpu.memory_space<vmem_shared>> -> memref<50048xf32, #tpu.memory_space<vmem_shared>>
        tpu.wait_indirect_dma semaphore(%run_scoped3A_154 : memref<!tpu.dma_semaphore, #tpu.memory_space<semaphore_mem>>) src(%dma_wait3A_161 : memref<80xf32, #tpu.memory_space<vmem>>) dst(%dma_wait3A_166 : memref<50048xf32, #tpu.memory_space<vmem_shared>>)
        tpu.yield
      }) : () -> ()
      %run_scoped3A_120 = arith.constant 8 : i32
      "tpu.region"() ({
        %run_scoped3A_154 = tpu.sem_alloc : memref<!tpu.dma_semaphore, #tpu.memory_space<semaphore_mem>>
        %dma_start3A = arith.constant 640 : i32
        %dma_start3A_155 = tpu.memref_slice %arg20[%dma_start3A] : memref<2000xf32, #tpu.memory_space<vmem>> -> memref<80xf32, #tpu.memory_space<vmem>>
        %dma_start3A_156 = arith.constant 0 : i32
        %dma_start3A_157 = tpu.memref_slice %arg13[%run_scoped3A_120, %dma_start3A_156] : memref<25x80xi32, #tpu.memory_space<vmem>> -> memref<1x80xi32, #tpu.memory_space<vmem>>
        %dma_start3A_158 = tpu.memref_squeeze %dma_start3A_157 : memref<1x80xi32, #tpu.memory_space<vmem>> -> memref<80xi32, #tpu.memory_space<vmem>>
        %dma_start3A_159 = arith.constant 0 : i32
        %dma_start3A_160 = tpu.memref_slice %arg26[%dma_start3A_159] : memref<50048xf32, #tpu.memory_space<vmem_shared>> -> memref<50048xf32, #tpu.memory_space<vmem_shared>>
        tpu.enqueue_indirect_dma source(%dma_start3A_155 : memref<80xf32, #tpu.memory_space<vmem>>) target(%dma_start3A_160 : memref<50048xf32, #tpu.memory_space<vmem_shared>>) offsets(%dma_start3A_158 : memref<80xi32, #tpu.memory_space<vmem>>) semaphore(%run_scoped3A_154 : memref<!tpu.dma_semaphore, #tpu.memory_space<semaphore_mem>>) {add = true}
        %dma_wait3A = arith.constant 640 : i32
        %dma_wait3A_161 = tpu.memref_slice %arg20[%dma_wait3A] : memref<2000xf32, #tpu.memory_space<vmem>> -> memref<80xf32, #tpu.memory_space<vmem>>
        %dma_wait3A_162 = arith.constant 0 : i32
        %dma_wait3A_163 = tpu.memref_slice %arg13[%run_scoped3A_120, %dma_wait3A_162] : memref<25x80xi32, #tpu.memory_space<vmem>> -> memref<1x80xi32, #tpu.memory_space<vmem>>
        %dma_wait3A_164 = tpu.memref_squeeze %dma_wait3A_163 : memref<1x80xi32, #tpu.memory_space<vmem>> -> memref<80xi32, #tpu.memory_space<vmem>>
        %dma_wait3A_165 = arith.constant 0 : i32
        %dma_wait3A_166 = tpu.memref_slice %arg26[%dma_wait3A_165] : memref<50048xf32, #tpu.memory_space<vmem_shared>> -> memref<50048xf32, #tpu.memory_space<vmem_shared>>
        tpu.wait_indirect_dma semaphore(%run_scoped3A_154 : memref<!tpu.dma_semaphore, #tpu.memory_space<semaphore_mem>>) src(%dma_wait3A_161 : memref<80xf32, #tpu.memory_space<vmem>>) dst(%dma_wait3A_166 : memref<50048xf32, #tpu.memory_space<vmem_shared>>)
        tpu.yield
      }) : () -> ()
      %run_scoped3A_121 = arith.constant 8 : i32
      "tpu.region"() ({
        %run_scoped3A_154 = tpu.sem_alloc : memref<!tpu.dma_semaphore, #tpu.memory_space<semaphore_mem>>
        %dma_start3A = arith.constant 640 : i32
        %dma_start3A_155 = tpu.memref_slice %arg21[%dma_start3A] : memref<2000xf32, #tpu.memory_space<vmem>> -> memref<80xf32, #tpu.memory_space<vmem>>
        %dma_start3A_156 = arith.constant 0 : i32
        %dma_start3A_157 = tpu.memref_slice %arg13[%run_scoped3A_121, %dma_start3A_156] : memref<25x80xi32, #tpu.memory_space<vmem>> -> memref<1x80xi32, #tpu.memory_space<vmem>>
        %dma_start3A_158 = tpu.memref_squeeze %dma_start3A_157 : memref<1x80xi32, #tpu.memory_space<vmem>> -> memref<80xi32, #tpu.memory_space<vmem>>
        %dma_start3A_159 = arith.constant 0 : i32
        %dma_start3A_160 = tpu.memref_slice %arg27[%dma_start3A_159] : memref<50048xf32, #tpu.memory_space<vmem_shared>> -> memref<50048xf32, #tpu.memory_space<vmem_shared>>
        tpu.enqueue_indirect_dma source(%dma_start3A_155 : memref<80xf32, #tpu.memory_space<vmem>>) target(%dma_start3A_160 : memref<50048xf32, #tpu.memory_space<vmem_shared>>) offsets(%dma_start3A_158 : memref<80xi32, #tpu.memory_space<vmem>>) semaphore(%run_scoped3A_154 : memref<!tpu.dma_semaphore, #tpu.memory_space<semaphore_mem>>) {add = true}
        %dma_wait3A = arith.constant 640 : i32
        %dma_wait3A_161 = tpu.memref_slice %arg21[%dma_wait3A] : memref<2000xf32, #tpu.memory_space<vmem>> -> memref<80xf32, #tpu.memory_space<vmem>>
        %dma_wait3A_162 = arith.constant 0 : i32
        %dma_wait3A_163 = tpu.memref_slice %arg13[%run_scoped3A_121, %dma_wait3A_162] : memref<25x80xi32, #tpu.memory_space<vmem>> -> memref<1x80xi32, #tpu.memory_space<vmem>>
        %dma_wait3A_164 = tpu.memref_squeeze %dma_wait3A_163 : memref<1x80xi32, #tpu.memory_space<vmem>> -> memref<80xi32, #tpu.memory_space<vmem>>
        %dma_wait3A_165 = arith.constant 0 : i32
        %dma_wait3A_166 = tpu.memref_slice %arg27[%dma_wait3A_165] : memref<50048xf32, #tpu.memory_space<vmem_shared>> -> memref<50048xf32, #tpu.memory_space<vmem_shared>>
        tpu.wait_indirect_dma semaphore(%run_scoped3A_154 : memref<!tpu.dma_semaphore, #tpu.memory_space<semaphore_mem>>) src(%dma_wait3A_161 : memref<80xf32, #tpu.memory_space<vmem>>) dst(%dma_wait3A_166 : memref<50048xf32, #tpu.memory_space<vmem_shared>>)
        tpu.yield
      }) : () -> ()
      %run_scoped3A_122 = arith.constant 9 : i32
      "tpu.region"() ({
        %run_scoped3A_154 = tpu.sem_alloc : memref<!tpu.dma_semaphore, #tpu.memory_space<semaphore_mem>>
        %dma_start3A = arith.constant 720 : i32
        %dma_start3A_155 = tpu.memref_slice %arg20[%dma_start3A] : memref<2000xf32, #tpu.memory_space<vmem>> -> memref<80xf32, #tpu.memory_space<vmem>>
        %dma_start3A_156 = arith.constant 0 : i32
        %dma_start3A_157 = tpu.memref_slice %arg13[%run_scoped3A_122, %dma_start3A_156] : memref<25x80xi32, #tpu.memory_space<vmem>> -> memref<1x80xi32, #tpu.memory_space<vmem>>
        %dma_start3A_158 = tpu.memref_squeeze %dma_start3A_157 : memref<1x80xi32, #tpu.memory_space<vmem>> -> memref<80xi32, #tpu.memory_space<vmem>>
        %dma_start3A_159 = arith.constant 0 : i32
        %dma_start3A_160 = tpu.memref_slice %arg26[%dma_start3A_159] : memref<50048xf32, #tpu.memory_space<vmem_shared>> -> memref<50048xf32, #tpu.memory_space<vmem_shared>>
        tpu.enqueue_indirect_dma source(%dma_start3A_155 : memref<80xf32, #tpu.memory_space<vmem>>) target(%dma_start3A_160 : memref<50048xf32, #tpu.memory_space<vmem_shared>>) offsets(%dma_start3A_158 : memref<80xi32, #tpu.memory_space<vmem>>) semaphore(%run_scoped3A_154 : memref<!tpu.dma_semaphore, #tpu.memory_space<semaphore_mem>>) {add = true}
        %dma_wait3A = arith.constant 720 : i32
        %dma_wait3A_161 = tpu.memref_slice %arg20[%dma_wait3A] : memref<2000xf32, #tpu.memory_space<vmem>> -> memref<80xf32, #tpu.memory_space<vmem>>
        %dma_wait3A_162 = arith.constant 0 : i32
        %dma_wait3A_163 = tpu.memref_slice %arg13[%run_scoped3A_122, %dma_wait3A_162] : memref<25x80xi32, #tpu.memory_space<vmem>> -> memref<1x80xi32, #tpu.memory_space<vmem>>
        %dma_wait3A_164 = tpu.memref_squeeze %dma_wait3A_163 : memref<1x80xi32, #tpu.memory_space<vmem>> -> memref<80xi32, #tpu.memory_space<vmem>>
        %dma_wait3A_165 = arith.constant 0 : i32
        %dma_wait3A_166 = tpu.memref_slice %arg26[%dma_wait3A_165] : memref<50048xf32, #tpu.memory_space<vmem_shared>> -> memref<50048xf32, #tpu.memory_space<vmem_shared>>
        tpu.wait_indirect_dma semaphore(%run_scoped3A_154 : memref<!tpu.dma_semaphore, #tpu.memory_space<semaphore_mem>>) src(%dma_wait3A_161 : memref<80xf32, #tpu.memory_space<vmem>>) dst(%dma_wait3A_166 : memref<50048xf32, #tpu.memory_space<vmem_shared>>)
        tpu.yield
      }) : () -> ()
      %run_scoped3A_123 = arith.constant 9 : i32
      "tpu.region"() ({
        %run_scoped3A_154 = tpu.sem_alloc : memref<!tpu.dma_semaphore, #tpu.memory_space<semaphore_mem>>
        %dma_start3A = arith.constant 720 : i32
        %dma_start3A_155 = tpu.memref_slice %arg21[%dma_start3A] : memref<2000xf32, #tpu.memory_space<vmem>> -> memref<80xf32, #tpu.memory_space<vmem>>
        %dma_start3A_156 = arith.constant 0 : i32
        %dma_start3A_157 = tpu.memref_slice %arg13[%run_scoped3A_123, %dma_start3A_156] : memref<25x80xi32, #tpu.memory_space<vmem>> -> memref<1x80xi32, #tpu.memory_space<vmem>>
        %dma_start3A_158 = tpu.memref_squeeze %dma_start3A_157 : memref<1x80xi32, #tpu.memory_space<vmem>> -> memref<80xi32, #tpu.memory_space<vmem>>
        %dma_start3A_159 = arith.constant 0 : i32
        %dma_start3A_160 = tpu.memref_slice %arg27[%dma_start3A_159] : memref<50048xf32, #tpu.memory_space<vmem_shared>> -> memref<50048xf32, #tpu.memory_space<vmem_shared>>
        tpu.enqueue_indirect_dma source(%dma_start3A_155 : memref<80xf32, #tpu.memory_space<vmem>>) target(%dma_start3A_160 : memref<50048xf32, #tpu.memory_space<vmem_shared>>) offsets(%dma_start3A_158 : memref<80xi32, #tpu.memory_space<vmem>>) semaphore(%run_scoped3A_154 : memref<!tpu.dma_semaphore, #tpu.memory_space<semaphore_mem>>) {add = true}
        %dma_wait3A = arith.constant 720 : i32
        %dma_wait3A_161 = tpu.memref_slice %arg21[%dma_wait3A] : memref<2000xf32, #tpu.memory_space<vmem>> -> memref<80xf32, #tpu.memory_space<vmem>>
        %dma_wait3A_162 = arith.constant 0 : i32
        %dma_wait3A_163 = tpu.memref_slice %arg13[%run_scoped3A_123, %dma_wait3A_162] : memref<25x80xi32, #tpu.memory_space<vmem>> -> memref<1x80xi32, #tpu.memory_space<vmem>>
        %dma_wait3A_164 = tpu.memref_squeeze %dma_wait3A_163 : memref<1x80xi32, #tpu.memory_space<vmem>> -> memref<80xi32, #tpu.memory_space<vmem>>
        %dma_wait3A_165 = arith.constant 0 : i32
        %dma_wait3A_166 = tpu.memref_slice %arg27[%dma_wait3A_165] : memref<50048xf32, #tpu.memory_space<vmem_shared>> -> memref<50048xf32, #tpu.memory_space<vmem_shared>>
        tpu.wait_indirect_dma semaphore(%run_scoped3A_154 : memref<!tpu.dma_semaphore, #tpu.memory_space<semaphore_mem>>) src(%dma_wait3A_161 : memref<80xf32, #tpu.memory_space<vmem>>) dst(%dma_wait3A_166 : memref<50048xf32, #tpu.memory_space<vmem_shared>>)
        tpu.yield
      }) : () -> ()
      %run_scoped3A_124 = arith.constant 10 : i32
      "tpu.region"() ({
        %run_scoped3A_154 = tpu.sem_alloc : memref<!tpu.dma_semaphore, #tpu.memory_space<semaphore_mem>>
        %dma_start3A = arith.constant 800 : i32
        %dma_start3A_155 = tpu.memref_slice %arg20[%dma_start3A] : memref<2000xf32, #tpu.memory_space<vmem>> -> memref<80xf32, #tpu.memory_space<vmem>>
        %dma_start3A_156 = arith.constant 0 : i32
        %dma_start3A_157 = tpu.memref_slice %arg13[%run_scoped3A_124, %dma_start3A_156] : memref<25x80xi32, #tpu.memory_space<vmem>> -> memref<1x80xi32, #tpu.memory_space<vmem>>
        %dma_start3A_158 = tpu.memref_squeeze %dma_start3A_157 : memref<1x80xi32, #tpu.memory_space<vmem>> -> memref<80xi32, #tpu.memory_space<vmem>>
        %dma_start3A_159 = arith.constant 0 : i32
        %dma_start3A_160 = tpu.memref_slice %arg26[%dma_start3A_159] : memref<50048xf32, #tpu.memory_space<vmem_shared>> -> memref<50048xf32, #tpu.memory_space<vmem_shared>>
        tpu.enqueue_indirect_dma source(%dma_start3A_155 : memref<80xf32, #tpu.memory_space<vmem>>) target(%dma_start3A_160 : memref<50048xf32, #tpu.memory_space<vmem_shared>>) offsets(%dma_start3A_158 : memref<80xi32, #tpu.memory_space<vmem>>) semaphore(%run_scoped3A_154 : memref<!tpu.dma_semaphore, #tpu.memory_space<semaphore_mem>>) {add = true}
        %dma_wait3A = arith.constant 800 : i32
        %dma_wait3A_161 = tpu.memref_slice %arg20[%dma_wait3A] : memref<2000xf32, #tpu.memory_space<vmem>> -> memref<80xf32, #tpu.memory_space<vmem>>
        %dma_wait3A_162 = arith.constant 0 : i32
        %dma_wait3A_163 = tpu.memref_slice %arg13[%run_scoped3A_124, %dma_wait3A_162] : memref<25x80xi32, #tpu.memory_space<vmem>> -> memref<1x80xi32, #tpu.memory_space<vmem>>
        %dma_wait3A_164 = tpu.memref_squeeze %dma_wait3A_163 : memref<1x80xi32, #tpu.memory_space<vmem>> -> memref<80xi32, #tpu.memory_space<vmem>>
        %dma_wait3A_165 = arith.constant 0 : i32
        %dma_wait3A_166 = tpu.memref_slice %arg26[%dma_wait3A_165] : memref<50048xf32, #tpu.memory_space<vmem_shared>> -> memref<50048xf32, #tpu.memory_space<vmem_shared>>
        tpu.wait_indirect_dma semaphore(%run_scoped3A_154 : memref<!tpu.dma_semaphore, #tpu.memory_space<semaphore_mem>>) src(%dma_wait3A_161 : memref<80xf32, #tpu.memory_space<vmem>>) dst(%dma_wait3A_166 : memref<50048xf32, #tpu.memory_space<vmem_shared>>)
        tpu.yield
      }) : () -> ()
      %run_scoped3A_125 = arith.constant 10 : i32
      "tpu.region"() ({
        %run_scoped3A_154 = tpu.sem_alloc : memref<!tpu.dma_semaphore, #tpu.memory_space<semaphore_mem>>
        %dma_start3A = arith.constant 800 : i32
        %dma_start3A_155 = tpu.memref_slice %arg21[%dma_start3A] : memref<2000xf32, #tpu.memory_space<vmem>> -> memref<80xf32, #tpu.memory_space<vmem>>
        %dma_start3A_156 = arith.constant 0 : i32
        %dma_start3A_157 = tpu.memref_slice %arg13[%run_scoped3A_125, %dma_start3A_156] : memref<25x80xi32, #tpu.memory_space<vmem>> -> memref<1x80xi32, #tpu.memory_space<vmem>>
        %dma_start3A_158 = tpu.memref_squeeze %dma_start3A_157 : memref<1x80xi32, #tpu.memory_space<vmem>> -> memref<80xi32, #tpu.memory_space<vmem>>
        %dma_start3A_159 = arith.constant 0 : i32
        %dma_start3A_160 = tpu.memref_slice %arg27[%dma_start3A_159] : memref<50048xf32, #tpu.memory_space<vmem_shared>> -> memref<50048xf32, #tpu.memory_space<vmem_shared>>
        tpu.enqueue_indirect_dma source(%dma_start3A_155 : memref<80xf32, #tpu.memory_space<vmem>>) target(%dma_start3A_160 : memref<50048xf32, #tpu.memory_space<vmem_shared>>) offsets(%dma_start3A_158 : memref<80xi32, #tpu.memory_space<vmem>>) semaphore(%run_scoped3A_154 : memref<!tpu.dma_semaphore, #tpu.memory_space<semaphore_mem>>) {add = true}
        %dma_wait3A = arith.constant 800 : i32
        %dma_wait3A_161 = tpu.memref_slice %arg21[%dma_wait3A] : memref<2000xf32, #tpu.memory_space<vmem>> -> memref<80xf32, #tpu.memory_space<vmem>>
        %dma_wait3A_162 = arith.constant 0 : i32
        %dma_wait3A_163 = tpu.memref_slice %arg13[%run_scoped3A_125, %dma_wait3A_162] : memref<25x80xi32, #tpu.memory_space<vmem>> -> memref<1x80xi32, #tpu.memory_space<vmem>>
        %dma_wait3A_164 = tpu.memref_squeeze %dma_wait3A_163 : memref<1x80xi32, #tpu.memory_space<vmem>> -> memref<80xi32, #tpu.memory_space<vmem>>
        %dma_wait3A_165 = arith.constant 0 : i32
        %dma_wait3A_166 = tpu.memref_slice %arg27[%dma_wait3A_165] : memref<50048xf32, #tpu.memory_space<vmem_shared>> -> memref<50048xf32, #tpu.memory_space<vmem_shared>>
        tpu.wait_indirect_dma semaphore(%run_scoped3A_154 : memref<!tpu.dma_semaphore, #tpu.memory_space<semaphore_mem>>) src(%dma_wait3A_161 : memref<80xf32, #tpu.memory_space<vmem>>) dst(%dma_wait3A_166 : memref<50048xf32, #tpu.memory_space<vmem_shared>>)
        tpu.yield
      }) : () -> ()
      %run_scoped3A_126 = arith.constant 11 : i32
      "tpu.region"() ({
        %run_scoped3A_154 = tpu.sem_alloc : memref<!tpu.dma_semaphore, #tpu.memory_space<semaphore_mem>>
        %dma_start3A = arith.constant 880 : i32
        %dma_start3A_155 = tpu.memref_slice %arg20[%dma_start3A] : memref<2000xf32, #tpu.memory_space<vmem>> -> memref<80xf32, #tpu.memory_space<vmem>>
        %dma_start3A_156 = arith.constant 0 : i32
        %dma_start3A_157 = tpu.memref_slice %arg13[%run_scoped3A_126, %dma_start3A_156] : memref<25x80xi32, #tpu.memory_space<vmem>> -> memref<1x80xi32, #tpu.memory_space<vmem>>
        %dma_start3A_158 = tpu.memref_squeeze %dma_start3A_157 : memref<1x80xi32, #tpu.memory_space<vmem>> -> memref<80xi32, #tpu.memory_space<vmem>>
        %dma_start3A_159 = arith.constant 0 : i32
        %dma_start3A_160 = tpu.memref_slice %arg26[%dma_start3A_159] : memref<50048xf32, #tpu.memory_space<vmem_shared>> -> memref<50048xf32, #tpu.memory_space<vmem_shared>>
        tpu.enqueue_indirect_dma source(%dma_start3A_155 : memref<80xf32, #tpu.memory_space<vmem>>) target(%dma_start3A_160 : memref<50048xf32, #tpu.memory_space<vmem_shared>>) offsets(%dma_start3A_158 : memref<80xi32, #tpu.memory_space<vmem>>) semaphore(%run_scoped3A_154 : memref<!tpu.dma_semaphore, #tpu.memory_space<semaphore_mem>>) {add = true}
        %dma_wait3A = arith.constant 880 : i32
        %dma_wait3A_161 = tpu.memref_slice %arg20[%dma_wait3A] : memref<2000xf32, #tpu.memory_space<vmem>> -> memref<80xf32, #tpu.memory_space<vmem>>
        %dma_wait3A_162 = arith.constant 0 : i32
        %dma_wait3A_163 = tpu.memref_slice %arg13[%run_scoped3A_126, %dma_wait3A_162] : memref<25x80xi32, #tpu.memory_space<vmem>> -> memref<1x80xi32, #tpu.memory_space<vmem>>
        %dma_wait3A_164 = tpu.memref_squeeze %dma_wait3A_163 : memref<1x80xi32, #tpu.memory_space<vmem>> -> memref<80xi32, #tpu.memory_space<vmem>>
        %dma_wait3A_165 = arith.constant 0 : i32
        %dma_wait3A_166 = tpu.memref_slice %arg26[%dma_wait3A_165] : memref<50048xf32, #tpu.memory_space<vmem_shared>> -> memref<50048xf32, #tpu.memory_space<vmem_shared>>
        tpu.wait_indirect_dma semaphore(%run_scoped3A_154 : memref<!tpu.dma_semaphore, #tpu.memory_space<semaphore_mem>>) src(%dma_wait3A_161 : memref<80xf32, #tpu.memory_space<vmem>>) dst(%dma_wait3A_166 : memref<50048xf32, #tpu.memory_space<vmem_shared>>)
        tpu.yield
      }) : () -> ()
      %run_scoped3A_127 = arith.constant 11 : i32
      "tpu.region"() ({
        %run_scoped3A_154 = tpu.sem_alloc : memref<!tpu.dma_semaphore, #tpu.memory_space<semaphore_mem>>
        %dma_start3A = arith.constant 880 : i32
        %dma_start3A_155 = tpu.memref_slice %arg21[%dma_start3A] : memref<2000xf32, #tpu.memory_space<vmem>> -> memref<80xf32, #tpu.memory_space<vmem>>
        %dma_start3A_156 = arith.constant 0 : i32
        %dma_start3A_157 = tpu.memref_slice %arg13[%run_scoped3A_127, %dma_start3A_156] : memref<25x80xi32, #tpu.memory_space<vmem>> -> memref<1x80xi32, #tpu.memory_space<vmem>>
        %dma_start3A_158 = tpu.memref_squeeze %dma_start3A_157 : memref<1x80xi32, #tpu.memory_space<vmem>> -> memref<80xi32, #tpu.memory_space<vmem>>
        %dma_start3A_159 = arith.constant 0 : i32
        %dma_start3A_160 = tpu.memref_slice %arg27[%dma_start3A_159] : memref<50048xf32, #tpu.memory_space<vmem_shared>> -> memref<50048xf32, #tpu.memory_space<vmem_shared>>
        tpu.enqueue_indirect_dma source(%dma_start3A_155 : memref<80xf32, #tpu.memory_space<vmem>>) target(%dma_start3A_160 : memref<50048xf32, #tpu.memory_space<vmem_shared>>) offsets(%dma_start3A_158 : memref<80xi32, #tpu.memory_space<vmem>>) semaphore(%run_scoped3A_154 : memref<!tpu.dma_semaphore, #tpu.memory_space<semaphore_mem>>) {add = true}
        %dma_wait3A = arith.constant 880 : i32
        %dma_wait3A_161 = tpu.memref_slice %arg21[%dma_wait3A] : memref<2000xf32, #tpu.memory_space<vmem>> -> memref<80xf32, #tpu.memory_space<vmem>>
        %dma_wait3A_162 = arith.constant 0 : i32
        %dma_wait3A_163 = tpu.memref_slice %arg13[%run_scoped3A_127, %dma_wait3A_162] : memref<25x80xi32, #tpu.memory_space<vmem>> -> memref<1x80xi32, #tpu.memory_space<vmem>>
        %dma_wait3A_164 = tpu.memref_squeeze %dma_wait3A_163 : memref<1x80xi32, #tpu.memory_space<vmem>> -> memref<80xi32, #tpu.memory_space<vmem>>
        %dma_wait3A_165 = arith.constant 0 : i32
        %dma_wait3A_166 = tpu.memref_slice %arg27[%dma_wait3A_165] : memref<50048xf32, #tpu.memory_space<vmem_shared>> -> memref<50048xf32, #tpu.memory_space<vmem_shared>>
        tpu.wait_indirect_dma semaphore(%run_scoped3A_154 : memref<!tpu.dma_semaphore, #tpu.memory_space<semaphore_mem>>) src(%dma_wait3A_161 : memref<80xf32, #tpu.memory_space<vmem>>) dst(%dma_wait3A_166 : memref<50048xf32, #tpu.memory_space<vmem_shared>>)
        tpu.yield
      }) : () -> ()
      %run_scoped3A_128 = arith.constant 12 : i32
      "tpu.region"() ({
        %run_scoped3A_154 = tpu.sem_alloc : memref<!tpu.dma_semaphore, #tpu.memory_space<semaphore_mem>>
        %dma_start3A = arith.constant 960 : i32
        %dma_start3A_155 = tpu.memref_slice %arg20[%dma_start3A] : memref<2000xf32, #tpu.memory_space<vmem>> -> memref<80xf32, #tpu.memory_space<vmem>>
        %dma_start3A_156 = arith.constant 0 : i32
        %dma_start3A_157 = tpu.memref_slice %arg13[%run_scoped3A_128, %dma_start3A_156] : memref<25x80xi32, #tpu.memory_space<vmem>> -> memref<1x80xi32, #tpu.memory_space<vmem>>
        %dma_start3A_158 = tpu.memref_squeeze %dma_start3A_157 : memref<1x80xi32, #tpu.memory_space<vmem>> -> memref<80xi32, #tpu.memory_space<vmem>>
        %dma_start3A_159 = arith.constant 0 : i32
        %dma_start3A_160 = tpu.memref_slice %arg26[%dma_start3A_159] : memref<50048xf32, #tpu.memory_space<vmem_shared>> -> memref<50048xf32, #tpu.memory_space<vmem_shared>>
        tpu.enqueue_indirect_dma source(%dma_start3A_155 : memref<80xf32, #tpu.memory_space<vmem>>) target(%dma_start3A_160 : memref<50048xf32, #tpu.memory_space<vmem_shared>>) offsets(%dma_start3A_158 : memref<80xi32, #tpu.memory_space<vmem>>) semaphore(%run_scoped3A_154 : memref<!tpu.dma_semaphore, #tpu.memory_space<semaphore_mem>>) {add = true}
        %dma_wait3A = arith.constant 960 : i32
        %dma_wait3A_161 = tpu.memref_slice %arg20[%dma_wait3A] : memref<2000xf32, #tpu.memory_space<vmem>> -> memref<80xf32, #tpu.memory_space<vmem>>
        %dma_wait3A_162 = arith.constant 0 : i32
        %dma_wait3A_163 = tpu.memref_slice %arg13[%run_scoped3A_128, %dma_wait3A_162] : memref<25x80xi32, #tpu.memory_space<vmem>> -> memref<1x80xi32, #tpu.memory_space<vmem>>
        %dma_wait3A_164 = tpu.memref_squeeze %dma_wait3A_163 : memref<1x80xi32, #tpu.memory_space<vmem>> -> memref<80xi32, #tpu.memory_space<vmem>>
        %dma_wait3A_165 = arith.constant 0 : i32
        %dma_wait3A_166 = tpu.memref_slice %arg26[%dma_wait3A_165] : memref<50048xf32, #tpu.memory_space<vmem_shared>> -> memref<50048xf32, #tpu.memory_space<vmem_shared>>
        tpu.wait_indirect_dma semaphore(%run_scoped3A_154 : memref<!tpu.dma_semaphore, #tpu.memory_space<semaphore_mem>>) src(%dma_wait3A_161 : memref<80xf32, #tpu.memory_space<vmem>>) dst(%dma_wait3A_166 : memref<50048xf32, #tpu.memory_space<vmem_shared>>)
        tpu.yield
      }) : () -> ()
      %run_scoped3A_129 = arith.constant 12 : i32
      "tpu.region"() ({
        %run_scoped3A_154 = tpu.sem_alloc : memref<!tpu.dma_semaphore, #tpu.memory_space<semaphore_mem>>
        %dma_start3A = arith.constant 960 : i32
        %dma_start3A_155 = tpu.memref_slice %arg21[%dma_start3A] : memref<2000xf32, #tpu.memory_space<vmem>> -> memref<80xf32, #tpu.memory_space<vmem>>
        %dma_start3A_156 = arith.constant 0 : i32
        %dma_start3A_157 = tpu.memref_slice %arg13[%run_scoped3A_129, %dma_start3A_156] : memref<25x80xi32, #tpu.memory_space<vmem>> -> memref<1x80xi32, #tpu.memory_space<vmem>>
        %dma_start3A_158 = tpu.memref_squeeze %dma_start3A_157 : memref<1x80xi32, #tpu.memory_space<vmem>> -> memref<80xi32, #tpu.memory_space<vmem>>
        %dma_start3A_159 = arith.constant 0 : i32
        %dma_start3A_160 = tpu.memref_slice %arg27[%dma_start3A_159] : memref<50048xf32, #tpu.memory_space<vmem_shared>> -> memref<50048xf32, #tpu.memory_space<vmem_shared>>
        tpu.enqueue_indirect_dma source(%dma_start3A_155 : memref<80xf32, #tpu.memory_space<vmem>>) target(%dma_start3A_160 : memref<50048xf32, #tpu.memory_space<vmem_shared>>) offsets(%dma_start3A_158 : memref<80xi32, #tpu.memory_space<vmem>>) semaphore(%run_scoped3A_154 : memref<!tpu.dma_semaphore, #tpu.memory_space<semaphore_mem>>) {add = true}
        %dma_wait3A = arith.constant 960 : i32
        %dma_wait3A_161 = tpu.memref_slice %arg21[%dma_wait3A] : memref<2000xf32, #tpu.memory_space<vmem>> -> memref<80xf32, #tpu.memory_space<vmem>>
        %dma_wait3A_162 = arith.constant 0 : i32
        %dma_wait3A_163 = tpu.memref_slice %arg13[%run_scoped3A_129, %dma_wait3A_162] : memref<25x80xi32, #tpu.memory_space<vmem>> -> memref<1x80xi32, #tpu.memory_space<vmem>>
        %dma_wait3A_164 = tpu.memref_squeeze %dma_wait3A_163 : memref<1x80xi32, #tpu.memory_space<vmem>> -> memref<80xi32, #tpu.memory_space<vmem>>
        %dma_wait3A_165 = arith.constant 0 : i32
        %dma_wait3A_166 = tpu.memref_slice %arg27[%dma_wait3A_165] : memref<50048xf32, #tpu.memory_space<vmem_shared>> -> memref<50048xf32, #tpu.memory_space<vmem_shared>>
        tpu.wait_indirect_dma semaphore(%run_scoped3A_154 : memref<!tpu.dma_semaphore, #tpu.memory_space<semaphore_mem>>) src(%dma_wait3A_161 : memref<80xf32, #tpu.memory_space<vmem>>) dst(%dma_wait3A_166 : memref<50048xf32, #tpu.memory_space<vmem_shared>>)
        tpu.yield
      }) : () -> ()
      %run_scoped3A_130 = arith.constant 13 : i32
      "tpu.region"() ({
        %run_scoped3A_154 = tpu.sem_alloc : memref<!tpu.dma_semaphore, #tpu.memory_space<semaphore_mem>>
        %dma_start3A = arith.constant 1040 : i32
        %dma_start3A_155 = tpu.memref_slice %arg20[%dma_start3A] : memref<2000xf32, #tpu.memory_space<vmem>> -> memref<80xf32, #tpu.memory_space<vmem>>
        %dma_start3A_156 = arith.constant 0 : i32
        %dma_start3A_157 = tpu.memref_slice %arg13[%run_scoped3A_130, %dma_start3A_156] : memref<25x80xi32, #tpu.memory_space<vmem>> -> memref<1x80xi32, #tpu.memory_space<vmem>>
        %dma_start3A_158 = tpu.memref_squeeze %dma_start3A_157 : memref<1x80xi32, #tpu.memory_space<vmem>> -> memref<80xi32, #tpu.memory_space<vmem>>
        %dma_start3A_159 = arith.constant 0 : i32
        %dma_start3A_160 = tpu.memref_slice %arg26[%dma_start3A_159] : memref<50048xf32, #tpu.memory_space<vmem_shared>> -> memref<50048xf32, #tpu.memory_space<vmem_shared>>
        tpu.enqueue_indirect_dma source(%dma_start3A_155 : memref<80xf32, #tpu.memory_space<vmem>>) target(%dma_start3A_160 : memref<50048xf32, #tpu.memory_space<vmem_shared>>) offsets(%dma_start3A_158 : memref<80xi32, #tpu.memory_space<vmem>>) semaphore(%run_scoped3A_154 : memref<!tpu.dma_semaphore, #tpu.memory_space<semaphore_mem>>) {add = true}
        %dma_wait3A = arith.constant 1040 : i32
        %dma_wait3A_161 = tpu.memref_slice %arg20[%dma_wait3A] : memref<2000xf32, #tpu.memory_space<vmem>> -> memref<80xf32, #tpu.memory_space<vmem>>
        %dma_wait3A_162 = arith.constant 0 : i32
        %dma_wait3A_163 = tpu.memref_slice %arg13[%run_scoped3A_130, %dma_wait3A_162] : memref<25x80xi32, #tpu.memory_space<vmem>> -> memref<1x80xi32, #tpu.memory_space<vmem>>
        %dma_wait3A_164 = tpu.memref_squeeze %dma_wait3A_163 : memref<1x80xi32, #tpu.memory_space<vmem>> -> memref<80xi32, #tpu.memory_space<vmem>>
        %dma_wait3A_165 = arith.constant 0 : i32
        %dma_wait3A_166 = tpu.memref_slice %arg26[%dma_wait3A_165] : memref<50048xf32, #tpu.memory_space<vmem_shared>> -> memref<50048xf32, #tpu.memory_space<vmem_shared>>
        tpu.wait_indirect_dma semaphore(%run_scoped3A_154 : memref<!tpu.dma_semaphore, #tpu.memory_space<semaphore_mem>>) src(%dma_wait3A_161 : memref<80xf32, #tpu.memory_space<vmem>>) dst(%dma_wait3A_166 : memref<50048xf32, #tpu.memory_space<vmem_shared>>)
        tpu.yield
      }) : () -> ()
      %run_scoped3A_131 = arith.constant 13 : i32
      "tpu.region"() ({
        %run_scoped3A_154 = tpu.sem_alloc : memref<!tpu.dma_semaphore, #tpu.memory_space<semaphore_mem>>
        %dma_start3A = arith.constant 1040 : i32
        %dma_start3A_155 = tpu.memref_slice %arg21[%dma_start3A] : memref<2000xf32, #tpu.memory_space<vmem>> -> memref<80xf32, #tpu.memory_space<vmem>>
        %dma_start3A_156 = arith.constant 0 : i32
        %dma_start3A_157 = tpu.memref_slice %arg13[%run_scoped3A_131, %dma_start3A_156] : memref<25x80xi32, #tpu.memory_space<vmem>> -> memref<1x80xi32, #tpu.memory_space<vmem>>
        %dma_start3A_158 = tpu.memref_squeeze %dma_start3A_157 : memref<1x80xi32, #tpu.memory_space<vmem>> -> memref<80xi32, #tpu.memory_space<vmem>>
        %dma_start3A_159 = arith.constant 0 : i32
        %dma_start3A_160 = tpu.memref_slice %arg27[%dma_start3A_159] : memref<50048xf32, #tpu.memory_space<vmem_shared>> -> memref<50048xf32, #tpu.memory_space<vmem_shared>>
        tpu.enqueue_indirect_dma source(%dma_start3A_155 : memref<80xf32, #tpu.memory_space<vmem>>) target(%dma_start3A_160 : memref<50048xf32, #tpu.memory_space<vmem_shared>>) offsets(%dma_start3A_158 : memref<80xi32, #tpu.memory_space<vmem>>) semaphore(%run_scoped3A_154 : memref<!tpu.dma_semaphore, #tpu.memory_space<semaphore_mem>>) {add = true}
        %dma_wait3A = arith.constant 1040 : i32
        %dma_wait3A_161 = tpu.memref_slice %arg21[%dma_wait3A] : memref<2000xf32, #tpu.memory_space<vmem>> -> memref<80xf32, #tpu.memory_space<vmem>>
        %dma_wait3A_162 = arith.constant 0 : i32
        %dma_wait3A_163 = tpu.memref_slice %arg13[%run_scoped3A_131, %dma_wait3A_162] : memref<25x80xi32, #tpu.memory_space<vmem>> -> memref<1x80xi32, #tpu.memory_space<vmem>>
        %dma_wait3A_164 = tpu.memref_squeeze %dma_wait3A_163 : memref<1x80xi32, #tpu.memory_space<vmem>> -> memref<80xi32, #tpu.memory_space<vmem>>
        %dma_wait3A_165 = arith.constant 0 : i32
        %dma_wait3A_166 = tpu.memref_slice %arg27[%dma_wait3A_165] : memref<50048xf32, #tpu.memory_space<vmem_shared>> -> memref<50048xf32, #tpu.memory_space<vmem_shared>>
        tpu.wait_indirect_dma semaphore(%run_scoped3A_154 : memref<!tpu.dma_semaphore, #tpu.memory_space<semaphore_mem>>) src(%dma_wait3A_161 : memref<80xf32, #tpu.memory_space<vmem>>) dst(%dma_wait3A_166 : memref<50048xf32, #tpu.memory_space<vmem_shared>>)
        tpu.yield
      }) : () -> ()
      %run_scoped3A_132 = arith.constant 14 : i32
      "tpu.region"() ({
        %run_scoped3A_154 = tpu.sem_alloc : memref<!tpu.dma_semaphore, #tpu.memory_space<semaphore_mem>>
        %dma_start3A = arith.constant 1120 : i32
        %dma_start3A_155 = tpu.memref_slice %arg20[%dma_start3A] : memref<2000xf32, #tpu.memory_space<vmem>> -> memref<80xf32, #tpu.memory_space<vmem>>
        %dma_start3A_156 = arith.constant 0 : i32
        %dma_start3A_157 = tpu.memref_slice %arg13[%run_scoped3A_132, %dma_start3A_156] : memref<25x80xi32, #tpu.memory_space<vmem>> -> memref<1x80xi32, #tpu.memory_space<vmem>>
        %dma_start3A_158 = tpu.memref_squeeze %dma_start3A_157 : memref<1x80xi32, #tpu.memory_space<vmem>> -> memref<80xi32, #tpu.memory_space<vmem>>
        %dma_start3A_159 = arith.constant 0 : i32
        %dma_start3A_160 = tpu.memref_slice %arg26[%dma_start3A_159] : memref<50048xf32, #tpu.memory_space<vmem_shared>> -> memref<50048xf32, #tpu.memory_space<vmem_shared>>
        tpu.enqueue_indirect_dma source(%dma_start3A_155 : memref<80xf32, #tpu.memory_space<vmem>>) target(%dma_start3A_160 : memref<50048xf32, #tpu.memory_space<vmem_shared>>) offsets(%dma_start3A_158 : memref<80xi32, #tpu.memory_space<vmem>>) semaphore(%run_scoped3A_154 : memref<!tpu.dma_semaphore, #tpu.memory_space<semaphore_mem>>) {add = true}
        %dma_wait3A = arith.constant 1120 : i32
        %dma_wait3A_161 = tpu.memref_slice %arg20[%dma_wait3A] : memref<2000xf32, #tpu.memory_space<vmem>> -> memref<80xf32, #tpu.memory_space<vmem>>
        %dma_wait3A_162 = arith.constant 0 : i32
        %dma_wait3A_163 = tpu.memref_slice %arg13[%run_scoped3A_132, %dma_wait3A_162] : memref<25x80xi32, #tpu.memory_space<vmem>> -> memref<1x80xi32, #tpu.memory_space<vmem>>
        %dma_wait3A_164 = tpu.memref_squeeze %dma_wait3A_163 : memref<1x80xi32, #tpu.memory_space<vmem>> -> memref<80xi32, #tpu.memory_space<vmem>>
        %dma_wait3A_165 = arith.constant 0 : i32
        %dma_wait3A_166 = tpu.memref_slice %arg26[%dma_wait3A_165] : memref<50048xf32, #tpu.memory_space<vmem_shared>> -> memref<50048xf32, #tpu.memory_space<vmem_shared>>
        tpu.wait_indirect_dma semaphore(%run_scoped3A_154 : memref<!tpu.dma_semaphore, #tpu.memory_space<semaphore_mem>>) src(%dma_wait3A_161 : memref<80xf32, #tpu.memory_space<vmem>>) dst(%dma_wait3A_166 : memref<50048xf32, #tpu.memory_space<vmem_shared>>)
        tpu.yield
      }) : () -> ()
      %run_scoped3A_133 = arith.constant 14 : i32
      "tpu.region"() ({
        %run_scoped3A_154 = tpu.sem_alloc : memref<!tpu.dma_semaphore, #tpu.memory_space<semaphore_mem>>
        %dma_start3A = arith.constant 1120 : i32
        %dma_start3A_155 = tpu.memref_slice %arg21[%dma_start3A] : memref<2000xf32, #tpu.memory_space<vmem>> -> memref<80xf32, #tpu.memory_space<vmem>>
        %dma_start3A_156 = arith.constant 0 : i32
        %dma_start3A_157 = tpu.memref_slice %arg13[%run_scoped3A_133, %dma_start3A_156] : memref<25x80xi32, #tpu.memory_space<vmem>> -> memref<1x80xi32, #tpu.memory_space<vmem>>
        %dma_start3A_158 = tpu.memref_squeeze %dma_start3A_157 : memref<1x80xi32, #tpu.memory_space<vmem>> -> memref<80xi32, #tpu.memory_space<vmem>>
        %dma_start3A_159 = arith.constant 0 : i32
        %dma_start3A_160 = tpu.memref_slice %arg27[%dma_start3A_159] : memref<50048xf32, #tpu.memory_space<vmem_shared>> -> memref<50048xf32, #tpu.memory_space<vmem_shared>>
        tpu.enqueue_indirect_dma source(%dma_start3A_155 : memref<80xf32, #tpu.memory_space<vmem>>) target(%dma_start3A_160 : memref<50048xf32, #tpu.memory_space<vmem_shared>>) offsets(%dma_start3A_158 : memref<80xi32, #tpu.memory_space<vmem>>) semaphore(%run_scoped3A_154 : memref<!tpu.dma_semaphore, #tpu.memory_space<semaphore_mem>>) {add = true}
        %dma_wait3A = arith.constant 1120 : i32
        %dma_wait3A_161 = tpu.memref_slice %arg21[%dma_wait3A] : memref<2000xf32, #tpu.memory_space<vmem>> -> memref<80xf32, #tpu.memory_space<vmem>>
        %dma_wait3A_162 = arith.constant 0 : i32
        %dma_wait3A_163 = tpu.memref_slice %arg13[%run_scoped3A_133, %dma_wait3A_162] : memref<25x80xi32, #tpu.memory_space<vmem>> -> memref<1x80xi32, #tpu.memory_space<vmem>>
        %dma_wait3A_164 = tpu.memref_squeeze %dma_wait3A_163 : memref<1x80xi32, #tpu.memory_space<vmem>> -> memref<80xi32, #tpu.memory_space<vmem>>
        %dma_wait3A_165 = arith.constant 0 : i32
        %dma_wait3A_166 = tpu.memref_slice %arg27[%dma_wait3A_165] : memref<50048xf32, #tpu.memory_space<vmem_shared>> -> memref<50048xf32, #tpu.memory_space<vmem_shared>>
        tpu.wait_indirect_dma semaphore(%run_scoped3A_154 : memref<!tpu.dma_semaphore, #tpu.memory_space<semaphore_mem>>) src(%dma_wait3A_161 : memref<80xf32, #tpu.memory_space<vmem>>) dst(%dma_wait3A_166 : memref<50048xf32, #tpu.memory_space<vmem_shared>>)
        tpu.yield
      }) : () -> ()
      %run_scoped3A_134 = arith.constant 15 : i32
      "tpu.region"() ({
        %run_scoped3A_154 = tpu.sem_alloc : memref<!tpu.dma_semaphore, #tpu.memory_space<semaphore_mem>>
        %dma_start3A = arith.constant 1200 : i32
        %dma_start3A_155 = tpu.memref_slice %arg20[%dma_start3A] : memref<2000xf32, #tpu.memory_space<vmem>> -> memref<80xf32, #tpu.memory_space<vmem>>
        %dma_start3A_156 = arith.constant 0 : i32
        %dma_start3A_157 = tpu.memref_slice %arg13[%run_scoped3A_134, %dma_start3A_156] : memref<25x80xi32, #tpu.memory_space<vmem>> -> memref<1x80xi32, #tpu.memory_space<vmem>>
        %dma_start3A_158 = tpu.memref_squeeze %dma_start3A_157 : memref<1x80xi32, #tpu.memory_space<vmem>> -> memref<80xi32, #tpu.memory_space<vmem>>
        %dma_start3A_159 = arith.constant 0 : i32
        %dma_start3A_160 = tpu.memref_slice %arg26[%dma_start3A_159] : memref<50048xf32, #tpu.memory_space<vmem_shared>> -> memref<50048xf32, #tpu.memory_space<vmem_shared>>
        tpu.enqueue_indirect_dma source(%dma_start3A_155 : memref<80xf32, #tpu.memory_space<vmem>>) target(%dma_start3A_160 : memref<50048xf32, #tpu.memory_space<vmem_shared>>) offsets(%dma_start3A_158 : memref<80xi32, #tpu.memory_space<vmem>>) semaphore(%run_scoped3A_154 : memref<!tpu.dma_semaphore, #tpu.memory_space<semaphore_mem>>) {add = true}
        %dma_wait3A = arith.constant 1200 : i32
        %dma_wait3A_161 = tpu.memref_slice %arg20[%dma_wait3A] : memref<2000xf32, #tpu.memory_space<vmem>> -> memref<80xf32, #tpu.memory_space<vmem>>
        %dma_wait3A_162 = arith.constant 0 : i32
        %dma_wait3A_163 = tpu.memref_slice %arg13[%run_scoped3A_134, %dma_wait3A_162] : memref<25x80xi32, #tpu.memory_space<vmem>> -> memref<1x80xi32, #tpu.memory_space<vmem>>
        %dma_wait3A_164 = tpu.memref_squeeze %dma_wait3A_163 : memref<1x80xi32, #tpu.memory_space<vmem>> -> memref<80xi32, #tpu.memory_space<vmem>>
        %dma_wait3A_165 = arith.constant 0 : i32
        %dma_wait3A_166 = tpu.memref_slice %arg26[%dma_wait3A_165] : memref<50048xf32, #tpu.memory_space<vmem_shared>> -> memref<50048xf32, #tpu.memory_space<vmem_shared>>
        tpu.wait_indirect_dma semaphore(%run_scoped3A_154 : memref<!tpu.dma_semaphore, #tpu.memory_space<semaphore_mem>>) src(%dma_wait3A_161 : memref<80xf32, #tpu.memory_space<vmem>>) dst(%dma_wait3A_166 : memref<50048xf32, #tpu.memory_space<vmem_shared>>)
        tpu.yield
      }) : () -> ()
      %run_scoped3A_135 = arith.constant 15 : i32
      "tpu.region"() ({
        %run_scoped3A_154 = tpu.sem_alloc : memref<!tpu.dma_semaphore, #tpu.memory_space<semaphore_mem>>
        %dma_start3A = arith.constant 1200 : i32
        %dma_start3A_155 = tpu.memref_slice %arg21[%dma_start3A] : memref<2000xf32, #tpu.memory_space<vmem>> -> memref<80xf32, #tpu.memory_space<vmem>>
        %dma_start3A_156 = arith.constant 0 : i32
        %dma_start3A_157 = tpu.memref_slice %arg13[%run_scoped3A_135, %dma_start3A_156] : memref<25x80xi32, #tpu.memory_space<vmem>> -> memref<1x80xi32, #tpu.memory_space<vmem>>
        %dma_start3A_158 = tpu.memref_squeeze %dma_start3A_157 : memref<1x80xi32, #tpu.memory_space<vmem>> -> memref<80xi32, #tpu.memory_space<vmem>>
        %dma_start3A_159 = arith.constant 0 : i32
        %dma_start3A_160 = tpu.memref_slice %arg27[%dma_start3A_159] : memref<50048xf32, #tpu.memory_space<vmem_shared>> -> memref<50048xf32, #tpu.memory_space<vmem_shared>>
        tpu.enqueue_indirect_dma source(%dma_start3A_155 : memref<80xf32, #tpu.memory_space<vmem>>) target(%dma_start3A_160 : memref<50048xf32, #tpu.memory_space<vmem_shared>>) offsets(%dma_start3A_158 : memref<80xi32, #tpu.memory_space<vmem>>) semaphore(%run_scoped3A_154 : memref<!tpu.dma_semaphore, #tpu.memory_space<semaphore_mem>>) {add = true}
        %dma_wait3A = arith.constant 1200 : i32
        %dma_wait3A_161 = tpu.memref_slice %arg21[%dma_wait3A] : memref<2000xf32, #tpu.memory_space<vmem>> -> memref<80xf32, #tpu.memory_space<vmem>>
        %dma_wait3A_162 = arith.constant 0 : i32
        %dma_wait3A_163 = tpu.memref_slice %arg13[%run_scoped3A_135, %dma_wait3A_162] : memref<25x80xi32, #tpu.memory_space<vmem>> -> memref<1x80xi32, #tpu.memory_space<vmem>>
        %dma_wait3A_164 = tpu.memref_squeeze %dma_wait3A_163 : memref<1x80xi32, #tpu.memory_space<vmem>> -> memref<80xi32, #tpu.memory_space<vmem>>
        %dma_wait3A_165 = arith.constant 0 : i32
        %dma_wait3A_166 = tpu.memref_slice %arg27[%dma_wait3A_165] : memref<50048xf32, #tpu.memory_space<vmem_shared>> -> memref<50048xf32, #tpu.memory_space<vmem_shared>>
        tpu.wait_indirect_dma semaphore(%run_scoped3A_154 : memref<!tpu.dma_semaphore, #tpu.memory_space<semaphore_mem>>) src(%dma_wait3A_161 : memref<80xf32, #tpu.memory_space<vmem>>) dst(%dma_wait3A_166 : memref<50048xf32, #tpu.memory_space<vmem_shared>>)
        tpu.yield
      }) : () -> ()
      %run_scoped3A_136 = arith.constant 16 : i32
      "tpu.region"() ({
        %run_scoped3A_154 = tpu.sem_alloc : memref<!tpu.dma_semaphore, #tpu.memory_space<semaphore_mem>>
        %dma_start3A = arith.constant 1280 : i32
        %dma_start3A_155 = tpu.memref_slice %arg20[%dma_start3A] : memref<2000xf32, #tpu.memory_space<vmem>> -> memref<80xf32, #tpu.memory_space<vmem>>
        %dma_start3A_156 = arith.constant 0 : i32
        %dma_start3A_157 = tpu.memref_slice %arg13[%run_scoped3A_136, %dma_start3A_156] : memref<25x80xi32, #tpu.memory_space<vmem>> -> memref<1x80xi32, #tpu.memory_space<vmem>>
        %dma_start3A_158 = tpu.memref_squeeze %dma_start3A_157 : memref<1x80xi32, #tpu.memory_space<vmem>> -> memref<80xi32, #tpu.memory_space<vmem>>
        %dma_start3A_159 = arith.constant 0 : i32
        %dma_start3A_160 = tpu.memref_slice %arg26[%dma_start3A_159] : memref<50048xf32, #tpu.memory_space<vmem_shared>> -> memref<50048xf32, #tpu.memory_space<vmem_shared>>
        tpu.enqueue_indirect_dma source(%dma_start3A_155 : memref<80xf32, #tpu.memory_space<vmem>>) target(%dma_start3A_160 : memref<50048xf32, #tpu.memory_space<vmem_shared>>) offsets(%dma_start3A_158 : memref<80xi32, #tpu.memory_space<vmem>>) semaphore(%run_scoped3A_154 : memref<!tpu.dma_semaphore, #tpu.memory_space<semaphore_mem>>) {add = true}
        %dma_wait3A = arith.constant 1280 : i32
        %dma_wait3A_161 = tpu.memref_slice %arg20[%dma_wait3A] : memref<2000xf32, #tpu.memory_space<vmem>> -> memref<80xf32, #tpu.memory_space<vmem>>
        %dma_wait3A_162 = arith.constant 0 : i32
        %dma_wait3A_163 = tpu.memref_slice %arg13[%run_scoped3A_136, %dma_wait3A_162] : memref<25x80xi32, #tpu.memory_space<vmem>> -> memref<1x80xi32, #tpu.memory_space<vmem>>
        %dma_wait3A_164 = tpu.memref_squeeze %dma_wait3A_163 : memref<1x80xi32, #tpu.memory_space<vmem>> -> memref<80xi32, #tpu.memory_space<vmem>>
        %dma_wait3A_165 = arith.constant 0 : i32
        %dma_wait3A_166 = tpu.memref_slice %arg26[%dma_wait3A_165] : memref<50048xf32, #tpu.memory_space<vmem_shared>> -> memref<50048xf32, #tpu.memory_space<vmem_shared>>
        tpu.wait_indirect_dma semaphore(%run_scoped3A_154 : memref<!tpu.dma_semaphore, #tpu.memory_space<semaphore_mem>>) src(%dma_wait3A_161 : memref<80xf32, #tpu.memory_space<vmem>>) dst(%dma_wait3A_166 : memref<50048xf32, #tpu.memory_space<vmem_shared>>)
        tpu.yield
      }) : () -> ()
      %run_scoped3A_137 = arith.constant 16 : i32
      "tpu.region"() ({
        %run_scoped3A_154 = tpu.sem_alloc : memref<!tpu.dma_semaphore, #tpu.memory_space<semaphore_mem>>
        %dma_start3A = arith.constant 1280 : i32
        %dma_start3A_155 = tpu.memref_slice %arg21[%dma_start3A] : memref<2000xf32, #tpu.memory_space<vmem>> -> memref<80xf32, #tpu.memory_space<vmem>>
        %dma_start3A_156 = arith.constant 0 : i32
        %dma_start3A_157 = tpu.memref_slice %arg13[%run_scoped3A_137, %dma_start3A_156] : memref<25x80xi32, #tpu.memory_space<vmem>> -> memref<1x80xi32, #tpu.memory_space<vmem>>
        %dma_start3A_158 = tpu.memref_squeeze %dma_start3A_157 : memref<1x80xi32, #tpu.memory_space<vmem>> -> memref<80xi32, #tpu.memory_space<vmem>>
        %dma_start3A_159 = arith.constant 0 : i32
        %dma_start3A_160 = tpu.memref_slice %arg27[%dma_start3A_159] : memref<50048xf32, #tpu.memory_space<vmem_shared>> -> memref<50048xf32, #tpu.memory_space<vmem_shared>>
        tpu.enqueue_indirect_dma source(%dma_start3A_155 : memref<80xf32, #tpu.memory_space<vmem>>) target(%dma_start3A_160 : memref<50048xf32, #tpu.memory_space<vmem_shared>>) offsets(%dma_start3A_158 : memref<80xi32, #tpu.memory_space<vmem>>) semaphore(%run_scoped3A_154 : memref<!tpu.dma_semaphore, #tpu.memory_space<semaphore_mem>>) {add = true}
        %dma_wait3A = arith.constant 1280 : i32
        %dma_wait3A_161 = tpu.memref_slice %arg21[%dma_wait3A] : memref<2000xf32, #tpu.memory_space<vmem>> -> memref<80xf32, #tpu.memory_space<vmem>>
        %dma_wait3A_162 = arith.constant 0 : i32
        %dma_wait3A_163 = tpu.memref_slice %arg13[%run_scoped3A_137, %dma_wait3A_162] : memref<25x80xi32, #tpu.memory_space<vmem>> -> memref<1x80xi32, #tpu.memory_space<vmem>>
        %dma_wait3A_164 = tpu.memref_squeeze %dma_wait3A_163 : memref<1x80xi32, #tpu.memory_space<vmem>> -> memref<80xi32, #tpu.memory_space<vmem>>
        %dma_wait3A_165 = arith.constant 0 : i32
        %dma_wait3A_166 = tpu.memref_slice %arg27[%dma_wait3A_165] : memref<50048xf32, #tpu.memory_space<vmem_shared>> -> memref<50048xf32, #tpu.memory_space<vmem_shared>>
        tpu.wait_indirect_dma semaphore(%run_scoped3A_154 : memref<!tpu.dma_semaphore, #tpu.memory_space<semaphore_mem>>) src(%dma_wait3A_161 : memref<80xf32, #tpu.memory_space<vmem>>) dst(%dma_wait3A_166 : memref<50048xf32, #tpu.memory_space<vmem_shared>>)
        tpu.yield
      }) : () -> ()
      %run_scoped3A_138 = arith.constant 17 : i32
      "tpu.region"() ({
        %run_scoped3A_154 = tpu.sem_alloc : memref<!tpu.dma_semaphore, #tpu.memory_space<semaphore_mem>>
        %dma_start3A = arith.constant 1360 : i32
        %dma_start3A_155 = tpu.memref_slice %arg20[%dma_start3A] : memref<2000xf32, #tpu.memory_space<vmem>> -> memref<80xf32, #tpu.memory_space<vmem>>
        %dma_start3A_156 = arith.constant 0 : i32
        %dma_start3A_157 = tpu.memref_slice %arg13[%run_scoped3A_138, %dma_start3A_156] : memref<25x80xi32, #tpu.memory_space<vmem>> -> memref<1x80xi32, #tpu.memory_space<vmem>>
        %dma_start3A_158 = tpu.memref_squeeze %dma_start3A_157 : memref<1x80xi32, #tpu.memory_space<vmem>> -> memref<80xi32, #tpu.memory_space<vmem>>
        %dma_start3A_159 = arith.constant 0 : i32
        %dma_start3A_160 = tpu.memref_slice %arg26[%dma_start3A_159] : memref<50048xf32, #tpu.memory_space<vmem_shared>> -> memref<50048xf32, #tpu.memory_space<vmem_shared>>
        tpu.enqueue_indirect_dma source(%dma_start3A_155 : memref<80xf32, #tpu.memory_space<vmem>>) target(%dma_start3A_160 : memref<50048xf32, #tpu.memory_space<vmem_shared>>) offsets(%dma_start3A_158 : memref<80xi32, #tpu.memory_space<vmem>>) semaphore(%run_scoped3A_154 : memref<!tpu.dma_semaphore, #tpu.memory_space<semaphore_mem>>) {add = true}
        %dma_wait3A = arith.constant 1360 : i32
        %dma_wait3A_161 = tpu.memref_slice %arg20[%dma_wait3A] : memref<2000xf32, #tpu.memory_space<vmem>> -> memref<80xf32, #tpu.memory_space<vmem>>
        %dma_wait3A_162 = arith.constant 0 : i32
        %dma_wait3A_163 = tpu.memref_slice %arg13[%run_scoped3A_138, %dma_wait3A_162] : memref<25x80xi32, #tpu.memory_space<vmem>> -> memref<1x80xi32, #tpu.memory_space<vmem>>
        %dma_wait3A_164 = tpu.memref_squeeze %dma_wait3A_163 : memref<1x80xi32, #tpu.memory_space<vmem>> -> memref<80xi32, #tpu.memory_space<vmem>>
        %dma_wait3A_165 = arith.constant 0 : i32
        %dma_wait3A_166 = tpu.memref_slice %arg26[%dma_wait3A_165] : memref<50048xf32, #tpu.memory_space<vmem_shared>> -> memref<50048xf32, #tpu.memory_space<vmem_shared>>
        tpu.wait_indirect_dma semaphore(%run_scoped3A_154 : memref<!tpu.dma_semaphore, #tpu.memory_space<semaphore_mem>>) src(%dma_wait3A_161 : memref<80xf32, #tpu.memory_space<vmem>>) dst(%dma_wait3A_166 : memref<50048xf32, #tpu.memory_space<vmem_shared>>)
        tpu.yield
      }) : () -> ()
      %run_scoped3A_139 = arith.constant 17 : i32
      "tpu.region"() ({
        %run_scoped3A_154 = tpu.sem_alloc : memref<!tpu.dma_semaphore, #tpu.memory_space<semaphore_mem>>
        %dma_start3A = arith.constant 1360 : i32
        %dma_start3A_155 = tpu.memref_slice %arg21[%dma_start3A] : memref<2000xf32, #tpu.memory_space<vmem>> -> memref<80xf32, #tpu.memory_space<vmem>>
        %dma_start3A_156 = arith.constant 0 : i32
        %dma_start3A_157 = tpu.memref_slice %arg13[%run_scoped3A_139, %dma_start3A_156] : memref<25x80xi32, #tpu.memory_space<vmem>> -> memref<1x80xi32, #tpu.memory_space<vmem>>
        %dma_start3A_158 = tpu.memref_squeeze %dma_start3A_157 : memref<1x80xi32, #tpu.memory_space<vmem>> -> memref<80xi32, #tpu.memory_space<vmem>>
        %dma_start3A_159 = arith.constant 0 : i32
        %dma_start3A_160 = tpu.memref_slice %arg27[%dma_start3A_159] : memref<50048xf32, #tpu.memory_space<vmem_shared>> -> memref<50048xf32, #tpu.memory_space<vmem_shared>>
        tpu.enqueue_indirect_dma source(%dma_start3A_155 : memref<80xf32, #tpu.memory_space<vmem>>) target(%dma_start3A_160 : memref<50048xf32, #tpu.memory_space<vmem_shared>>) offsets(%dma_start3A_158 : memref<80xi32, #tpu.memory_space<vmem>>) semaphore(%run_scoped3A_154 : memref<!tpu.dma_semaphore, #tpu.memory_space<semaphore_mem>>) {add = true}
        %dma_wait3A = arith.constant 1360 : i32
        %dma_wait3A_161 = tpu.memref_slice %arg21[%dma_wait3A] : memref<2000xf32, #tpu.memory_space<vmem>> -> memref<80xf32, #tpu.memory_space<vmem>>
        %dma_wait3A_162 = arith.constant 0 : i32
        %dma_wait3A_163 = tpu.memref_slice %arg13[%run_scoped3A_139, %dma_wait3A_162] : memref<25x80xi32, #tpu.memory_space<vmem>> -> memref<1x80xi32, #tpu.memory_space<vmem>>
        %dma_wait3A_164 = tpu.memref_squeeze %dma_wait3A_163 : memref<1x80xi32, #tpu.memory_space<vmem>> -> memref<80xi32, #tpu.memory_space<vmem>>
        %dma_wait3A_165 = arith.constant 0 : i32
        %dma_wait3A_166 = tpu.memref_slice %arg27[%dma_wait3A_165] : memref<50048xf32, #tpu.memory_space<vmem_shared>> -> memref<50048xf32, #tpu.memory_space<vmem_shared>>
        tpu.wait_indirect_dma semaphore(%run_scoped3A_154 : memref<!tpu.dma_semaphore, #tpu.memory_space<semaphore_mem>>) src(%dma_wait3A_161 : memref<80xf32, #tpu.memory_space<vmem>>) dst(%dma_wait3A_166 : memref<50048xf32, #tpu.memory_space<vmem_shared>>)
        tpu.yield
      }) : () -> ()
      %run_scoped3A_140 = arith.constant 18 : i32
      "tpu.region"() ({
        %run_scoped3A_154 = tpu.sem_alloc : memref<!tpu.dma_semaphore, #tpu.memory_space<semaphore_mem>>
        %dma_start3A = arith.constant 1440 : i32
        %dma_start3A_155 = tpu.memref_slice %arg20[%dma_start3A] : memref<2000xf32, #tpu.memory_space<vmem>> -> memref<80xf32, #tpu.memory_space<vmem>>
        %dma_start3A_156 = arith.constant 0 : i32
        %dma_start3A_157 = tpu.memref_slice %arg13[%run_scoped3A_140, %dma_start3A_156] : memref<25x80xi32, #tpu.memory_space<vmem>> -> memref<1x80xi32, #tpu.memory_space<vmem>>
        %dma_start3A_158 = tpu.memref_squeeze %dma_start3A_157 : memref<1x80xi32, #tpu.memory_space<vmem>> -> memref<80xi32, #tpu.memory_space<vmem>>
        %dma_start3A_159 = arith.constant 0 : i32
        %dma_start3A_160 = tpu.memref_slice %arg26[%dma_start3A_159] : memref<50048xf32, #tpu.memory_space<vmem_shared>> -> memref<50048xf32, #tpu.memory_space<vmem_shared>>
        tpu.enqueue_indirect_dma source(%dma_start3A_155 : memref<80xf32, #tpu.memory_space<vmem>>) target(%dma_start3A_160 : memref<50048xf32, #tpu.memory_space<vmem_shared>>) offsets(%dma_start3A_158 : memref<80xi32, #tpu.memory_space<vmem>>) semaphore(%run_scoped3A_154 : memref<!tpu.dma_semaphore, #tpu.memory_space<semaphore_mem>>) {add = true}
        %dma_wait3A = arith.constant 1440 : i32
        %dma_wait3A_161 = tpu.memref_slice %arg20[%dma_wait3A] : memref<2000xf32, #tpu.memory_space<vmem>> -> memref<80xf32, #tpu.memory_space<vmem>>
        %dma_wait3A_162 = arith.constant 0 : i32
        %dma_wait3A_163 = tpu.memref_slice %arg13[%run_scoped3A_140, %dma_wait3A_162] : memref<25x80xi32, #tpu.memory_space<vmem>> -> memref<1x80xi32, #tpu.memory_space<vmem>>
        %dma_wait3A_164 = tpu.memref_squeeze %dma_wait3A_163 : memref<1x80xi32, #tpu.memory_space<vmem>> -> memref<80xi32, #tpu.memory_space<vmem>>
        %dma_wait3A_165 = arith.constant 0 : i32
        %dma_wait3A_166 = tpu.memref_slice %arg26[%dma_wait3A_165] : memref<50048xf32, #tpu.memory_space<vmem_shared>> -> memref<50048xf32, #tpu.memory_space<vmem_shared>>
        tpu.wait_indirect_dma semaphore(%run_scoped3A_154 : memref<!tpu.dma_semaphore, #tpu.memory_space<semaphore_mem>>) src(%dma_wait3A_161 : memref<80xf32, #tpu.memory_space<vmem>>) dst(%dma_wait3A_166 : memref<50048xf32, #tpu.memory_space<vmem_shared>>)
        tpu.yield
      }) : () -> ()
      %run_scoped3A_141 = arith.constant 18 : i32
      "tpu.region"() ({
        %run_scoped3A_154 = tpu.sem_alloc : memref<!tpu.dma_semaphore, #tpu.memory_space<semaphore_mem>>
        %dma_start3A = arith.constant 1440 : i32
        %dma_start3A_155 = tpu.memref_slice %arg21[%dma_start3A] : memref<2000xf32, #tpu.memory_space<vmem>> -> memref<80xf32, #tpu.memory_space<vmem>>
        %dma_start3A_156 = arith.constant 0 : i32
        %dma_start3A_157 = tpu.memref_slice %arg13[%run_scoped3A_141, %dma_start3A_156] : memref<25x80xi32, #tpu.memory_space<vmem>> -> memref<1x80xi32, #tpu.memory_space<vmem>>
        %dma_start3A_158 = tpu.memref_squeeze %dma_start3A_157 : memref<1x80xi32, #tpu.memory_space<vmem>> -> memref<80xi32, #tpu.memory_space<vmem>>
        %dma_start3A_159 = arith.constant 0 : i32
        %dma_start3A_160 = tpu.memref_slice %arg27[%dma_start3A_159] : memref<50048xf32, #tpu.memory_space<vmem_shared>> -> memref<50048xf32, #tpu.memory_space<vmem_shared>>
        tpu.enqueue_indirect_dma source(%dma_start3A_155 : memref<80xf32, #tpu.memory_space<vmem>>) target(%dma_start3A_160 : memref<50048xf32, #tpu.memory_space<vmem_shared>>) offsets(%dma_start3A_158 : memref<80xi32, #tpu.memory_space<vmem>>) semaphore(%run_scoped3A_154 : memref<!tpu.dma_semaphore, #tpu.memory_space<semaphore_mem>>) {add = true}
        %dma_wait3A = arith.constant 1440 : i32
        %dma_wait3A_161 = tpu.memref_slice %arg21[%dma_wait3A] : memref<2000xf32, #tpu.memory_space<vmem>> -> memref<80xf32, #tpu.memory_space<vmem>>
        %dma_wait3A_162 = arith.constant 0 : i32
        %dma_wait3A_163 = tpu.memref_slice %arg13[%run_scoped3A_141, %dma_wait3A_162] : memref<25x80xi32, #tpu.memory_space<vmem>> -> memref<1x80xi32, #tpu.memory_space<vmem>>
        %dma_wait3A_164 = tpu.memref_squeeze %dma_wait3A_163 : memref<1x80xi32, #tpu.memory_space<vmem>> -> memref<80xi32, #tpu.memory_space<vmem>>
        %dma_wait3A_165 = arith.constant 0 : i32
        %dma_wait3A_166 = tpu.memref_slice %arg27[%dma_wait3A_165] : memref<50048xf32, #tpu.memory_space<vmem_shared>> -> memref<50048xf32, #tpu.memory_space<vmem_shared>>
        tpu.wait_indirect_dma semaphore(%run_scoped3A_154 : memref<!tpu.dma_semaphore, #tpu.memory_space<semaphore_mem>>) src(%dma_wait3A_161 : memref<80xf32, #tpu.memory_space<vmem>>) dst(%dma_wait3A_166 : memref<50048xf32, #tpu.memory_space<vmem_shared>>)
        tpu.yield
      }) : () -> ()
      %run_scoped3A_142 = arith.constant 19 : i32
      "tpu.region"() ({
        %run_scoped3A_154 = tpu.sem_alloc : memref<!tpu.dma_semaphore, #tpu.memory_space<semaphore_mem>>
        %dma_start3A = arith.constant 1520 : i32
        %dma_start3A_155 = tpu.memref_slice %arg20[%dma_start3A] : memref<2000xf32, #tpu.memory_space<vmem>> -> memref<80xf32, #tpu.memory_space<vmem>>
        %dma_start3A_156 = arith.constant 0 : i32
        %dma_start3A_157 = tpu.memref_slice %arg13[%run_scoped3A_142, %dma_start3A_156] : memref<25x80xi32, #tpu.memory_space<vmem>> -> memref<1x80xi32, #tpu.memory_space<vmem>>
        %dma_start3A_158 = tpu.memref_squeeze %dma_start3A_157 : memref<1x80xi32, #tpu.memory_space<vmem>> -> memref<80xi32, #tpu.memory_space<vmem>>
        %dma_start3A_159 = arith.constant 0 : i32
        %dma_start3A_160 = tpu.memref_slice %arg26[%dma_start3A_159] : memref<50048xf32, #tpu.memory_space<vmem_shared>> -> memref<50048xf32, #tpu.memory_space<vmem_shared>>
        tpu.enqueue_indirect_dma source(%dma_start3A_155 : memref<80xf32, #tpu.memory_space<vmem>>) target(%dma_start3A_160 : memref<50048xf32, #tpu.memory_space<vmem_shared>>) offsets(%dma_start3A_158 : memref<80xi32, #tpu.memory_space<vmem>>) semaphore(%run_scoped3A_154 : memref<!tpu.dma_semaphore, #tpu.memory_space<semaphore_mem>>) {add = true}
        %dma_wait3A = arith.constant 1520 : i32
        %dma_wait3A_161 = tpu.memref_slice %arg20[%dma_wait3A] : memref<2000xf32, #tpu.memory_space<vmem>> -> memref<80xf32, #tpu.memory_space<vmem>>
        %dma_wait3A_162 = arith.constant 0 : i32
        %dma_wait3A_163 = tpu.memref_slice %arg13[%run_scoped3A_142, %dma_wait3A_162] : memref<25x80xi32, #tpu.memory_space<vmem>> -> memref<1x80xi32, #tpu.memory_space<vmem>>
        %dma_wait3A_164 = tpu.memref_squeeze %dma_wait3A_163 : memref<1x80xi32, #tpu.memory_space<vmem>> -> memref<80xi32, #tpu.memory_space<vmem>>
        %dma_wait3A_165 = arith.constant 0 : i32
        %dma_wait3A_166 = tpu.memref_slice %arg26[%dma_wait3A_165] : memref<50048xf32, #tpu.memory_space<vmem_shared>> -> memref<50048xf32, #tpu.memory_space<vmem_shared>>
        tpu.wait_indirect_dma semaphore(%run_scoped3A_154 : memref<!tpu.dma_semaphore, #tpu.memory_space<semaphore_mem>>) src(%dma_wait3A_161 : memref<80xf32, #tpu.memory_space<vmem>>) dst(%dma_wait3A_166 : memref<50048xf32, #tpu.memory_space<vmem_shared>>)
        tpu.yield
      }) : () -> ()
      %run_scoped3A_143 = arith.constant 19 : i32
      "tpu.region"() ({
        %run_scoped3A_154 = tpu.sem_alloc : memref<!tpu.dma_semaphore, #tpu.memory_space<semaphore_mem>>
        %dma_start3A = arith.constant 1520 : i32
        %dma_start3A_155 = tpu.memref_slice %arg21[%dma_start3A] : memref<2000xf32, #tpu.memory_space<vmem>> -> memref<80xf32, #tpu.memory_space<vmem>>
        %dma_start3A_156 = arith.constant 0 : i32
        %dma_start3A_157 = tpu.memref_slice %arg13[%run_scoped3A_143, %dma_start3A_156] : memref<25x80xi32, #tpu.memory_space<vmem>> -> memref<1x80xi32, #tpu.memory_space<vmem>>
        %dma_start3A_158 = tpu.memref_squeeze %dma_start3A_157 : memref<1x80xi32, #tpu.memory_space<vmem>> -> memref<80xi32, #tpu.memory_space<vmem>>
        %dma_start3A_159 = arith.constant 0 : i32
        %dma_start3A_160 = tpu.memref_slice %arg27[%dma_start3A_159] : memref<50048xf32, #tpu.memory_space<vmem_shared>> -> memref<50048xf32, #tpu.memory_space<vmem_shared>>
        tpu.enqueue_indirect_dma source(%dma_start3A_155 : memref<80xf32, #tpu.memory_space<vmem>>) target(%dma_start3A_160 : memref<50048xf32, #tpu.memory_space<vmem_shared>>) offsets(%dma_start3A_158 : memref<80xi32, #tpu.memory_space<vmem>>) semaphore(%run_scoped3A_154 : memref<!tpu.dma_semaphore, #tpu.memory_space<semaphore_mem>>) {add = true}
        %dma_wait3A = arith.constant 1520 : i32
        %dma_wait3A_161 = tpu.memref_slice %arg21[%dma_wait3A] : memref<2000xf32, #tpu.memory_space<vmem>> -> memref<80xf32, #tpu.memory_space<vmem>>
        %dma_wait3A_162 = arith.constant 0 : i32
        %dma_wait3A_163 = tpu.memref_slice %arg13[%run_scoped3A_143, %dma_wait3A_162] : memref<25x80xi32, #tpu.memory_space<vmem>> -> memref<1x80xi32, #tpu.memory_space<vmem>>
        %dma_wait3A_164 = tpu.memref_squeeze %dma_wait3A_163 : memref<1x80xi32, #tpu.memory_space<vmem>> -> memref<80xi32, #tpu.memory_space<vmem>>
        %dma_wait3A_165 = arith.constant 0 : i32
        %dma_wait3A_166 = tpu.memref_slice %arg27[%dma_wait3A_165] : memref<50048xf32, #tpu.memory_space<vmem_shared>> -> memref<50048xf32, #tpu.memory_space<vmem_shared>>
        tpu.wait_indirect_dma semaphore(%run_scoped3A_154 : memref<!tpu.dma_semaphore, #tpu.memory_space<semaphore_mem>>) src(%dma_wait3A_161 : memref<80xf32, #tpu.memory_space<vmem>>) dst(%dma_wait3A_166 : memref<50048xf32, #tpu.memory_space<vmem_shared>>)
        tpu.yield
      }) : () -> ()
      %run_scoped3A_144 = arith.constant 20 : i32
      "tpu.region"() ({
        %run_scoped3A_154 = tpu.sem_alloc : memref<!tpu.dma_semaphore, #tpu.memory_space<semaphore_mem>>
        %dma_start3A = arith.constant 1600 : i32
        %dma_start3A_155 = tpu.memref_slice %arg20[%dma_start3A] : memref<2000xf32, #tpu.memory_space<vmem>> -> memref<80xf32, #tpu.memory_space<vmem>>
        %dma_start3A_156 = arith.constant 0 : i32
        %dma_start3A_157 = tpu.memref_slice %arg13[%run_scoped3A_144, %dma_start3A_156] : memref<25x80xi32, #tpu.memory_space<vmem>> -> memref<1x80xi32, #tpu.memory_space<vmem>>
        %dma_start3A_158 = tpu.memref_squeeze %dma_start3A_157 : memref<1x80xi32, #tpu.memory_space<vmem>> -> memref<80xi32, #tpu.memory_space<vmem>>
        %dma_start3A_159 = arith.constant 0 : i32
        %dma_start3A_160 = tpu.memref_slice %arg26[%dma_start3A_159] : memref<50048xf32, #tpu.memory_space<vmem_shared>> -> memref<50048xf32, #tpu.memory_space<vmem_shared>>
        tpu.enqueue_indirect_dma source(%dma_start3A_155 : memref<80xf32, #tpu.memory_space<vmem>>) target(%dma_start3A_160 : memref<50048xf32, #tpu.memory_space<vmem_shared>>) offsets(%dma_start3A_158 : memref<80xi32, #tpu.memory_space<vmem>>) semaphore(%run_scoped3A_154 : memref<!tpu.dma_semaphore, #tpu.memory_space<semaphore_mem>>) {add = true}
        %dma_wait3A = arith.constant 1600 : i32
        %dma_wait3A_161 = tpu.memref_slice %arg20[%dma_wait3A] : memref<2000xf32, #tpu.memory_space<vmem>> -> memref<80xf32, #tpu.memory_space<vmem>>
        %dma_wait3A_162 = arith.constant 0 : i32
        %dma_wait3A_163 = tpu.memref_slice %arg13[%run_scoped3A_144, %dma_wait3A_162] : memref<25x80xi32, #tpu.memory_space<vmem>> -> memref<1x80xi32, #tpu.memory_space<vmem>>
        %dma_wait3A_164 = tpu.memref_squeeze %dma_wait3A_163 : memref<1x80xi32, #tpu.memory_space<vmem>> -> memref<80xi32, #tpu.memory_space<vmem>>
        %dma_wait3A_165 = arith.constant 0 : i32
        %dma_wait3A_166 = tpu.memref_slice %arg26[%dma_wait3A_165] : memref<50048xf32, #tpu.memory_space<vmem_shared>> -> memref<50048xf32, #tpu.memory_space<vmem_shared>>
        tpu.wait_indirect_dma semaphore(%run_scoped3A_154 : memref<!tpu.dma_semaphore, #tpu.memory_space<semaphore_mem>>) src(%dma_wait3A_161 : memref<80xf32, #tpu.memory_space<vmem>>) dst(%dma_wait3A_166 : memref<50048xf32, #tpu.memory_space<vmem_shared>>)
        tpu.yield
      }) : () -> ()
      %run_scoped3A_145 = arith.constant 20 : i32
      "tpu.region"() ({
        %run_scoped3A_154 = tpu.sem_alloc : memref<!tpu.dma_semaphore, #tpu.memory_space<semaphore_mem>>
        %dma_start3A = arith.constant 1600 : i32
        %dma_start3A_155 = tpu.memref_slice %arg21[%dma_start3A] : memref<2000xf32, #tpu.memory_space<vmem>> -> memref<80xf32, #tpu.memory_space<vmem>>
        %dma_start3A_156 = arith.constant 0 : i32
        %dma_start3A_157 = tpu.memref_slice %arg13[%run_scoped3A_145, %dma_start3A_156] : memref<25x80xi32, #tpu.memory_space<vmem>> -> memref<1x80xi32, #tpu.memory_space<vmem>>
        %dma_start3A_158 = tpu.memref_squeeze %dma_start3A_157 : memref<1x80xi32, #tpu.memory_space<vmem>> -> memref<80xi32, #tpu.memory_space<vmem>>
        %dma_start3A_159 = arith.constant 0 : i32
        %dma_start3A_160 = tpu.memref_slice %arg27[%dma_start3A_159] : memref<50048xf32, #tpu.memory_space<vmem_shared>> -> memref<50048xf32, #tpu.memory_space<vmem_shared>>
        tpu.enqueue_indirect_dma source(%dma_start3A_155 : memref<80xf32, #tpu.memory_space<vmem>>) target(%dma_start3A_160 : memref<50048xf32, #tpu.memory_space<vmem_shared>>) offsets(%dma_start3A_158 : memref<80xi32, #tpu.memory_space<vmem>>) semaphore(%run_scoped3A_154 : memref<!tpu.dma_semaphore, #tpu.memory_space<semaphore_mem>>) {add = true}
        %dma_wait3A = arith.constant 1600 : i32
        %dma_wait3A_161 = tpu.memref_slice %arg21[%dma_wait3A] : memref<2000xf32, #tpu.memory_space<vmem>> -> memref<80xf32, #tpu.memory_space<vmem>>
        %dma_wait3A_162 = arith.constant 0 : i32
        %dma_wait3A_163 = tpu.memref_slice %arg13[%run_scoped3A_145, %dma_wait3A_162] : memref<25x80xi32, #tpu.memory_space<vmem>> -> memref<1x80xi32, #tpu.memory_space<vmem>>
        %dma_wait3A_164 = tpu.memref_squeeze %dma_wait3A_163 : memref<1x80xi32, #tpu.memory_space<vmem>> -> memref<80xi32, #tpu.memory_space<vmem>>
        %dma_wait3A_165 = arith.constant 0 : i32
        %dma_wait3A_166 = tpu.memref_slice %arg27[%dma_wait3A_165] : memref<50048xf32, #tpu.memory_space<vmem_shared>> -> memref<50048xf32, #tpu.memory_space<vmem_shared>>
        tpu.wait_indirect_dma semaphore(%run_scoped3A_154 : memref<!tpu.dma_semaphore, #tpu.memory_space<semaphore_mem>>) src(%dma_wait3A_161 : memref<80xf32, #tpu.memory_space<vmem>>) dst(%dma_wait3A_166 : memref<50048xf32, #tpu.memory_space<vmem_shared>>)
        tpu.yield
      }) : () -> ()
      %run_scoped3A_146 = arith.constant 21 : i32
      "tpu.region"() ({
        %run_scoped3A_154 = tpu.sem_alloc : memref<!tpu.dma_semaphore, #tpu.memory_space<semaphore_mem>>
        %dma_start3A = arith.constant 1680 : i32
        %dma_start3A_155 = tpu.memref_slice %arg20[%dma_start3A] : memref<2000xf32, #tpu.memory_space<vmem>> -> memref<80xf32, #tpu.memory_space<vmem>>
        %dma_start3A_156 = arith.constant 0 : i32
        %dma_start3A_157 = tpu.memref_slice %arg13[%run_scoped3A_146, %dma_start3A_156] : memref<25x80xi32, #tpu.memory_space<vmem>> -> memref<1x80xi32, #tpu.memory_space<vmem>>
        %dma_start3A_158 = tpu.memref_squeeze %dma_start3A_157 : memref<1x80xi32, #tpu.memory_space<vmem>> -> memref<80xi32, #tpu.memory_space<vmem>>
        %dma_start3A_159 = arith.constant 0 : i32
        %dma_start3A_160 = tpu.memref_slice %arg26[%dma_start3A_159] : memref<50048xf32, #tpu.memory_space<vmem_shared>> -> memref<50048xf32, #tpu.memory_space<vmem_shared>>
        tpu.enqueue_indirect_dma source(%dma_start3A_155 : memref<80xf32, #tpu.memory_space<vmem>>) target(%dma_start3A_160 : memref<50048xf32, #tpu.memory_space<vmem_shared>>) offsets(%dma_start3A_158 : memref<80xi32, #tpu.memory_space<vmem>>) semaphore(%run_scoped3A_154 : memref<!tpu.dma_semaphore, #tpu.memory_space<semaphore_mem>>) {add = true}
        %dma_wait3A = arith.constant 1680 : i32
        %dma_wait3A_161 = tpu.memref_slice %arg20[%dma_wait3A] : memref<2000xf32, #tpu.memory_space<vmem>> -> memref<80xf32, #tpu.memory_space<vmem>>
        %dma_wait3A_162 = arith.constant 0 : i32
        %dma_wait3A_163 = tpu.memref_slice %arg13[%run_scoped3A_146, %dma_wait3A_162] : memref<25x80xi32, #tpu.memory_space<vmem>> -> memref<1x80xi32, #tpu.memory_space<vmem>>
        %dma_wait3A_164 = tpu.memref_squeeze %dma_wait3A_163 : memref<1x80xi32, #tpu.memory_space<vmem>> -> memref<80xi32, #tpu.memory_space<vmem>>
        %dma_wait3A_165 = arith.constant 0 : i32
        %dma_wait3A_166 = tpu.memref_slice %arg26[%dma_wait3A_165] : memref<50048xf32, #tpu.memory_space<vmem_shared>> -> memref<50048xf32, #tpu.memory_space<vmem_shared>>
        tpu.wait_indirect_dma semaphore(%run_scoped3A_154 : memref<!tpu.dma_semaphore, #tpu.memory_space<semaphore_mem>>) src(%dma_wait3A_161 : memref<80xf32, #tpu.memory_space<vmem>>) dst(%dma_wait3A_166 : memref<50048xf32, #tpu.memory_space<vmem_shared>>)
        tpu.yield
      }) : () -> ()
      %run_scoped3A_147 = arith.constant 21 : i32
      "tpu.region"() ({
        %run_scoped3A_154 = tpu.sem_alloc : memref<!tpu.dma_semaphore, #tpu.memory_space<semaphore_mem>>
        %dma_start3A = arith.constant 1680 : i32
        %dma_start3A_155 = tpu.memref_slice %arg21[%dma_start3A] : memref<2000xf32, #tpu.memory_space<vmem>> -> memref<80xf32, #tpu.memory_space<vmem>>
        %dma_start3A_156 = arith.constant 0 : i32
        %dma_start3A_157 = tpu.memref_slice %arg13[%run_scoped3A_147, %dma_start3A_156] : memref<25x80xi32, #tpu.memory_space<vmem>> -> memref<1x80xi32, #tpu.memory_space<vmem>>
        %dma_start3A_158 = tpu.memref_squeeze %dma_start3A_157 : memref<1x80xi32, #tpu.memory_space<vmem>> -> memref<80xi32, #tpu.memory_space<vmem>>
        %dma_start3A_159 = arith.constant 0 : i32
        %dma_start3A_160 = tpu.memref_slice %arg27[%dma_start3A_159] : memref<50048xf32, #tpu.memory_space<vmem_shared>> -> memref<50048xf32, #tpu.memory_space<vmem_shared>>
        tpu.enqueue_indirect_dma source(%dma_start3A_155 : memref<80xf32, #tpu.memory_space<vmem>>) target(%dma_start3A_160 : memref<50048xf32, #tpu.memory_space<vmem_shared>>) offsets(%dma_start3A_158 : memref<80xi32, #tpu.memory_space<vmem>>) semaphore(%run_scoped3A_154 : memref<!tpu.dma_semaphore, #tpu.memory_space<semaphore_mem>>) {add = true}
        %dma_wait3A = arith.constant 1680 : i32
        %dma_wait3A_161 = tpu.memref_slice %arg21[%dma_wait3A] : memref<2000xf32, #tpu.memory_space<vmem>> -> memref<80xf32, #tpu.memory_space<vmem>>
        %dma_wait3A_162 = arith.constant 0 : i32
        %dma_wait3A_163 = tpu.memref_slice %arg13[%run_scoped3A_147, %dma_wait3A_162] : memref<25x80xi32, #tpu.memory_space<vmem>> -> memref<1x80xi32, #tpu.memory_space<vmem>>
        %dma_wait3A_164 = tpu.memref_squeeze %dma_wait3A_163 : memref<1x80xi32, #tpu.memory_space<vmem>> -> memref<80xi32, #tpu.memory_space<vmem>>
        %dma_wait3A_165 = arith.constant 0 : i32
        %dma_wait3A_166 = tpu.memref_slice %arg27[%dma_wait3A_165] : memref<50048xf32, #tpu.memory_space<vmem_shared>> -> memref<50048xf32, #tpu.memory_space<vmem_shared>>
        tpu.wait_indirect_dma semaphore(%run_scoped3A_154 : memref<!tpu.dma_semaphore, #tpu.memory_space<semaphore_mem>>) src(%dma_wait3A_161 : memref<80xf32, #tpu.memory_space<vmem>>) dst(%dma_wait3A_166 : memref<50048xf32, #tpu.memory_space<vmem_shared>>)
        tpu.yield
      }) : () -> ()
      %run_scoped3A_148 = arith.constant 22 : i32
      "tpu.region"() ({
        %run_scoped3A_154 = tpu.sem_alloc : memref<!tpu.dma_semaphore, #tpu.memory_space<semaphore_mem>>
        %dma_start3A = arith.constant 1760 : i32
        %dma_start3A_155 = tpu.memref_slice %arg20[%dma_start3A] : memref<2000xf32, #tpu.memory_space<vmem>> -> memref<80xf32, #tpu.memory_space<vmem>>
        %dma_start3A_156 = arith.constant 0 : i32
        %dma_start3A_157 = tpu.memref_slice %arg13[%run_scoped3A_148, %dma_start3A_156] : memref<25x80xi32, #tpu.memory_space<vmem>> -> memref<1x80xi32, #tpu.memory_space<vmem>>
        %dma_start3A_158 = tpu.memref_squeeze %dma_start3A_157 : memref<1x80xi32, #tpu.memory_space<vmem>> -> memref<80xi32, #tpu.memory_space<vmem>>
        %dma_start3A_159 = arith.constant 0 : i32
        %dma_start3A_160 = tpu.memref_slice %arg26[%dma_start3A_159] : memref<50048xf32, #tpu.memory_space<vmem_shared>> -> memref<50048xf32, #tpu.memory_space<vmem_shared>>
        tpu.enqueue_indirect_dma source(%dma_start3A_155 : memref<80xf32, #tpu.memory_space<vmem>>) target(%dma_start3A_160 : memref<50048xf32, #tpu.memory_space<vmem_shared>>) offsets(%dma_start3A_158 : memref<80xi32, #tpu.memory_space<vmem>>) semaphore(%run_scoped3A_154 : memref<!tpu.dma_semaphore, #tpu.memory_space<semaphore_mem>>) {add = true}
        %dma_wait3A = arith.constant 1760 : i32
        %dma_wait3A_161 = tpu.memref_slice %arg20[%dma_wait3A] : memref<2000xf32, #tpu.memory_space<vmem>> -> memref<80xf32, #tpu.memory_space<vmem>>
        %dma_wait3A_162 = arith.constant 0 : i32
        %dma_wait3A_163 = tpu.memref_slice %arg13[%run_scoped3A_148, %dma_wait3A_162] : memref<25x80xi32, #tpu.memory_space<vmem>> -> memref<1x80xi32, #tpu.memory_space<vmem>>
        %dma_wait3A_164 = tpu.memref_squeeze %dma_wait3A_163 : memref<1x80xi32, #tpu.memory_space<vmem>> -> memref<80xi32, #tpu.memory_space<vmem>>
        %dma_wait3A_165 = arith.constant 0 : i32
        %dma_wait3A_166 = tpu.memref_slice %arg26[%dma_wait3A_165] : memref<50048xf32, #tpu.memory_space<vmem_shared>> -> memref<50048xf32, #tpu.memory_space<vmem_shared>>
        tpu.wait_indirect_dma semaphore(%run_scoped3A_154 : memref<!tpu.dma_semaphore, #tpu.memory_space<semaphore_mem>>) src(%dma_wait3A_161 : memref<80xf32, #tpu.memory_space<vmem>>) dst(%dma_wait3A_166 : memref<50048xf32, #tpu.memory_space<vmem_shared>>)
        tpu.yield
      }) : () -> ()
      %run_scoped3A_149 = arith.constant 22 : i32
      "tpu.region"() ({
        %run_scoped3A_154 = tpu.sem_alloc : memref<!tpu.dma_semaphore, #tpu.memory_space<semaphore_mem>>
        %dma_start3A = arith.constant 1760 : i32
        %dma_start3A_155 = tpu.memref_slice %arg21[%dma_start3A] : memref<2000xf32, #tpu.memory_space<vmem>> -> memref<80xf32, #tpu.memory_space<vmem>>
        %dma_start3A_156 = arith.constant 0 : i32
        %dma_start3A_157 = tpu.memref_slice %arg13[%run_scoped3A_149, %dma_start3A_156] : memref<25x80xi32, #tpu.memory_space<vmem>> -> memref<1x80xi32, #tpu.memory_space<vmem>>
        %dma_start3A_158 = tpu.memref_squeeze %dma_start3A_157 : memref<1x80xi32, #tpu.memory_space<vmem>> -> memref<80xi32, #tpu.memory_space<vmem>>
        %dma_start3A_159 = arith.constant 0 : i32
        %dma_start3A_160 = tpu.memref_slice %arg27[%dma_start3A_159] : memref<50048xf32, #tpu.memory_space<vmem_shared>> -> memref<50048xf32, #tpu.memory_space<vmem_shared>>
        tpu.enqueue_indirect_dma source(%dma_start3A_155 : memref<80xf32, #tpu.memory_space<vmem>>) target(%dma_start3A_160 : memref<50048xf32, #tpu.memory_space<vmem_shared>>) offsets(%dma_start3A_158 : memref<80xi32, #tpu.memory_space<vmem>>) semaphore(%run_scoped3A_154 : memref<!tpu.dma_semaphore, #tpu.memory_space<semaphore_mem>>) {add = true}
        %dma_wait3A = arith.constant 1760 : i32
        %dma_wait3A_161 = tpu.memref_slice %arg21[%dma_wait3A] : memref<2000xf32, #tpu.memory_space<vmem>> -> memref<80xf32, #tpu.memory_space<vmem>>
        %dma_wait3A_162 = arith.constant 0 : i32
        %dma_wait3A_163 = tpu.memref_slice %arg13[%run_scoped3A_149, %dma_wait3A_162] : memref<25x80xi32, #tpu.memory_space<vmem>> -> memref<1x80xi32, #tpu.memory_space<vmem>>
        %dma_wait3A_164 = tpu.memref_squeeze %dma_wait3A_163 : memref<1x80xi32, #tpu.memory_space<vmem>> -> memref<80xi32, #tpu.memory_space<vmem>>
        %dma_wait3A_165 = arith.constant 0 : i32
        %dma_wait3A_166 = tpu.memref_slice %arg27[%dma_wait3A_165] : memref<50048xf32, #tpu.memory_space<vmem_shared>> -> memref<50048xf32, #tpu.memory_space<vmem_shared>>
        tpu.wait_indirect_dma semaphore(%run_scoped3A_154 : memref<!tpu.dma_semaphore, #tpu.memory_space<semaphore_mem>>) src(%dma_wait3A_161 : memref<80xf32, #tpu.memory_space<vmem>>) dst(%dma_wait3A_166 : memref<50048xf32, #tpu.memory_space<vmem_shared>>)
        tpu.yield
      }) : () -> ()
      %run_scoped3A_150 = arith.constant 23 : i32
      "tpu.region"() ({
        %run_scoped3A_154 = tpu.sem_alloc : memref<!tpu.dma_semaphore, #tpu.memory_space<semaphore_mem>>
        %dma_start3A = arith.constant 1840 : i32
        %dma_start3A_155 = tpu.memref_slice %arg20[%dma_start3A] : memref<2000xf32, #tpu.memory_space<vmem>> -> memref<80xf32, #tpu.memory_space<vmem>>
        %dma_start3A_156 = arith.constant 0 : i32
        %dma_start3A_157 = tpu.memref_slice %arg13[%run_scoped3A_150, %dma_start3A_156] : memref<25x80xi32, #tpu.memory_space<vmem>> -> memref<1x80xi32, #tpu.memory_space<vmem>>
        %dma_start3A_158 = tpu.memref_squeeze %dma_start3A_157 : memref<1x80xi32, #tpu.memory_space<vmem>> -> memref<80xi32, #tpu.memory_space<vmem>>
        %dma_start3A_159 = arith.constant 0 : i32
        %dma_start3A_160 = tpu.memref_slice %arg26[%dma_start3A_159] : memref<50048xf32, #tpu.memory_space<vmem_shared>> -> memref<50048xf32, #tpu.memory_space<vmem_shared>>
        tpu.enqueue_indirect_dma source(%dma_start3A_155 : memref<80xf32, #tpu.memory_space<vmem>>) target(%dma_start3A_160 : memref<50048xf32, #tpu.memory_space<vmem_shared>>) offsets(%dma_start3A_158 : memref<80xi32, #tpu.memory_space<vmem>>) semaphore(%run_scoped3A_154 : memref<!tpu.dma_semaphore, #tpu.memory_space<semaphore_mem>>) {add = true}
        %dma_wait3A = arith.constant 1840 : i32
        %dma_wait3A_161 = tpu.memref_slice %arg20[%dma_wait3A] : memref<2000xf32, #tpu.memory_space<vmem>> -> memref<80xf32, #tpu.memory_space<vmem>>
        %dma_wait3A_162 = arith.constant 0 : i32
        %dma_wait3A_163 = tpu.memref_slice %arg13[%run_scoped3A_150, %dma_wait3A_162] : memref<25x80xi32, #tpu.memory_space<vmem>> -> memref<1x80xi32, #tpu.memory_space<vmem>>
        %dma_wait3A_164 = tpu.memref_squeeze %dma_wait3A_163 : memref<1x80xi32, #tpu.memory_space<vmem>> -> memref<80xi32, #tpu.memory_space<vmem>>
        %dma_wait3A_165 = arith.constant 0 : i32
        %dma_wait3A_166 = tpu.memref_slice %arg26[%dma_wait3A_165] : memref<50048xf32, #tpu.memory_space<vmem_shared>> -> memref<50048xf32, #tpu.memory_space<vmem_shared>>
        tpu.wait_indirect_dma semaphore(%run_scoped3A_154 : memref<!tpu.dma_semaphore, #tpu.memory_space<semaphore_mem>>) src(%dma_wait3A_161 : memref<80xf32, #tpu.memory_space<vmem>>) dst(%dma_wait3A_166 : memref<50048xf32, #tpu.memory_space<vmem_shared>>)
        tpu.yield
      }) : () -> ()
      %run_scoped3A_151 = arith.constant 23 : i32
      "tpu.region"() ({
        %run_scoped3A_154 = tpu.sem_alloc : memref<!tpu.dma_semaphore, #tpu.memory_space<semaphore_mem>>
        %dma_start3A = arith.constant 1840 : i32
        %dma_start3A_155 = tpu.memref_slice %arg21[%dma_start3A] : memref<2000xf32, #tpu.memory_space<vmem>> -> memref<80xf32, #tpu.memory_space<vmem>>
        %dma_start3A_156 = arith.constant 0 : i32
        %dma_start3A_157 = tpu.memref_slice %arg13[%run_scoped3A_151, %dma_start3A_156] : memref<25x80xi32, #tpu.memory_space<vmem>> -> memref<1x80xi32, #tpu.memory_space<vmem>>
        %dma_start3A_158 = tpu.memref_squeeze %dma_start3A_157 : memref<1x80xi32, #tpu.memory_space<vmem>> -> memref<80xi32, #tpu.memory_space<vmem>>
        %dma_start3A_159 = arith.constant 0 : i32
        %dma_start3A_160 = tpu.memref_slice %arg27[%dma_start3A_159] : memref<50048xf32, #tpu.memory_space<vmem_shared>> -> memref<50048xf32, #tpu.memory_space<vmem_shared>>
        tpu.enqueue_indirect_dma source(%dma_start3A_155 : memref<80xf32, #tpu.memory_space<vmem>>) target(%dma_start3A_160 : memref<50048xf32, #tpu.memory_space<vmem_shared>>) offsets(%dma_start3A_158 : memref<80xi32, #tpu.memory_space<vmem>>) semaphore(%run_scoped3A_154 : memref<!tpu.dma_semaphore, #tpu.memory_space<semaphore_mem>>) {add = true}
        %dma_wait3A = arith.constant 1840 : i32
        %dma_wait3A_161 = tpu.memref_slice %arg21[%dma_wait3A] : memref<2000xf32, #tpu.memory_space<vmem>> -> memref<80xf32, #tpu.memory_space<vmem>>
        %dma_wait3A_162 = arith.constant 0 : i32
        %dma_wait3A_163 = tpu.memref_slice %arg13[%run_scoped3A_151, %dma_wait3A_162] : memref<25x80xi32, #tpu.memory_space<vmem>> -> memref<1x80xi32, #tpu.memory_space<vmem>>
        %dma_wait3A_164 = tpu.memref_squeeze %dma_wait3A_163 : memref<1x80xi32, #tpu.memory_space<vmem>> -> memref<80xi32, #tpu.memory_space<vmem>>
        %dma_wait3A_165 = arith.constant 0 : i32
        %dma_wait3A_166 = tpu.memref_slice %arg27[%dma_wait3A_165] : memref<50048xf32, #tpu.memory_space<vmem_shared>> -> memref<50048xf32, #tpu.memory_space<vmem_shared>>
        tpu.wait_indirect_dma semaphore(%run_scoped3A_154 : memref<!tpu.dma_semaphore, #tpu.memory_space<semaphore_mem>>) src(%dma_wait3A_161 : memref<80xf32, #tpu.memory_space<vmem>>) dst(%dma_wait3A_166 : memref<50048xf32, #tpu.memory_space<vmem_shared>>)
        tpu.yield
      }) : () -> ()
      %run_scoped3A_152 = arith.constant 24 : i32
      "tpu.region"() ({
        %run_scoped3A_154 = tpu.sem_alloc : memref<!tpu.dma_semaphore, #tpu.memory_space<semaphore_mem>>
        %dma_start3A = arith.constant 1920 : i32
        %dma_start3A_155 = tpu.memref_slice %arg20[%dma_start3A] : memref<2000xf32, #tpu.memory_space<vmem>> -> memref<80xf32, #tpu.memory_space<vmem>>
        %dma_start3A_156 = arith.constant 0 : i32
        %dma_start3A_157 = tpu.memref_slice %arg13[%run_scoped3A_152, %dma_start3A_156] : memref<25x80xi32, #tpu.memory_space<vmem>> -> memref<1x80xi32, #tpu.memory_space<vmem>>
        %dma_start3A_158 = tpu.memref_squeeze %dma_start3A_157 : memref<1x80xi32, #tpu.memory_space<vmem>> -> memref<80xi32, #tpu.memory_space<vmem>>
        %dma_start3A_159 = arith.constant 0 : i32
        %dma_start3A_160 = tpu.memref_slice %arg26[%dma_start3A_159] : memref<50048xf32, #tpu.memory_space<vmem_shared>> -> memref<50048xf32, #tpu.memory_space<vmem_shared>>
        tpu.enqueue_indirect_dma source(%dma_start3A_155 : memref<80xf32, #tpu.memory_space<vmem>>) target(%dma_start3A_160 : memref<50048xf32, #tpu.memory_space<vmem_shared>>) offsets(%dma_start3A_158 : memref<80xi32, #tpu.memory_space<vmem>>) semaphore(%run_scoped3A_154 : memref<!tpu.dma_semaphore, #tpu.memory_space<semaphore_mem>>) {add = true}
        %dma_wait3A = arith.constant 1920 : i32
        %dma_wait3A_161 = tpu.memref_slice %arg20[%dma_wait3A] : memref<2000xf32, #tpu.memory_space<vmem>> -> memref<80xf32, #tpu.memory_space<vmem>>
        %dma_wait3A_162 = arith.constant 0 : i32
        %dma_wait3A_163 = tpu.memref_slice %arg13[%run_scoped3A_152, %dma_wait3A_162] : memref<25x80xi32, #tpu.memory_space<vmem>> -> memref<1x80xi32, #tpu.memory_space<vmem>>
        %dma_wait3A_164 = tpu.memref_squeeze %dma_wait3A_163 : memref<1x80xi32, #tpu.memory_space<vmem>> -> memref<80xi32, #tpu.memory_space<vmem>>
        %dma_wait3A_165 = arith.constant 0 : i32
        %dma_wait3A_166 = tpu.memref_slice %arg26[%dma_wait3A_165] : memref<50048xf32, #tpu.memory_space<vmem_shared>> -> memref<50048xf32, #tpu.memory_space<vmem_shared>>
        tpu.wait_indirect_dma semaphore(%run_scoped3A_154 : memref<!tpu.dma_semaphore, #tpu.memory_space<semaphore_mem>>) src(%dma_wait3A_161 : memref<80xf32, #tpu.memory_space<vmem>>) dst(%dma_wait3A_166 : memref<50048xf32, #tpu.memory_space<vmem_shared>>)
        tpu.yield
      }) : () -> ()
      %run_scoped3A_153 = arith.constant 24 : i32
      "tpu.region"() ({
        %run_scoped3A_154 = tpu.sem_alloc : memref<!tpu.dma_semaphore, #tpu.memory_space<semaphore_mem>>
        %dma_start3A = arith.constant 1920 : i32
        %dma_start3A_155 = tpu.memref_slice %arg21[%dma_start3A] : memref<2000xf32, #tpu.memory_space<vmem>> -> memref<80xf32, #tpu.memory_space<vmem>>
        %dma_start3A_156 = arith.constant 0 : i32
        %dma_start3A_157 = tpu.memref_slice %arg13[%run_scoped3A_153, %dma_start3A_156] : memref<25x80xi32, #tpu.memory_space<vmem>> -> memref<1x80xi32, #tpu.memory_space<vmem>>
        %dma_start3A_158 = tpu.memref_squeeze %dma_start3A_157 : memref<1x80xi32, #tpu.memory_space<vmem>> -> memref<80xi32, #tpu.memory_space<vmem>>
        %dma_start3A_159 = arith.constant 0 : i32
        %dma_start3A_160 = tpu.memref_slice %arg27[%dma_start3A_159] : memref<50048xf32, #tpu.memory_space<vmem_shared>> -> memref<50048xf32, #tpu.memory_space<vmem_shared>>
        tpu.enqueue_indirect_dma source(%dma_start3A_155 : memref<80xf32, #tpu.memory_space<vmem>>) target(%dma_start3A_160 : memref<50048xf32, #tpu.memory_space<vmem_shared>>) offsets(%dma_start3A_158 : memref<80xi32, #tpu.memory_space<vmem>>) semaphore(%run_scoped3A_154 : memref<!tpu.dma_semaphore, #tpu.memory_space<semaphore_mem>>) {add = true}
        %dma_wait3A = arith.constant 1920 : i32
        %dma_wait3A_161 = tpu.memref_slice %arg21[%dma_wait3A] : memref<2000xf32, #tpu.memory_space<vmem>> -> memref<80xf32, #tpu.memory_space<vmem>>
        %dma_wait3A_162 = arith.constant 0 : i32
        %dma_wait3A_163 = tpu.memref_slice %arg13[%run_scoped3A_153, %dma_wait3A_162] : memref<25x80xi32, #tpu.memory_space<vmem>> -> memref<1x80xi32, #tpu.memory_space<vmem>>
        %dma_wait3A_164 = tpu.memref_squeeze %dma_wait3A_163 : memref<1x80xi32, #tpu.memory_space<vmem>> -> memref<80xi32, #tpu.memory_space<vmem>>
        %dma_wait3A_165 = arith.constant 0 : i32
        %dma_wait3A_166 = tpu.memref_slice %arg27[%dma_wait3A_165] : memref<50048xf32, #tpu.memory_space<vmem_shared>> -> memref<50048xf32, #tpu.memory_space<vmem_shared>>
        tpu.wait_indirect_dma semaphore(%run_scoped3A_154 : memref<!tpu.dma_semaphore, #tpu.memory_space<semaphore_mem>>) src(%dma_wait3A_161 : memref<80xf32, #tpu.memory_space<vmem>>) dst(%dma_wait3A_166 : memref<50048xf32, #tpu.memory_space<vmem_shared>>)
        tpu.yield
      }) : () -> ()
    }
    %scan3A_12 = arith.constant 25 : i32
    %barrier3A_13 = arith.constant 0 : index
    tpu.barrier barrier_id(%barrier3A_13)
    "tpu.region"() ({
      %run_scoped3A = tpu.sem_alloc : memref<!tpu.dma_semaphore, #tpu.memory_space<semaphore_mem>>
      %dma_start3A = tpu.memref_slice %arg26[%mul3A_2] : memref<50048xf32, #tpu.memory_space<vmem_shared>> -> memref<3128xf32, #tpu.memory_space<vmem_shared>>
      %dma_start3A_20 = tpu.memref_slice %arg26[%mul3A_2] : memref<50048xf32, #tpu.memory_space<vmem_shared>> -> memref<3128xf32, #tpu.memory_space<vmem_shared>>
      tpu.enqueue_dma source(%dma_start3A_20 : memref<3128xf32, #tpu.memory_space<vmem_shared>>) target(%arg23 : memref<3128xf32, #tpu.memory_space<vmem>>) target_semaphore(%run_scoped3A : memref<!tpu.dma_semaphore, #tpu.memory_space<semaphore_mem>>)
      %dma_wait3A = tpu.memref_slice %arg26[%mul3A_2] : memref<50048xf32, #tpu.memory_space<vmem_shared>> -> memref<3128xf32, #tpu.memory_space<vmem_shared>>
      %dma_wait3A_21 = tpu.memref_slice %arg26[%mul3A_2] : memref<50048xf32, #tpu.memory_space<vmem_shared>> -> memref<3128xf32, #tpu.memory_space<vmem_shared>>
      tpu.wait_dma2 semaphore(%run_scoped3A : memref<!tpu.dma_semaphore, #tpu.memory_space<semaphore_mem>>) src(%dma_wait3A_21 : memref<3128xf32, #tpu.memory_space<vmem_shared>>) dst(%arg23 : memref<3128xf32, #tpu.memory_space<vmem>>)
      tpu.yield
    }) : () -> ()
    %mul3A_14 = arith.constant 2 : i32
    %mul3A_15 = arith.muli %mul3A_14, %arg0 : i32
    "tpu.region"() ({
      %run_scoped3A = tpu.sem_alloc : memref<!tpu.dma_semaphore, #tpu.memory_space<semaphore_mem>>
      %dma_start3A = tpu.memref_slice %arg10[%mul3A_15, %mul3A_2] : memref<4x50048xf32, #tpu.memory_space<hbm>> -> memref<1x3128xf32, #tpu.memory_space<hbm>>
      %dma_start3A_20 = tpu.memref_squeeze %dma_start3A : memref<1x3128xf32, #tpu.memory_space<hbm>> -> memref<3128xf32, #tpu.memory_space<hbm>>
      %dma_start3A_21 = tpu.memref_slice %arg10[%mul3A_15, %mul3A_2] : memref<4x50048xf32, #tpu.memory_space<hbm>> -> memref<1x3128xf32, #tpu.memory_space<hbm>>
      %dma_start3A_22 = tpu.memref_squeeze %dma_start3A_21 : memref<1x3128xf32, #tpu.memory_space<hbm>> -> memref<3128xf32, #tpu.memory_space<hbm>>
      tpu.enqueue_dma source(%arg23 : memref<3128xf32, #tpu.memory_space<vmem>>) target(%dma_start3A_22 : memref<3128xf32, #tpu.memory_space<hbm>>) target_semaphore(%run_scoped3A : memref<!tpu.dma_semaphore, #tpu.memory_space<semaphore_mem>>)
      %dma_wait3A = tpu.memref_slice %arg10[%mul3A_15, %mul3A_2] : memref<4x50048xf32, #tpu.memory_space<hbm>> -> memref<1x3128xf32, #tpu.memory_space<hbm>>
      %dma_wait3A_23 = tpu.memref_squeeze %dma_wait3A : memref<1x3128xf32, #tpu.memory_space<hbm>> -> memref<3128xf32, #tpu.memory_space<hbm>>
      %dma_wait3A_24 = tpu.memref_slice %arg10[%mul3A_15, %mul3A_2] : memref<4x50048xf32, #tpu.memory_space<hbm>> -> memref<1x3128xf32, #tpu.memory_space<hbm>>
      %dma_wait3A_25 = tpu.memref_squeeze %dma_wait3A_24 : memref<1x3128xf32, #tpu.memory_space<hbm>> -> memref<3128xf32, #tpu.memory_space<hbm>>
      tpu.wait_dma2 semaphore(%run_scoped3A : memref<!tpu.dma_semaphore, #tpu.memory_space<semaphore_mem>>) src(%arg23 : memref<3128xf32, #tpu.memory_space<vmem>>) dst(%dma_wait3A_25 : memref<3128xf32, #tpu.memory_space<hbm>>)
      tpu.yield
    }) : () -> ()
    "tpu.region"() ({
      %run_scoped3A = tpu.sem_alloc : memref<!tpu.dma_semaphore, #tpu.memory_space<semaphore_mem>>
      %dma_start3A = tpu.memref_slice %arg27[%mul3A_2] : memref<50048xf32, #tpu.memory_space<vmem_shared>> -> memref<3128xf32, #tpu.memory_space<vmem_shared>>
      %dma_start3A_20 = tpu.memref_slice %arg27[%mul3A_2] : memref<50048xf32, #tpu.memory_space<vmem_shared>> -> memref<3128xf32, #tpu.memory_space<vmem_shared>>
      tpu.enqueue_dma source(%dma_start3A_20 : memref<3128xf32, #tpu.memory_space<vmem_shared>>) target(%arg23 : memref<3128xf32, #tpu.memory_space<vmem>>) target_semaphore(%run_scoped3A : memref<!tpu.dma_semaphore, #tpu.memory_space<semaphore_mem>>)
      %dma_wait3A = tpu.memref_slice %arg27[%mul3A_2] : memref<50048xf32, #tpu.memory_space<vmem_shared>> -> memref<3128xf32, #tpu.memory_space<vmem_shared>>
      %dma_wait3A_21 = tpu.memref_slice %arg27[%mul3A_2] : memref<50048xf32, #tpu.memory_space<vmem_shared>> -> memref<3128xf32, #tpu.memory_space<vmem_shared>>
      tpu.wait_dma2 semaphore(%run_scoped3A : memref<!tpu.dma_semaphore, #tpu.memory_space<semaphore_mem>>) src(%dma_wait3A_21 : memref<3128xf32, #tpu.memory_space<vmem_shared>>) dst(%arg23 : memref<3128xf32, #tpu.memory_space<vmem>>)
      tpu.yield
    }) : () -> ()
    %mul3A_16 = arith.constant 2 : i32
    %mul3A_17 = arith.muli %mul3A_16, %arg0 : i32
    %add3A_18 = arith.constant 1 : i32
    %add3A_19 = arith.addi %mul3A_17, %add3A_18 : i32
    "tpu.region"() ({
      %run_scoped3A = tpu.sem_alloc : memref<!tpu.dma_semaphore, #tpu.memory_space<semaphore_mem>>
      %dma_start3A = tpu.memref_slice %arg10[%add3A_19, %mul3A_2] : memref<4x50048xf32, #tpu.memory_space<hbm>> -> memref<1x3128xf32, #tpu.memory_space<hbm>>
      %dma_start3A_20 = tpu.memref_squeeze %dma_start3A : memref<1x3128xf32, #tpu.memory_space<hbm>> -> memref<3128xf32, #tpu.memory_space<hbm>>
      %dma_start3A_21 = tpu.memref_slice %arg10[%add3A_19, %mul3A_2] : memref<4x50048xf32, #tpu.memory_space<hbm>> -> memref<1x3128xf32, #tpu.memory_space<hbm>>
      %dma_start3A_22 = tpu.memref_squeeze %dma_start3A_21 : memref<1x3128xf32, #tpu.memory_space<hbm>> -> memref<3128xf32, #tpu.memory_space<hbm>>
      tpu.enqueue_dma source(%arg23 : memref<3128xf32, #tpu.memory_space<vmem>>) target(%dma_start3A_22 : memref<3128xf32, #tpu.memory_space<hbm>>) target_semaphore(%run_scoped3A : memref<!tpu.dma_semaphore, #tpu.memory_space<semaphore_mem>>)
      %dma_wait3A = tpu.memref_slice %arg10[%add3A_19, %mul3A_2] : memref<4x50048xf32, #tpu.memory_space<hbm>> -> memref<1x3128xf32, #tpu.memory_space<hbm>>
      %dma_wait3A_23 = tpu.memref_squeeze %dma_wait3A : memref<1x3128xf32, #tpu.memory_space<hbm>> -> memref<3128xf32, #tpu.memory_space<hbm>>
      %dma_wait3A_24 = tpu.memref_slice %arg10[%add3A_19, %mul3A_2] : memref<4x50048xf32, #tpu.memory_space<hbm>> -> memref<1x3128xf32, #tpu.memory_space<hbm>>
      %dma_wait3A_25 = tpu.memref_squeeze %dma_wait3A_24 : memref<1x3128xf32, #tpu.memory_space<hbm>> -> memref<3128xf32, #tpu.memory_space<hbm>>
      tpu.wait_dma2 semaphore(%run_scoped3A : memref<!tpu.dma_semaphore, #tpu.memory_space<semaphore_mem>>) src(%arg23 : memref<3128xf32, #tpu.memory_space<vmem>>) dst(%dma_wait3A_25 : memref<3128xf32, #tpu.memory_space<hbm>>)
      tpu.yield
    }) : () -> ()
    return
  }
}

module attributes {stable_mosaic.version = 14 : i64} {
  func.func @_euler_tc_kernel(%arg0: memref<2x391x128xf32, #tpu.memory_space<vmem>>, %arg1: memref<391x128xf32, #tpu.memory_space<vmem>>, %arg2: memref<1x2xf32, #tpu.memory_space<vmem>>, %arg3: memref<4x391x128xf32, #tpu.memory_space<vmem>>, %arg4: memref<2x391x128xf32, #tpu.memory_space<vmem>>) attributes {dimension_semantics = [], scalar_prefetch = 0 : i64, scratch_operands = 0 : i64, tpu.core_type = #tpu.core_type<tc>} {
    %get3A = arith.constant 0 : index
    %get3A_0 = arith.constant 0 : index
    %get3A_1 = arith.constant 0 : index
    %get3A_2 = vector.load %arg3[%get3A, %get3A_0, %get3A_1] : memref<4x391x128xf32, #tpu.memory_space<vmem>>, vector<1x391x128xf32>
    %get3A_3 = vector.shape_cast %get3A_2 : vector<1x391x128xf32> to vector<391x128xf32>
    %get3A_4 = arith.constant 2 : index
    %get3A_5 = arith.constant 0 : index
    %get3A_6 = arith.constant 0 : index
    %get3A_7 = vector.load %arg3[%get3A_4, %get3A_5, %get3A_6] : memref<4x391x128xf32, #tpu.memory_space<vmem>>, vector<1x391x128xf32>
    %get3A_8 = vector.shape_cast %get3A_7 : vector<1x391x128xf32> to vector<391x128xf32>
    %add3A = arith.addf %get3A_3, %get3A_8 : vector<391x128xf32>
    %get3A_9 = arith.constant 1 : index
    %get3A_10 = arith.constant 0 : index
    %get3A_11 = arith.constant 0 : index
    %get3A_12 = vector.load %arg3[%get3A_9, %get3A_10, %get3A_11] : memref<4x391x128xf32, #tpu.memory_space<vmem>>, vector<1x391x128xf32>
    %get3A_13 = vector.shape_cast %get3A_12 : vector<1x391x128xf32> to vector<391x128xf32>
    %get3A_14 = arith.constant 3 : index
    %get3A_15 = arith.constant 0 : index
    %get3A_16 = arith.constant 0 : index
    %get3A_17 = vector.load %arg3[%get3A_14, %get3A_15, %get3A_16] : memref<4x391x128xf32, #tpu.memory_space<vmem>>, vector<1x391x128xf32>
    %get3A_18 = vector.shape_cast %get3A_17 : vector<1x391x128xf32> to vector<391x128xf32>
    %add3A_19 = arith.addf %get3A_13, %get3A_18 : vector<391x128xf32>
    %get3A_20 = arith.constant 0 : index
    %get3A_21 = arith.constant 0 : index
    %get3A_22 = vector.load %arg1[%get3A_20, %get3A_21] : memref<391x128xf32, #tpu.memory_space<vmem>>, vector<391x128xf32>
    %get3A_23 = arith.constant 0 : index
    %get3A_24 = arith.constant 0 : index
    %get3A_25 = arith.constant 0 : index
    %get3A_26 = vector.load %arg0[%get3A_23, %get3A_24, %get3A_25] : memref<2x391x128xf32, #tpu.memory_space<vmem>>, vector<1x391x128xf32>
    %get3A_27 = vector.shape_cast %get3A_26 : vector<1x391x128xf32> to vector<391x128xf32>
    %get3A_28 = arith.constant 0 : index
    %get3A_29 = arith.constant 0 : index
    %get3A_30 = vector.load %arg2[%get3A_28, %get3A_29] : memref<1x2xf32, #tpu.memory_space<vmem>>, vector<1x1xf32>
    %get3A_31 = vector.extract %get3A_30[0, 0] : f32 from vector<1x1xf32>
    %add3A_32 = vector.broadcast %get3A_31 : f32 to vector<391x128xf32>
    %add3A_33 = arith.addf %add3A, %add3A_32 : vector<391x128xf32>
    %mul3A = arith.mulf %add3A_33, %get3A_22 : vector<391x128xf32>
    %mul3A_34 = arith.constant 1.000000e-03 : f32
    %mul3A_35 = vector.broadcast %mul3A_34 : f32 to vector<391x128xf32>
    %mul3A_36 = arith.mulf %mul3A, %mul3A_35 : vector<391x128xf32>
    %add3A_37 = arith.addf %get3A_27, %mul3A_36 : vector<391x128xf32>
    %swap3A = arith.constant 0 : index
    %swap3A_38 = arith.constant 0 : index
    %swap3A_39 = arith.constant 0 : index
    %swap3A_40 = vector.load %arg4[%swap3A, %swap3A_38, %swap3A_39] : memref<2x391x128xf32, #tpu.memory_space<vmem>>, vector<1x391x128xf32>
    %swap3A_41 = vector.shape_cast %swap3A_40 : vector<1x391x128xf32> to vector<391x128xf32>
    %swap3A_42 = vector.shape_cast %add3A_37 : vector<391x128xf32> to vector<1x391x128xf32>
    tpu.vector_store %arg4[%swap3A, %swap3A_38, %swap3A_39], %swap3A_42 {strides = array<i32>} : memref<2x391x128xf32, #tpu.memory_space<vmem>>, vector<1x391x128xf32>,
    %get3A_43 = arith.constant 1 : index
    %get3A_44 = arith.constant 0 : index
    %get3A_45 = arith.constant 0 : index
    %get3A_46 = vector.load %arg0[%get3A_43, %get3A_44, %get3A_45] : memref<2x391x128xf32, #tpu.memory_space<vmem>>, vector<1x391x128xf32>
    %get3A_47 = vector.shape_cast %get3A_46 : vector<1x391x128xf32> to vector<391x128xf32>
    %get3A_48 = arith.constant 0 : index
    %get3A_49 = arith.constant 1 : index
    %get3A_50 = vector.load %arg2[%get3A_48, %get3A_49] : memref<1x2xf32, #tpu.memory_space<vmem>>, vector<1x1xf32>
    %get3A_51 = vector.extract %get3A_50[0, 0] : f32 from vector<1x1xf32>
    %add3A_52 = vector.broadcast %get3A_51 : f32 to vector<391x128xf32>
    %add3A_53 = arith.addf %add3A_19, %add3A_52 : vector<391x128xf32>
    %mul3A_54 = arith.mulf %add3A_53, %get3A_22 : vector<391x128xf32>
    %mul3A_55 = arith.constant 1.000000e-03 : f32
    %mul3A_56 = vector.broadcast %mul3A_55 : f32 to vector<391x128xf32>
    %mul3A_57 = arith.mulf %mul3A_54, %mul3A_56 : vector<391x128xf32>
    %add3A_58 = arith.addf %get3A_47, %mul3A_57 : vector<391x128xf32>
    %swap3A_59 = arith.constant 1 : index
    %swap3A_60 = arith.constant 0 : index
    %swap3A_61 = arith.constant 0 : index
    %swap3A_62 = vector.load %arg4[%swap3A_59, %swap3A_60, %swap3A_61] : memref<2x391x128xf32, #tpu.memory_space<vmem>>, vector<1x391x128xf32>
    %swap3A_63 = vector.shape_cast %swap3A_62 : vector<1x391x128xf32> to vector<391x128xf32>
    %swap3A_64 = vector.shape_cast %add3A_58 : vector<391x128xf32> to vector<1x391x128xf32>
    tpu.vector_store %arg4[%swap3A_59, %swap3A_60, %swap3A_61], %swap3A_64 {strides = array<i32>} : memref<2x391x128xf32, #tpu.memory_space<vmem>>, vector<1x391x128xf32>,
    return
  }
}

</mosaic_0001>

<sc_bundles>
// kernel: kernel.4.cloned.1.call-start
scs
__scs_entry_jumppad:
0x0: {  	(pc) =	sbr.rel $0x88, $3  }
0x1: {  	(tag) =	ssettag $0x0;
	lr =	simm.s32 $0x1  }
0x2: {  	[smem:$0x3F9C] =	sst lr;
	_ =	strace $0xD0000000  }
0x3: {  	_ = 	snop  }
0x4: {  	_ = 	snop  }
0x5: {  	_ = 	snop  }
0x6: {  	_ = 	snop  }
0x7: {  	_ = 	snop  }
__scs_overlays_trampoline_lowered:
0x8: {  	[smem:$0x3FAB] =	sst s0  }
0x9: {  	[smem:$0x3FAC] =	sst s1  }
0xa: {  	[smem:$0x3FAD] =	sst s2  }
0xb: {  	[smem:$0x3FAE] =	sst s3  }
0xc: {  	[smem:$0x3FAF] =	sst s4  }
0xd: {  	[smem:$0x3FB0] =	sst s5  }
0xe: {  	[smem:$0x3FB1] =	sst s6  }
0xf: {  	[smem:$0x3FB2] =	sst s7  }
0x10: {  	[smem:$0x3FB3] =	sst s8  }
0x11: {  	[smem:$0x3FB4] =	sst s9;
	s0 =	simm.s32 @!p0 $0x0  }
0x12: {  	s1 =	sld [smem:$0x3F9A];
	s0 =	simm.s32 @p0 $0x1  }
0x13: {  	[smem:$0x3FB5] =	sst s0;
	s0 =	simm.s32 @!p1 $0x0  }
0x14: {  	s2 =	sld [smem:$0x3F99];
	s0 =	simm.s32 @p1 $0x1  }
0x15: {  	[smem:$0x3FB6] =	sst s0;
	s0 =	simm.s32 @!p2 $0x0  }
0x16: {  	s3 =	sld [smem:$0x3FDB];
	s0 =	simm.s32 @p2 $0x1  }
0x17: {  	s4 =	simm.s32 $0x1BF5;
	[smem:$0x3FB8] =	sst s0  }
0x18: {  	s0 =	sld [smem:$0x3F9B];
	_ =	swait.ge [sflag:s4], $0x0  }
0x19: {  	s7 =	sld [smem:$0x3F9C]  }
0x1a: {  	s8 =	sadd.s32 $0xFFFFE003, lr  }
0x1b: {  	s9 =	sadd.s32 $0xFFFFFEF7, lr;
	s5 =	simm.s32 $0xFFFFFFFF;
	p2 =	slt.u32 s8, $0xFFFFF086  }
0x1c: {  	p1 =	slt.u32 s9, $0xF7A;
	s5 =	simm.s32 @!p2 $0x0  }
0x1d: {  	s5 =	simm.s32 @p1 $0x1;
	p0 =	seq.s32 s7, s2  }
0x1e: {  	s7 =	smul.u32 @!p0 $0xF7A, s2;
	p2 =	seq.s32 @!p0 s5, $0x0  }
0x1f: {  	s9 =	smul.u32 $0xF7A, s1;
	s8 =	simm.s32 @!p0 $0x1BF5;
	p2 =	por !p2, p0  }
0x20: {  	[sflag:s8] =	ssyncset.s32 @!p0 $0xFFFFF086;
	s6 =	sadd.s32 @!p0 s3, s7;
	s7 =	simm.s32 @!p0 $0x108  }
0x21: {  	s3 =	sadd.s32 s3, s9;
	s6 =	sadd.s32 @!p0 $0x88, s6;
	s7 =	simm.s32 @p2 $0x1082  }
0x22: {  	[simem:s7], [sflag:s8] =	dma.local @!p0 [hbm:s6], $0xF7A  }
0x23: {  	s9 =	sor.u32 $0xD0000000, s2;
	s6 =	simm.s32 $0x108;
	_ =	swait.ge @!p0 [sflag:s8], $0x0  }
0x24: {  	s3 =	sadd.s32 $0x88, s3;
	s6 =	simm.s32 @!p1 $0x1082;
	[sflag:s4] =	ssyncset.s32 $0xFFFFF086  }
0x25: {  	[simem:s6], [sflag:s4] =	dma.local [hbm:s3], $0xF7A  }
0x26: {  	[smem:$0x3F9C] =	sst s1;
	(tag) =	ssettag s2;
	_ =	strace s9  }
0x27: {  	s1 =	sld [smem:$0x3FAC]  }
0x28: {  	s2 =	sld [smem:$0x3FAD]  }
0x29: {  	s4 =	sld [smem:$0x3FAF]  }
0x2a: {  	p0 =	seq.s32 s5, $0x0;
	s5 =	sld [smem:$0x3FB0]  }
0x2b: {  	s6 =	sld [smem:$0x3FB1]  }
0x2c: {  	s7 =	sld [smem:$0x3FB2]  }
0x2d: {  	s3 =	simm.s32 $0x108;
	s8 =	sld [smem:$0x3FB3]  }
0x2e: {  	s3 =	simm.s32 @!p0 $0x1082;
	s9 =	sld [smem:$0x3FB4]  }
0x2f: {  	lr =	sadd.s32 s0, s3;
	s0 =	sld [smem:$0x3FAB]  }
0x30: {  	s3 =	sld [smem:$0x3FAE]  }
0x31: {  	[smem:$0x3FB7] =	sst s10  }
0x32: {  	s10 =	sld [smem:$0x3FB5];
	_ =	sdelay $0x3  }
0x33: {  	p0 =	seq.s32 s10, $0x1;
	s10 =	sld [smem:$0x3FB7];
	_ =	sdelay $0x3  }
0x34: {  	[smem:$0x3FB7] =	sst s10  }
0x35: {  	s10 =	sld [smem:$0x3FB6];
	_ =	sdelay $0x3  }
0x36: {  	p1 =	seq.s32 s10, $0x1;
	s10 =	sld [smem:$0x3FB7];
	_ =	sdelay $0x3  }
0x37: {  	[smem:$0x3FB7] =	sst s10  }
0x38: {  	s10 =	sld [smem:$0x3FB8]  }
0x39: {  	_ = 	snop;
	(pc) =	sbr.ind lr, $3  }
0x3a: {  	_ = 	snop  }
0x3b: {  	_ = 	snop  }
0x3c: {  	p2 =	seq.s32 s10, $0x1;
	s10 =	sld [smem:$0x3FB7]  }
0x3d: {  	_ =	shalt  }
0x3e: {  	_ =	shalt  }
0x3f: {  	_ =	shalt  }
0x40: {  	_ =	shalt  }
0x41: {  	_ =	shalt  }
0x42: {  	_ =	shalt  }
0x43: {  	_ =	shalt  }
0x44: {  	_ =	shalt  }
0x45: {  	_ =	shalt  }
0x46: {  	_ =	shalt  }
0x47: {  	_ =	shalt  }
0x48: {  	_ =	shalt  }
0x49: {  	_ =	shalt  }
0x4a: {  	_ =	shalt  }
0x4b: {  	_ =	shalt  }
0x4c: {  	_ =	shalt  }
0x4d: {  	_ =	shalt  }
0x4e: {  	_ =	shalt  }
0x4f: {  	_ =	shalt  }
0x50: {  	_ =	shalt  }
0x51: {  	_ =	shalt  }
0x52: {  	_ =	shalt  }
0x53: {  	_ =	shalt  }
0x54: {  	_ =	shalt  }
0x55: {  	_ =	shalt  }
0x56: {  	_ =	shalt  }
0x57: {  	_ =	shalt  }
0x58: {  	_ =	shalt  }
0x59: {  	_ =	shalt  }
0x5a: {  	_ =	shalt  }
0x5b: {  	_ =	shalt  }
0x5c: {  	_ =	shalt  }
0x5d: {  	_ =	shalt  }
0x5e: {  	_ =	shalt  }
0x5f: {  	_ =	shalt  }
0x60: {  	_ =	shalt  }
0x61: {  	_ =	shalt  }
0x62: {  	_ =	shalt  }
0x63: {  	_ =	shalt  }
0x64: {  	_ =	shalt  }
0x65: {  	_ =	shalt  }
0x66: {  	_ =	shalt  }
0x67: {  	_ =	shalt  }
0x68: {  	_ =	shalt  }
0x69: {  	_ =	shalt  }
0x6a: {  	_ =	shalt  }
0x6b: {  	_ =	shalt  }
0x6c: {  	_ =	shalt  }
0x6d: {  	_ =	shalt  }
0x6e: {  	_ =	shalt  }
0x6f: {  	_ =	shalt  }
0x70: {  	_ =	shalt  }
0x71: {  	_ =	shalt  }
0x72: {  	_ =	shalt  }
0x73: {  	_ =	shalt  }
0x74: {  	_ =	shalt  }
0x75: {  	_ =	shalt  }
0x76: {  	_ =	shalt  }
0x77: {  	_ =	shalt  }
0x78: {  	_ =	shalt  }
0x79: {  	_ =	shalt  }
0x7a: {  	_ =	shalt  }
0x7b: {  	_ =	shalt  }
0x7c: {  	_ =	shalt  }
0x7d: {  	_ =	shalt  }
0x7e: {  	_ =	shalt  }
0x7f: {  	_ =	shalt  }
0x80: {  	_ =	shalt  }
0x81: {  	_ =	shalt  }
0x82: {  	_ =	shalt  }
0x83: {  	_ =	shalt  }
0x84: {  	_ =	shalt  }
0x85: {  	_ =	shalt  }
0x86: {  	_ =	shalt  }
0x87: {  	_ =	shalt  }
.Lfunc_end0:
.L_simem_size_0:
called_computation_lowered:
.L_overlay_start_0:
0x88: {  	s2 =	sld [smem:$0x3FD9]  }
0x89: {  	s3 =	sld [smem:$0x3FFE];
	_ =	sdelay $0x1  }
0x8a: {  	s1 =	srdreg.scid  }
0x8b: {  	s0 =	sand.u32 $0x1, s1  }
0x8c: {  	s14 =	sshll.u32 s0, $0xA;
	s2 =	sadd.s32 s3, s2  }
0x8d: {  	s2 =	sadd.s32 s2, s14  }
0x8e: {  	[smem:$0x3FC3] =	sst s2  }
0x8f: {  	_ = 	snop  }
0x90: {  	s2 =	sld [smem:$0x3FD0];
	_ =	sdelay $0x1  }
0x91: {  	s15 =	sld [smem:$0x3FC7]  }
0x92: {  	s5 =	simm.s32 $0xA;
	s6 =	simm.s32 $0x10;
	s4 =	sld [smem:$0x3FC6]  }
0x93: {  	[smem:s6], [sflag:s5] =	dma.local [hbm:s2], $0x1  }
0x94: {  	_ =	swait.eq [sflag:s5], $0x1  }
0x95: {  	[sflag:s5] =	ssyncset.done $0x0  }
0x96: {  	s16 =	sld [smem:$0x10];
	[sflag:s5] =	ssyncadd.s32 $0xFFFFFFFF  }
0x97: {  	s17 =	sld [smem:$0x11];
	(tm) =	ssettm $0x1  }
0x98: {  	s18 =	sld [smem:$0x3FFB];
	_ =	sdelay $0x3  }
0x99: {  	_ =	strace s18  }
0x9a: {  	s6 =	sld [smem:$0x3FFC];
	_ =	sdelay $0x3  }
0x9b: {  	_ =	strace s6  }
0x9c: {  	s6 =	sld [smem:$0x3FFD];
	_ =	sdelay $0x3  }
0x9d: {  	_ =	strace s6  }
0x9e: {  	_ =	strace $0x8FFFFFFF  }
0x9f: {  	s19 =	sld [smem:$0x3FDB];
	_ =	sdelay $0x1  }
0xa0: {  	s7 =	simm.s32 $_scs_section_size  }
0xa1: {  	s8 =	simm.s32 $_size__tile_overlayer_lowered;
	s9 =	simm.s32 $_tile_overlayer_lowered  }
0xa2: {  	s22 =	simm.s32 $0x1BFF;
	s21 =	sshll.u32 s9, $0x1;
	s6 =	sadd.s32 s7, s19  }
0xa3: {  	s10 =	simm.s32 $0x0;
	s20 =	sshll.u32 s8, $0x1;
	s8 =	sadd.s32 s21, s6  }
0xa4: {  	[timem:s10], [sflag:s22] =	dma.local [hbm:s8], s20  }
0xa5: {  	_ =	swait.ge [sflag:s22], s20  }
0xa6: {  	s7 =	ssub.s32 $0x0, s20;
	[sflag:s22] =	ssyncset.done $0x0  }
0xa7: {  	[sflag:s22] =	ssyncadd.s32 s7;
	_ =	sdelay $0x1  }
0xa8: {  	s23 =	simm.s32 $0x1B8B  }
0xa9: {  	_ =	swait.ge [sflag:s23], $0x1  }
0xaa: {  	[sflag:s23] =	ssyncset.done $0x0  }
0xab: {  	s25 =	simm.s32 $0x1B8E;
	s24 =	sld [smem:$0x3FFE];
	[sflag:s23] =	ssyncadd.s32 $0xFFFFFFFF  }
0xac: {  	s26 =	simm.s32 $execute0_lowered;
	[smem:$0x3FD2] =	sst s25  }
0xad: {  	s8 =	sshll.u32 s26, $0x1;
	_ =	strace $0x80000046;
	[dreg:$0x1] =	wrdreg $0xFFFFFFFF  }
0xae: {  	s28 =	simm.s32 $_size_execute0_lowered;
	s6 =	sadd.s32 s6, s8;
	[dreg:$0x0] =	wrdreg $0x0  }
0xaf: {  	s8 =	sshll.u32 s28, $0x1;
	[dreg:$0x2] =	wrdreg s6  }
0xb0: {  	[dreg:$0x3] =	wrdreg s8  }
0xb1: {  	[dreg:$0x4] =	wrdreg $0xC0  }
0xb2: {  	_ =	task [dreg:s10], $0x5FFFF  }
0xb3: {  	[dreg:$0x1] =	wrdreg $0xFFFFFFFF  }
0xb4: {  	[dreg:$0x0] =	wrdreg $0x60  }
0xb5: {  	[dreg:$0x2] =	wrdreg s17  }
0xb6: {  	[dreg:$0x3] =	wrdreg s24  }
0xb7: {  	[dreg:$0x4] =	wrdreg s15  }
0xb8: {  	[dreg:$0x5] =	wrdreg s4  }
0xb9: {  	[dreg:$0x6] =	wrdreg s16  }
0xba: {  	[dreg:$0x7] =	wrdreg $0xA0A80  }
0xbb: {  	[dreg:$0x8] =	wrdreg $0xACE00  }
0xbc: {  	[dreg:$0x9] =	wrdreg $0xB9180  }
0xbd: {  	[dreg:$0xa] =	wrdreg $0xC5500  }
0xbe: {  	[dreg:$0xb] =	wrdreg $0x9  }
0xbf: {  	_ =	task.clear_ibuf [dreg:s10], $0xCFFFF;
	_ =	strace $0x90000046  }
0xc0: {  	s29 =	simm.s32 $0x9;
	_ =	strace $0x80000048  }
0xc1: {  	_ =	swait.ge [sflag:s29], $0x1  }
0xc2: {  	[sflag:s29] =	ssyncadd.s32 $0xFFFFFFFF  }
0xc3: {  	_ =	strace $0x90000048  }
0xc4: {  	_ =	sfence  }
0xc5: {  	s30 =	sld [smem:$0x0];
	_ =	sdelay $0x2  }
0xc6: {  	s31 =	sshll.u32 s1, $0xD;
	s1 =	sshrl.u32 s1, $0x2  }
0xc7: {  	s3 =	sand.u32 $0x4000, s31;
	s1 =	sadd.s32 s1, s30  }
0xc8: {  	s0 =	sor.u32 s3, s0;
	s1 =	sshll.u32 s1, $0x11  }
0xc9: {  	s0 =	sor.u32 s1, s0  }
0xca: {  	s0 =	sadd.s32 $0x8F2B, s0  }
0xcb: {  	[sflag:s0] =	ssyncadd.remote.s32 $0x1  }
0xcc: {  	_ =	sfence.sel $0xFFFF  }
0xcd: {  	[dreg:$0x0] =	wrdreg $0xFFFFFFFF;
	(pc) =	sbr.abs _section_cstart, $3  }
0xce: {  	[dreg:$0x1] =	wrdreg $0xFFFFFFFF  }
0xcf: {  	_ =	task.clear_ibuf [dreg:s10], $0x2FFFF;
	_ =	strace $0x9FFFFFFF  }
0xd0: {  	(tm) =	ssettm $0x7FFFFFFF  }
0xd1: {  	_ =	shalt  }
tec
execute0_lowered:
.L_overlay_start_1:
0x0: {  	(tag) =	ssettag $0x1  }
0x1: {  	s0 =	rddreg [dreg:$0x0]  }
0x2: {  	s1 =	rddreg [dreg:$0x1]  }
0x3: {  	s10 =	rddreg [dreg:$0x5]  }
0x4: {  	s11 =	rddreg [dreg:$0x6]  }
0x5: {  	s7 =	rddreg [dreg:$0x7]  }
0x6: {  	s2 =	srdreg.scid;
	s9 =	stileid.u32  }
0x7: {  	s8 =	rddreg [dreg:$0x8];
	s28 =	simm.s32 $0x0;
	s30 =	simm.s32 $0x9470  }
0x8: {  	s13 =	simm.s32 $0x1400;
	s2 =	sand.u32 $0x1, s2;
	s3 =	smul.u32 $0xC38, s9  }
0x9: {  	[smem:$0x7FF] =	sst s28;
	s5 =	sadd.s32 $0x1A00, s1;
	s6 =	sadd.s32 $0x3A400, s1  }
0xa: {  	s4 =	smul.u32 $0x18700, s2;
	_ =	strace $0x80000047;
	[dreg:$0xa] =	wrdreg s5  }
0xb: {  	s17 =	ssub.s32 $0x2, s2;
	[dreg:$0xb] =	wrdreg s6;
	s2 =	sshll.u32 s2, $0x4  }
0xc: {  	s18 =	sshrl.u32 s17, $0x1;
	s19 =	sshrl.u32 s3, $0x3;
	s2 =	sor.u32 s9, s2  }
0xd: {  	s21 =	sadd.s32 s3, s10;
	s22 =	sadd.s32 s3, s11;
	s26 =	sadd.s32 s3, s7  }
0xe: {  	s29 =	sadd.s32 s3, s8;
	s9 =	simm.s32 $0x1630;
	s10 =	simm.s32 $0x1720  }
0xf: {  	s11 =	simm.s32 $0x55F0;
	s4 =	sadd.s32 s3, s4;
	[dreg:$0xe] =	wrdreg s21  }
0x10: {  	s5 =	ssub.s32 s17, s18;
	s0 =	sadd.s32 s0, s19;
	[dreg:$0xf] =	wrdreg s22  }
0x11: {  	s20 =	sadd.s32 s1, s19;
	s23 =	smul.u32 $0xC350, s2;
	[dreg:$0x11] =	wrdreg s26  }
0x12: {  	s22 =	simm.s32 $0x13B0;
	s17 =	simm.s32 $0x1450;
	[dreg:$0x12] =	wrdreg s29  }
0x13: {  	s18 =	simm.s32 $0x14A0;
	s2 =	simm.s32 $0x15E0;
	[dreg:$0xc] =	wrdreg s0  }
0x14: {  	s19 =	simm.s32 $0x50;
	[dreg:$0xd] =	wrdreg s20;
	s0 =	sadd.s32 $0x32800, s20  }
0x15: {  	s3 =	simm.s32 $0x0;
	s4 =	sshrl.u32 s4, $0x3;
	[dreg:$0x10] =	wrdreg s0  }
0x16: {  	s31 =	smax.u32 s5, $0x1;
	s5 =	simm.s32 $0x16D0;
	[dreg:$0x13] =	wrdreg s23  }
0x17: {  	s4 =	sadd.s32 s4, s1;
	[dreg:$0x16] =	wrdreg s31;
	s23 =	simm.s32 $0x14F0  }
0x18: {  	s0 =	simm.s32 $0x1540;
	s1 =	simm.s32 $0x1590;
	s24 =	sadd.s32 $0x34200, s4  }
0x19: {  	v0 =	vlaneseq.u32;
	s25 =	sadd.s32 $0x35A70, s4;
	s4 =	simm.s32 $0x1680;
	[dreg:$0x14] =	wrdreg s24  }
0x1a: {  	v0 =	vmul.u32 $0x8, v0;
	[dreg:$0x15] =	wrdreg s25;
	s24 =	simm.s32 $0x1;
	s25 =	simm.s32 $0x7D0  }
.LBB2_1:
0x1b: {  	[dreg:$0x17] =	wrdreg s3  }
0x1c: {  	s6 =	rddreg [dreg:$0xc]  }
0x1d: {  	[tilespmem:s30], [sflag:$0x1] =	stream.linear.gather [hbm4b:s6+s28], $0xC38, $0x38;
	[tilespmem:$0xD188] =	vst v63  }
0x1e: {  	_ =	swait.ge [sflag:s24], $0xC38  }
0x1f: {  	[sflag:s24] =	ssyncset.done $0x0  }
0x20: {  	s16 =	rddreg [dreg:$0xe];
	[sflag:s24] =	ssyncadd.s32 $0xFFFFF3C8  }
0x21: {  	[spmem:s16] =	stream.linear.scatter [tilespmem:s30], [sflag:$0x1], $0xC38, $0x38;
	[tilespmem:$0xD188] =	vst v63  }
0x22: {  	_ =	swait.ge [sflag:s24], $0xC38  }
0x23: {  	[sflag:s24] =	ssyncset.done $0x0  }
0x24: {  	s20 =	rddreg [dreg:$0xd];
	[sflag:s24] =	ssyncadd.s32 $0xFFFFF3C8  }
0x25: {  	[tilespmem:s30], [sflag:$0x1] =	stream.linear.gather [hbm4b:s20+s28], $0xC38, $0x38;
	[tilespmem:$0xD188] =	vst v63  }
0x26: {  	_ =	swait.ge [sflag:s24], $0xC38  }
0x27: {  	[sflag:s24] =	ssyncset.done $0x0  }
0x28: {  	s21 =	rddreg [dreg:$0xf];
	[sflag:s24] =	ssyncadd.s32 $0xFFFFF3C8  }
0x29: {  	[spmem:s21] =	stream.linear.scatter [tilespmem:s30], [sflag:$0x1], $0xC38, $0x38;
	[tilespmem:$0xD188] =	vst v63  }
0x2a: {  	_ =	swait.ge [sflag:s24], $0xC38  }
0x2b: {  	[sflag:s24] =	ssyncset.done $0x0  }
0x2c: {  	s31 =	rddreg [dreg:$0x10];
	[sflag:s24] =	ssyncadd.s32 $0xFFFFF3C8  }
0x2d: {  	[tilespmem:s30], [sflag:$0x1] =	stream.linear.gather [hbm4b:s31+s28], $0xC38, $0x38;
	[tilespmem:$0xD188] =	vst v63  }
0x2e: {  	_ =	swait.ge [sflag:s24], $0xC38  }
0x2f: {  	[sflag:s24] =	ssyncset.done $0x0  }
0x30: {  	[sflag:s24] =	ssyncadd.s32 $0xFFFFF3C8  }
0x31: {  	[spmem:s26] =	stream.linear.scatter [tilespmem:s30], [sflag:$0x1], $0xC38, $0x38;
	[tilespmem:$0xD188] =	vst v63  }
0x32: {  	_ =	swait.ge [sflag:s24], $0xC38  }
0x33: {  	[sflag:s24] =	ssyncset.done $0x0  }
0x34: {  	[sflag:s24] =	ssyncadd.s32 $0xFFFFF3C8  }
0x35: {  	[spmem:s29] =	stream.linear.scatter [tilespmem:s30], [sflag:$0x1], $0xC38, $0x38;
	[tilespmem:$0xD188] =	vst v63  }
0x36: {  	_ =	swait.ge [sflag:s24], $0xC38  }
0x37: {  	[sflag:s24] =	ssyncset.done $0x0  }
0x38: {  	[sflag:s24] =	ssyncadd.s32 $0xFFFFF3C8  }
0x39: {  	s26 =	simm.s32 $0x0;
	[bflag:$0x0] =	sbarrier.arrive $0xFFFF  }
.LBB2_2:
0x3a: {  	s28 =	smul.u32 $0x7D0, s26  }
0x3b: {  	s6 =	rddreg [dreg:$0x13]  }
0x3c: {  	s28 =	sadd.s32 s6, s28  }
0x3d: {  	s6 =	rddreg [dreg:$0x2];
	s30 =	sshrl.u32 s28, $0x3  }
0x3e: {  	s29 =	simm.s32 $0x0;
	s31 =	sadd.s32 s6, s30  }
0x3f: {  	[tilespmem:s29], [sflag:$0x1] =	stream.linear.gather [hbm4b:s31+s29], $0x7D0, $0x38;
	[tilespmem:$0xD188] =	vst v63  }
0x40: {  	_ =	swait.ge [sflag:s24], $0x7D0  }
0x41: {  	[sflag:s24] =	ssyncset.done $0x0  }
0x42: {  	[sflag:s24] =	ssyncadd.s32 $0xFFFFF830  }
0x43: {  	s6 =	rddreg [dreg:$0x3]  }
0x44: {  	s31 =	sadd.s32 s6, s30  }
0x45: {  	[tilespmem:s25], [sflag:$0x1] =	stream.linear.gather [hbm4b:s31+s29], $0x7D0, $0x38;
	[tilespmem:$0xD188] =	vst v63  }
0x46: {  	_ =	swait.ge [sflag:s24], $0x7D0  }
0x47: {  	[sflag:s24] =	ssyncset.done $0x0  }
0x48: {  	s3 =	simm.s32 $0xFA0;
	[sflag:s24] =	ssyncadd.s32 $0xFFFFF830  }
0x49: {  	[tilespmem:s3], [sflag:$0x1] =	stream.linear.gather [hbm4b:s31+s29], $0x50, $0x38;
	[tilespmem:$0xD188] =	vst v63  }
0x4a: {  	_ =	swait.ge [sflag:s24], $0x50  }
0x4b: {  	[sflag:s24] =	ssyncset.done $0x0  }
0x4c: {  	s12 =	simm.s32 $0xFF0;
	s6 =	sadd.s32 $0xA, s31;
	[sflag:s24] =	ssyncadd.s32 $0xFFFFFFB0  }
0x4d: {  	[tilespmem:s12], [sflag:$0x1] =	stream.linear.gather [hbm4b:s6+s29], $0x50, $0x38;
	[tilespmem:$0xD188] =	vst v63  }
0x4e: {  	_ =	swait.ge [sflag:s24], $0x50  }
0x4f: {  	[sflag:s24] =	ssyncset.done $0x0  }
0x50: {  	s3 =	sadd.s32 $0x14, s31;
	s12 =	simm.s32 $0x1040;
	[sflag:s24] =	ssyncadd.s32 $0xFFFFFFB0  }
0x51: {  	[tilespmem:s12], [sflag:$0x1] =	stream.linear.gather [hbm4b:s3+s29], $0x50, $0x38;
	[tilespmem:$0xD188] =	vst v63  }
0x52: {  	_ =	swait.ge [sflag:s24], $0x50  }
0x53: {  	[sflag:s24] =	ssyncset.done $0x0  }
0x54: {  	s14 =	simm.s32 $0x1090;
	s3 =	sadd.s32 $0x1E, s31;
	[sflag:s24] =	ssyncadd.s32 $0xFFFFFFB0  }
0x55: {  	[tilespmem:s14], [sflag:$0x1] =	stream.linear.gather [hbm4b:s3+s29], $0x50, $0x38;
	[tilespmem:$0xD188] =	vst v63  }
0x56: {  	_ =	swait.ge [sflag:s24], $0x50  }
0x57: {  	[sflag:s24] =	ssyncset.done $0x0  }
0x58: {  	s14 =	simm.s32 $0x10E0;
	s3 =	sadd.s32 $0x28, s31;
	[sflag:s24] =	ssyncadd.s32 $0xFFFFFFB0  }
0x59: {  	[tilespmem:s14], [sflag:$0x1] =	stream.linear.gather [hbm4b:s3+s29], $0x50, $0x38;
	[tilespmem:$0xD188] =	vst v63  }
0x5a: {  	_ =	swait.ge [sflag:s24], $0x50  }
0x5b: {  	[sflag:s24] =	ssyncset.done $0x0  }
0x5c: {  	s15 =	simm.s32 $0x1130;
	s3 =	sadd.s32 $0x32, s31;
	[sflag:s24] =	ssyncadd.s32 $0xFFFFFFB0  }
0x5d: {  	[tilespmem:s15], [sflag:$0x1] =	stream.linear.gather [hbm4b:s3+s29], $0x50, $0x38;
	[tilespmem:$0xD188] =	vst v63  }
0x5e: {  	_ =	swait.ge [sflag:s24], $0x50  }
0x5f: {  	[sflag:s24] =	ssyncset.done $0x0  }
0x60: {  	s15 =	simm.s32 $0x1180;
	s3 =	sadd.s32 $0x3C, s31;
	[sflag:s24] =	ssyncadd.s32 $0xFFFFFFB0  }
0x61: {  	[tilespmem:s15], [sflag:$0x1] =	stream.linear.gather [hbm4b:s3+s29], $0x50, $0x38;
	[tilespmem:$0xD188] =	vst v63  }
0x62: {  	_ =	swait.ge [sflag:s24], $0x50  }
0x63: {  	[sflag:s24] =	ssyncset.done $0x0  }
0x64: {  	s16 =	simm.s32 $0x11D0;
	s3 =	sadd.s32 $0x46, s31;
	[sflag:s24] =	ssyncadd.s32 $0xFFFFFFB0  }
0x65: {  	[tilespmem:s16], [sflag:$0x1] =	stream.linear.gather [hbm4b:s3+s29], $0x50, $0x38;
	[tilespmem:$0xD188] =	vst v63  }
0x66: {  	_ =	swait.ge [sflag:s24], $0x50  }
0x67: {  	[sflag:s24] =	ssyncset.done $0x0  }
0x68: {  	s16 =	simm.s32 $0x1220;
	s3 =	sadd.s32 $0x50, s31;
	[sflag:s24] =	ssyncadd.s32 $0xFFFFFFB0  }
0x69: {  	[tilespmem:s16], [sflag:$0x1] =	stream.linear.gather [hbm4b:s3+s29], $0x50, $0x38;
	[tilespmem:$0xD188] =	vst v63  }
0x6a: {  	_ =	swait.ge [sflag:s24], $0x50  }
0x6b: {  	[sflag:s24] =	ssyncset.done $0x0  }
0x6c: {  	s20 =	simm.s32 $0x1270;
	s3 =	sadd.s32 $0x5A, s31;
	[sflag:s24] =	ssyncadd.s32 $0xFFFFFFB0  }
0x6d: {  	[tilespmem:s20], [sflag:$0x1] =	stream.linear.gather [hbm4b:s3+s29], $0x50, $0x38;
	[tilespmem:$0xD188] =	vst v63  }
0x6e: {  	_ =	swait.ge [sflag:s24], $0x50  }
0x6f: {  	[sflag:s24] =	ssyncset.done $0x0  }
0x70: {  	s20 =	simm.s32 $0x12C0;
	s3 =	sadd.s32 $0x64, s31;
	[sflag:s24] =	ssyncadd.s32 $0xFFFFFFB0  }
0x71: {  	[tilespmem:s20], [sflag:$0x1] =	stream.linear.gather [hbm4b:s3+s29], $0x50, $0x38;
	[tilespmem:$0xD188] =	vst v63  }
0x72: {  	_ =	swait.ge [sflag:s24], $0x50  }
0x73: {  	[sflag:s24] =	ssyncset.done $0x0  }
0x74: {  	s21 =	simm.s32 $0x1310;
	s3 =	sadd.s32 $0x6E, s31;
	[sflag:s24] =	ssyncadd.s32 $0xFFFFFFB0  }
0x75: {  	[tilespmem:s21], [sflag:$0x1] =	stream.linear.gather [hbm4b:s3+s29], $0x50, $0x38;
	[tilespmem:$0xD188] =	vst v63  }
0x76: {  	_ =	swait.ge [sflag:s24], $0x50  }
0x77: {  	[sflag:s24] =	ssyncset.done $0x0  }
0x78: {  	s21 =	simm.s32 $0x1360;
	s3 =	sadd.s32 $0x78, s31;
	[sflag:s24] =	ssyncadd.s32 $0xFFFFFFB0  }
0x79: {  	[tilespmem:s21], [sflag:$0x1] =	stream.linear.gather [hbm4b:s3+s29], $0x50, $0x38;
	[tilespmem:$0xD188] =	vst v63  }
0x7a: {  	_ =	swait.ge [sflag:s24], $0x50  }
0x7b: {  	[sflag:s24] =	ssyncset.done $0x0  }
0x7c: {  	s3 =	sadd.s32 $0x82, s31;
	[sflag:s24] =	ssyncadd.s32 $0xFFFFFFB0  }
0x7d: {  	[tilespmem:s22], [sflag:$0x1] =	stream.linear.gather [hbm4b:s3+s29], $0x50, $0x38;
	[tilespmem:$0xD188] =	vst v63  }
0x7e: {  	_ =	swait.ge [sflag:s24], $0x50  }
0x7f: {  	[sflag:s24] =	ssyncset.done $0x0  }
0x80: {  	s3 =	sadd.s32 $0x8C, s31;
	[sflag:s24] =	ssyncadd.s32 $0xFFFFFFB0  }
0x81: {  	[tilespmem:s13], [sflag:$0x1] =	stream.linear.gather [hbm4b:s3+s29], $0x50, $0x38;
	[tilespmem:$0xD188] =	vst v63  }
0x82: {  	_ =	swait.ge [sflag:s24], $0x50  }
0x83: {  	[sflag:s24] =	ssyncset.done $0x0  }
0x84: {  	s3 =	sadd.s32 $0x96, s31;
	[sflag:s24] =	ssyncadd.s32 $0xFFFFFFB0  }
0x85: {  	[tilespmem:s17], [sflag:$0x1] =	stream.linear.gather [hbm4b:s3+s29], $0x50, $0x38;
	[tilespmem:$0xD188] =	vst v63  }
0x86: {  	_ =	swait.ge [sflag:s24], $0x50  }
0x87: {  	[sflag:s24] =	ssyncset.done $0x0  }
0x88: {  	s3 =	sadd.s32 $0xA0, s31;
	[sflag:s24] =	ssyncadd.s32 $0xFFFFFFB0  }
0x89: {  	[tilespmem:s18], [sflag:$0x1] =	stream.linear.gather [hbm4b:s3+s29], $0x50, $0x38;
	[tilespmem:$0xD188] =	vst v63  }
0x8a: {  	_ =	swait.ge [sflag:s24], $0x50  }
0x8b: {  	[sflag:s24] =	ssyncset.done $0x0  }
0x8c: {  	s3 =	sadd.s32 $0xAA, s31;
	[sflag:s24] =	ssyncadd.s32 $0xFFFFFFB0  }
0x8d: {  	[tilespmem:s23], [sflag:$0x1] =	stream.linear.gather [hbm4b:s3+s29], $0x50, $0x38;
	[tilespmem:$0xD188] =	vst v63  }
0x8e: {  	_ =	swait.ge [sflag:s24], $0x50  }
0x8f: {  	[sflag:s24] =	ssyncset.done $0x0  }
0x90: {  	s3 =	sadd.s32 $0xB4, s31;
	[sflag:s24] =	ssyncadd.s32 $0xFFFFFFB0  }
0x91: {  	[tilespmem:s0], [sflag:$0x1] =	stream.linear.gather [hbm4b:s3+s29], $0x50, $0x38;
	[tilespmem:$0xD188] =	vst v63  }
0x92: {  	_ =	swait.ge [sflag:s24], $0x50  }
0x93: {  	[sflag:s24] =	ssyncset.done $0x0  }
0x94: {  	s3 =	sadd.s32 $0xBE, s31;
	[sflag:s24] =	ssyncadd.s32 $0xFFFFFFB0  }
0x95: {  	[tilespmem:s1], [sflag:$0x1] =	stream.linear.gather [hbm4b:s3+s29], $0x50, $0x38;
	[tilespmem:$0xD188] =	vst v63  }
0x96: {  	_ =	swait.ge [sflag:s24], $0x50  }
0x97: {  	[sflag:s24] =	ssyncset.done $0x0  }
0x98: {  	s3 =	sadd.s32 $0xC8, s31;
	[sflag:s24] =	ssyncadd.s32 $0xFFFFFFB0  }
0x99: {  	[tilespmem:s2], [sflag:$0x1] =	stream.linear.gather [hbm4b:s3+s29], $0x50, $0x38;
	[tilespmem:$0xD188] =	vst v63  }
0x9a: {  	_ =	swait.ge [sflag:s24], $0x50  }
0x9b: {  	[sflag:s24] =	ssyncset.done $0x0  }
0x9c: {  	s3 =	sadd.s32 $0xD2, s31;
	[sflag:s24] =	ssyncadd.s32 $0xFFFFFFB0  }
0x9d: {  	[tilespmem:s9], [sflag:$0x1] =	stream.linear.gather [hbm4b:s3+s29], $0x50, $0x38;
	[tilespmem:$0xD188] =	vst v63  }
0x9e: {  	_ =	swait.ge [sflag:s24], $0x50  }
0x9f: {  	[sflag:s24] =	ssyncset.done $0x0  }
0xa0: {  	s3 =	sadd.s32 $0xDC, s31;
	[sflag:s24] =	ssyncadd.s32 $0xFFFFFFB0  }
0xa1: {  	[tilespmem:s4], [sflag:$0x1] =	stream.linear.gather [hbm4b:s3+s29], $0x50, $0x38;
	[tilespmem:$0xD188] =	vst v63  }
0xa2: {  	_ =	swait.ge [sflag:s24], $0x50  }
0xa3: {  	[sflag:s24] =	ssyncset.done $0x0  }
0xa4: {  	s3 =	sadd.s32 $0xE6, s31;
	[sflag:s24] =	ssyncadd.s32 $0xFFFFFFB0  }
0xa5: {  	[tilespmem:s5], [sflag:$0x1] =	stream.linear.gather [hbm4b:s3+s29], $0x50, $0x38;
	[tilespmem:$0xD188] =	vst v63  }
0xa6: {  	_ =	swait.ge [sflag:s24], $0x50  }
0xa7: {  	[sflag:s24] =	ssyncset.done $0x0  }
0xa8: {  	s3 =	sadd.s32 $0xF0, s31;
	[sflag:s24] =	ssyncadd.s32 $0xFFFFFFB0  }
0xa9: {  	[tilespmem:s10], [sflag:$0x1] =	stream.linear.gather [hbm4b:s3+s29], $0x50, $0x38;
	[tilespmem:$0xD188] =	vst v63  }
0xaa: {  	_ =	swait.ge [sflag:s24], $0x50  }
0xab: {  	[sflag:s24] =	ssyncset.done $0x0;
	s3 =	rddreg [dreg:$0xa]  }
0xac: {  	[sflag:s24] =	ssyncadd.s32 $0xFFFFFFB0;
	s6 =	sadd.s32 s3, s30;
	s3 =	simm.s32 $0x1770  }
0xad: {  	[tilespmem:s3], [sflag:$0x1] =	stream.linear.gather [hbm4b:s6+s29], $0x7D0, $0x38;
	[tilespmem:$0xD188] =	vst v63  }
0xae: {  	_ =	swait.ge [sflag:s24], $0x7D0  }
0xaf: {  	[sflag:s24] =	ssyncset.done $0x0  }
0xb0: {  	[sflag:s24] =	ssyncadd.s32 $0xFFFFF830  }
0xb1: {  	s3 =	rddreg [dreg:$0x4]  }
0xb2: {  	s6 =	sadd.s32 s3, s30;
	s3 =	simm.s32 $0x1F40  }
0xb3: {  	[tilespmem:s3], [sflag:$0x1] =	stream.linear.gather [hbm4b:s6+s29], $0x7D0, $0x38;
	[tilespmem:$0xD188] =	vst v63  }
0xb4: {  	_ =	swait.ge [sflag:s24], $0x7D0  }
0xb5: {  	[sflag:s24] =	ssyncset.done $0x0  }
0xb6: {  	[sflag:s24] =	ssyncadd.s32 $0xFFFFF830  }
0xb7: {  	s3 =	simm.s32 $0x2710;
	s6 =	rddreg [dreg:$0x5]  }
0xb8: {  	[tilespmem:s3], [sflag:$0x1] =	stream.indirect.gather [spmem:s6], $0x1, s29, s25, $0xb8;
	[tilespmem:$0xD188] =	vst v63  }
0xb9: {  	_ =	swait.ge [sflag:s24], $0x7D0  }
0xba: {  	[sflag:s24] =	ssyncset.done $0x0  }
0xbb: {  	[sflag:s24] =	ssyncadd.s32 $0xFFFFF830  }
0xbc: {  	s3 =	simm.s32 $0x2EE0;
	s30 =	rddreg [dreg:$0x6]  }
0xbd: {  	[tilespmem:s3], [sflag:$0x1] =	stream.indirect.gather [spmem:s30], $0x1, s29, s25, $0xb8;
	[tilespmem:$0xD188] =	vst v63  }
0xbe: {  	_ =	swait.ge [sflag:s24], $0x7D0  }
0xbf: {  	[sflag:s24] =	ssyncset.done $0x0  }
0xc0: {  	s3 =	simm.s32 $0x36B0;
	[sflag:s24] =	ssyncadd.s32 $0xFFFFF830  }
0xc1: {  	[tilespmem:s3], [sflag:$0x1] =	stream.indirect.gather [spmem:s6], $0x1, s25, s25, $0xb8;
	[tilespmem:$0xD188] =	vst v63  }
0xc2: {  	_ =	swait.ge [sflag:s24], $0x7D0  }
0xc3: {  	[sflag:s24] =	ssyncset.done $0x0  }
0xc4: {  	s6 =	simm.s32 $0x3E80;
	[sflag:s24] =	ssyncadd.s32 $0xFFFFF830  }
0xc5: {  	[tilespmem:s6], [sflag:$0x1] =	stream.indirect.gather [spmem:s30], $0x1, s25, s25, $0xb8;
	[tilespmem:$0xD188] =	vst v63  }
0xc6: {  	_ =	swait.ge [sflag:s24], $0x7D0  }
0xc7: {  	[sflag:s24] =	ssyncset.done $0x0  }
0xc8: {  	s3 =	simm.s32 $0x0;
	[sflag:s24] =	ssyncadd.s32 $0xFFFFF830  }
0xc9: {  	v1 =	vld [tilespmem:s3+$0x2EE0]  }
0xca: {  	v2 =	vld [tilespmem:s3+$0x3E80]  }
0xcb: {  	v3 =	vld [tilespmem:s3+$0x2710]  }
0xcc: {  	v4 =	vld [tilespmem:s3+$0x36B0];
	_ =	sdelay $0x4  }
0xcd: {  	v3 =	vsub.f32 v4, v3;
	v1 =	vsub.f32 v2, v1;
	_ =	sdelay $0x1  }
0xce: {  	v2 =	vmul.f32 v3, v3;
	v4 =	vmul.f32 v1, v1;
	_ =	sdelay $0x1  }
0xcf: {  	v2 =	vadd.f32 v4, v2;
	_ =	sdelay $0x1  }
0xd0: {  	v4 =	vshra.s32 v2, $0x1;
	v2 =	vmul.f32 $5.000000000e-01, v2  }
0xd1: {  	v4 =	vsub.s32 $0x5F3759DF, v4  }
0xd2: {  	v5 =	vmul.f32 v4, v2;
	_ =	sdelay $0x1  }
0xd3: {  	v5 =	vmul.f32 v4, v5;
	_ =	sdelay $0x1  }
0xd4: {  	v5 =	vsub.f32 $1.500000000e+00, v5;
	_ =	sdelay $0x1  }
0xd5: {  	v4 =	vmul.f32 v4, v5;
	_ =	sdelay $0x1  }
0xd6: {  	v5 =	vmul.f32 v4, v2;
	_ =	sdelay $0x1  }
0xd7: {  	v5 =	vmul.f32 v5, v4;
	_ =	sdelay $0x1  }
0xd8: {  	v5 =	vsub.f32 $1.500000000e+00, v5;
	_ =	sdelay $0x1  }
0xd9: {  	v4 =	vmul.f32 v5, v4;
	_ =	sdelay $0x1  }
0xda: {  	v2 =	vmul.f32 v4, v2;
	_ =	sdelay $0x1  }
0xdb: {  	v2 =	vmul.f32 v2, v4  }
0xdc: {  	v5 =	vld [tilespmem:s3+$0x1F40]  }
0xdd: {  	v2 =	vsub.f32 $1.500000000e+00, v2;
	_ =	sdelay $0x1  }
0xde: {  	v2 =	vmul.f32 v2, v4  }
0xdf: {  	v4 =	vld [tilespmem:s3+$0x1770]  }
0xe0: {  	v2 =	vmul.f32 v2, v5;
	_ =	sdelay $0x1  }
0xe1: {  	v2 =	vadd.f32 $-1.000000000e+00, v2  }
0xe2: {  	v5 =	vmov s29  }
0xe3: {  	v5 =	vshll.u32 v5, $0x3;
	v2 =	vmul.f32 v2, v4  }
0xe4: {  	v4 =	vor.u32 v0, v5  }
0xe5: {  	v5 =	vor.u32 $0x1, v4;
	v3 =	vmul.f32 v2, v3  }
0xe6: {  	v1 =	vmul.f32 v2, v1  }
0xe7: {  	[tilespmem:s3+$0x4650] =	vst v3  }
0xe8: {  	[tilespmem:s3+$0x4E20] =	vst v1  }
0xe9: {  	[tilespmem:v4+s11+$0x0] =	vst.idx.msk $0xffff, v3  }
0xea: {  	s30 =	simm.s32 $0x10;
	[tilespmem:v5+s11+$0x0] =	vst.idx.msk $0xffff, v1  }
0xeb: {  	v1 =	vld [tilespmem:s30+$0x2EE0]  }
0xec: {  	v2 =	vld [tilespmem:s30+$0x3E80]  }
0xed: {  	v3 =	vld [tilespmem:s30+$0x2710]  }
0xee: {  	v4 =	vld [tilespmem:s30+$0x36B0];
	_ =	sdelay $0x1  }
0xef: {  	s31 =	simm.s32 $0x80  }
.LBB2_3:
0xf0: {  	p0 =	sne.s32 s31, $0x1F00;
	_ =	sdelay $0x1  }
0xf1: {  	v1 =	vsub.f32 v2, v1;
	v3 =	vsub.f32 v4, v3;
	_ =	sdelay $0x1  }
0xf2: {  	v4 =	vmul.f32 v1, v1;
	v2 =	vmul.f32 v3, v3;
	_ =	sdelay $0x1  }
0xf3: {  	v2 =	vadd.f32 v4, v2;
	_ =	sdelay $0x1  }
0xf4: {  	v4 =	vshra.s32 v2, $0x1;
	v2 =	vmul.f32 $5.000000000e-01, v2  }
0xf5: {  	v4 =	vsub.s32 $0x5F3759DF, v4  }
0xf6: {  	v5 =	vmul.f32 v4, v2;
	_ =	sdelay $0x1  }
0xf7: {  	v5 =	vmul.f32 v4, v5;
	_ =	sdelay $0x1  }
0xf8: {  	v5 =	vsub.f32 $1.500000000e+00, v5;
	_ =	sdelay $0x1  }
0xf9: {  	v4 =	vmul.f32 v4, v5;
	_ =	sdelay $0x1  }
0xfa: {  	v5 =	vmul.f32 v4, v2;
	_ =	sdelay $0x1  }
0xfb: {  	v5 =	vmul.f32 v5, v4;
	_ =	sdelay $0x1  }
0xfc: {  	v5 =	vsub.f32 $1.500000000e+00, v5;
	_ =	sdelay $0x1  }
0xfd: {  	v4 =	vmul.f32 v5, v4;
	_ =	sdelay $0x1  }
0xfe: {  	v2 =	vmul.f32 v4, v2;
	_ =	sdelay $0x1  }
0xff: {  	v2 =	vmul.f32 v2, v4  }
0x100: {  	v5 =	vld [tilespmem:s30+$0x1F40]  }
0x101: {  	v2 =	vsub.f32 $1.500000000e+00, v2;
	_ =	sdelay $0x1  }
0x102: {  	v2 =	vmul.f32 v2, v4  }
0x103: {  	v4 =	vld [tilespmem:s30+$0x1770]  }
0x104: {  	v2 =	vmul.f32 v2, v5;
	_ =	sdelay $0x1  }
0x105: {  	s29 =	sadd.s32 $0x10, s29;
	v2 =	vadd.f32 $-1.000000000e+00, v2  }
0x106: {  	v5 =	vmov s29  }
0x107: {  	v5 =	vshll.u32 v5, $0x3;
	v2 =	vmul.f32 v2, v4  }
0x108: {  	v4 =	vor.u32 v0, v5  }
0x109: {  	v5 =	vor.u32 $0x1, v4;
	v3 =	vmul.f32 v2, v3  }
0x10a: {  	v1 =	vmul.f32 v2, v1  }
0x10b: {  	[tilespmem:s30+$0x4650] =	vst v3  }
0x10c: {  	[tilespmem:s30+$0x4E20] =	vst v1  }
0x10d: {  	[tilespmem:v4+s11+$0x0] =	vst.idx.msk $0xffff, v3  }
0x10e: {  	s30 =	sshra.s32 s31, $0x2;
	[tilespmem:v5+s11+$0x0] =	vst.idx.msk $0xffff, v1  }
0x10f: {  	v1 =	vld [tilespmem:s30+$0x2EE0]  }
.Ltmp0:
0x110: {  	v2 =	vld [tilespmem:s30+$0x3E80];
	(pc) =	sbr.rel @p0 .LBB2_3-.Ltmp0, $3  }
0x111: {  	v3 =	vld [tilespmem:s30+$0x2710]  }
0x112: {  	v4 =	vld [tilespmem:s30+$0x36B0];
	_ =	sdelay $0x1  }
0x113: {  	s31 =	sadd.s32 $0x40, s31  }
0x114: {  	_ =	sdelay $0x1  }
0x115: {  	v1 =	vsub.f32 v2, v1;
	v3 =	vsub.f32 v4, v3;
	_ =	sdelay $0x1  }
0x116: {  	v59 =	vmul.f32 v1, v1;
	v2 =	vmul.f32 v3, v3;
	_ =	sdelay $0x1  }
0x117: {  	v2 =	vadd.f32 v59, v2;
	_ =	sdelay $0x1  }
0x118: {  	v4 =	vshra.s32 v2, $0x1;
	v2 =	vmul.f32 $5.000000000e-01, v2  }
0x119: {  	v4 =	vsub.s32 $0x5F3759DF, v4  }
0x11a: {  	v5 =	vmul.f32 v4, v2;
	_ =	sdelay $0x1  }
0x11b: {  	v5 =	vmul.f32 v4, v5;
	_ =	sdelay $0x1  }
0x11c: {  	v5 =	vsub.f32 $1.500000000e+00, v5;
	_ =	sdelay $0x1  }
0x11d: {  	v4 =	vmul.f32 v4, v5;
	_ =	sdelay $0x1  }
0x11e: {  	v5 =	vmul.f32 v4, v2;
	_ =	sdelay $0x1  }
0x11f: {  	v5 =	vmul.f32 v5, v4;
	_ =	sdelay $0x1  }
0x120: {  	v5 =	vsub.f32 $1.500000000e+00, v5;
	_ =	sdelay $0x1  }
0x121: {  	v4 =	vmul.f32 v5, v4;
	_ =	sdelay $0x1  }
0x122: {  	v2 =	vmul.f32 v4, v2;
	_ =	sdelay $0x1  }
0x123: {  	v2 =	vmul.f32 v2, v4  }
0x124: {  	v60 =	vld [tilespmem:s30+$0x1F40]  }
0x125: {  	v2 =	vsub.f32 $1.500000000e+00, v2;
	_ =	sdelay $0x1  }
0x126: {  	v2 =	vmul.f32 v2, v4  }
0x127: {  	v61 =	vld [tilespmem:s30+$0x1770]  }
0x128: {  	v2 =	vmul.f32 v2, v60;
	_ =	sdelay $0x1  }
0x129: {  	s6 =	sadd.s32 $0x10, s29;
	v2 =	vadd.f32 $-1.000000000e+00, v2  }
0x12a: {  	v62 =	vmov s6  }
0x12b: {  	v5 =	vshll.u32 v62, $0x3;
	v2 =	vmul.f32 v2, v61  }
0x12c: {  	v63 =	vor.u32 v0, v5  }
0x12d: {  	v5 =	vor.u32 $0x1, v63;
	v3 =	vmul.f32 v2, v3  }
0x12e: {  	v1 =	vmul.f32 v2, v1  }
0x12f: {  	[tilespmem:s30+$0x4650] =	vst v3  }
0x130: {  	[tilespmem:s30+$0x4E20] =	vst v1  }
0x131: {  	s3 =	rddreg [dreg:$0xb];
	[tilespmem:v63+s11+$0x0] =	vst.idx.msk $0xffff, v3  }
0x132: {  	s6 =	sadd.s32 s3, s28;
	s28 =	simm.s32 $0x0;
	[tilespmem:v5+s11+$0x0] =	vst.idx.msk $0xffff, v1  }
0x133: {  	[hbm4b:s6+s28] =	stream.linear.scatter [tilespmem:s11], [sflag:$0x1], $0x3E80, $0x38;
	[tilespmem:$0xD188] =	vst v63  }
0x134: {  	_ =	swait.ge [sflag:s24], $0x3E80  }
0x135: {  	[sflag:s24] =	ssyncset.done $0x0  }
0x136: {  	s29 =	simm.s32 $0x4650;
	s3 =	simm.s32 $0xFA0;
	[sflag:s24] =	ssyncadd.s32 $0xFFFFC180  }
0x137: {  	[spmem:s7] =	stream.indirect.scatter.add.f32 [tilespmem:s29], [sflag:$0x1], $0x1, s3, s19, $0xb8;
	[tilespmem:$0xD188] =	vst v63  }
0x138: {  	_ =	swait.ge [sflag:s24], $0x50  }
0x139: {  	[sflag:s24] =	ssyncset.done $0x0  }
0x13a: {  	s30 =	simm.s32 $0x4E20;
	[sflag:s24] =	ssyncadd.s32 $0xFFFFFFB0  }
0x13b: {  	[spmem:s8] =	stream.indirect.scatter.add.f32 [tilespmem:s30], [sflag:$0x1], $0x1, s3, s19, $0xb8;
	[tilespmem:$0xD188] =	vst v63  }
0x13c: {  	_ =	swait.ge [sflag:s24], $0x50  }
0x13d: {  	[sflag:s24] =	ssyncset.done $0x0  }
0x13e: {  	s31 =	simm.s32 $0xFF0;
	s29 =	simm.s32 $0x46A0;
	[sflag:s24] =	ssyncadd.s32 $0xFFFFFFB0  }
0x13f: {  	[spmem:s7] =	stream.indirect.scatter.add.f32 [tilespmem:s29], [sflag:$0x1], $0x1, s31, s19, $0xb8;
	[tilespmem:$0xD188] =	vst v63  }
0x140: {  	_ =	swait.ge [sflag:s24], $0x50  }
0x141: {  	[sflag:s24] =	ssyncset.done $0x0  }
0x142: {  	s30 =	simm.s32 $0x4E70;
	[sflag:s24] =	ssyncadd.s32 $0xFFFFFFB0  }
0x143: {  	[spmem:s8] =	stream.indirect.scatter.add.f32 [tilespmem:s30], [sflag:$0x1], $0x1, s31, s19, $0xb8;
	[tilespmem:$0xD188] =	vst v63  }
0x144: {  	_ =	swait.ge [sflag:s24], $0x50  }
0x145: {  	[sflag:s24] =	ssyncset.done $0x0  }
0x146: {  	s31 =	simm.s32 $0x46F0;
	[sflag:s24] =	ssyncadd.s32 $0xFFFFFFB0  }
0x147: {  	[spmem:s7] =	stream.indirect.scatter.add.f32 [tilespmem:s31], [sflag:$0x1], $0x1, s12, s19, $0xb8;
	[tilespmem:$0xD188] =	vst v63  }
0x148: {  	_ =	swait.ge [sflag:s24], $0x50  }
0x149: {  	[sflag:s24] =	ssyncset.done $0x0  }
0x14a: {  	s6 =	simm.s32 $0x4EC0;
	[sflag:s24] =	ssyncadd.s32 $0xFFFFFFB0  }
0x14b: {  	[spmem:s8] =	stream.indirect.scatter.add.f32 [tilespmem:s6], [sflag:$0x1], $0x1, s12, s19, $0xb8;
	[tilespmem:$0xD188] =	vst v63  }
0x14c: {  	_ =	swait.ge [sflag:s24], $0x50  }
0x14d: {  	[sflag:s24] =	ssyncset.done $0x0  }
0x14e: {  	s29 =	simm.s32 $0x1090;
	s30 =	simm.s32 $0x4740;
	[sflag:s24] =	ssyncadd.s32 $0xFFFFFFB0  }
0x14f: {  	[spmem:s7] =	stream.indirect.scatter.add.f32 [tilespmem:s30], [sflag:$0x1], $0x1, s29, s19, $0xb8;
	[tilespmem:$0xD188] =	vst v63  }
0x150: {  	_ =	swait.ge [sflag:s24], $0x50  }
0x151: {  	[sflag:s24] =	ssyncset.done $0x0  }
0x152: {  	s31 =	simm.s32 $0x4F10;
	[sflag:s24] =	ssyncadd.s32 $0xFFFFFFB0  }
0x153: {  	[spmem:s8] =	stream.indirect.scatter.add.f32 [tilespmem:s31], [sflag:$0x1], $0x1, s29, s19, $0xb8;
	[tilespmem:$0xD188] =	vst v63  }
0x154: {  	_ =	swait.ge [sflag:s24], $0x50  }
0x155: {  	[sflag:s24] =	ssyncset.done $0x0  }
0x156: {  	s12 =	simm.s32 $0x4790;
	[sflag:s24] =	ssyncadd.s32 $0xFFFFFFB0  }
0x157: {  	[spmem:s7] =	stream.indirect.scatter.add.f32 [tilespmem:s12], [sflag:$0x1], $0x1, s14, s19, $0xb8;
	[tilespmem:$0xD188] =	vst v63  }
0x158: {  	_ =	swait.ge [sflag:s24], $0x50  }
0x159: {  	[sflag:s24] =	ssyncset.done $0x0  }
0x15a: {  	s29 =	simm.s32 $0x4F60;
	[sflag:s24] =	ssyncadd.s32 $0xFFFFFFB0  }
0x15b: {  	[spmem:s8] =	stream.indirect.scatter.add.f32 [tilespmem:s29], [sflag:$0x1], $0x1, s14, s19, $0xb8;
	[tilespmem:$0xD188] =	vst v63  }
0x15c: {  	_ =	swait.ge [sflag:s24], $0x50  }
0x15d: {  	[sflag:s24] =	ssyncset.done $0x0  }
0x15e: {  	s30 =	simm.s32 $0x1130;
	s31 =	simm.s32 $0x47E0;
	[sflag:s24] =	ssyncadd.s32 $0xFFFFFFB0  }
0x15f: {  	[spmem:s7] =	stream.indirect.scatter.add.f32 [tilespmem:s31], [sflag:$0x1], $0x1, s30, s19, $0xb8;
	[tilespmem:$0xD188] =	vst v63  }
0x160: {  	_ =	swait.ge [sflag:s24], $0x50  }
0x161: {  	[sflag:s24] =	ssyncset.done $0x0  }
0x162: {  	s12 =	simm.s32 $0x4FB0;
	[sflag:s24] =	ssyncadd.s32 $0xFFFFFFB0  }
0x163: {  	[spmem:s8] =	stream.indirect.scatter.add.f32 [tilespmem:s12], [sflag:$0x1], $0x1, s30, s19, $0xb8;
	[tilespmem:$0xD188] =	vst v63  }
0x164: {  	_ =	swait.ge [sflag:s24], $0x50  }
0x165: {  	[sflag:s24] =	ssyncset.done $0x0  }
0x166: {  	s14 =	simm.s32 $0x4830;
	[sflag:s24] =	ssyncadd.s32 $0xFFFFFFB0  }
0x167: {  	[spmem:s7] =	stream.indirect.scatter.add.f32 [tilespmem:s14], [sflag:$0x1], $0x1, s15, s19, $0xb8;
	[tilespmem:$0xD188] =	vst v63  }
0x168: {  	_ =	swait.ge [sflag:s24], $0x50  }
0x169: {  	[sflag:s24] =	ssyncset.done $0x0  }
0x16a: {  	s29 =	simm.s32 $0x5000;
	[sflag:s24] =	ssyncadd.s32 $0xFFFFFFB0  }
0x16b: {  	[spmem:s8] =	stream.indirect.scatter.add.f32 [tilespmem:s29], [sflag:$0x1], $0x1, s15, s19, $0xb8;
	[tilespmem:$0xD188] =	vst v63  }
0x16c: {  	_ =	swait.ge [sflag:s24], $0x50  }
0x16d: {  	[sflag:s24] =	ssyncset.done $0x0  }
0x16e: {  	s31 =	simm.s32 $0x4880;
	s30 =	simm.s32 $0x11D0;
	[sflag:s24] =	ssyncadd.s32 $0xFFFFFFB0  }
0x16f: {  	[spmem:s7] =	stream.indirect.scatter.add.f32 [tilespmem:s31], [sflag:$0x1], $0x1, s30, s19, $0xb8;
	[tilespmem:$0xD188] =	vst v63  }
0x170: {  	_ =	swait.ge [sflag:s24], $0x50  }
0x171: {  	[sflag:s24] =	ssyncset.done $0x0  }
0x172: {  	s12 =	simm.s32 $0x5050;
	[sflag:s24] =	ssyncadd.s32 $0xFFFFFFB0  }
0x173: {  	[spmem:s8] =	stream.indirect.scatter.add.f32 [tilespmem:s12], [sflag:$0x1], $0x1, s30, s19, $0xb8;
	[tilespmem:$0xD188] =	vst v63  }
0x174: {  	_ =	swait.ge [sflag:s24], $0x50  }
0x175: {  	[sflag:s24] =	ssyncset.done $0x0  }
0x176: {  	s14 =	simm.s32 $0x48D0;
	[sflag:s24] =	ssyncadd.s32 $0xFFFFFFB0  }
0x177: {  	[spmem:s7] =	stream.indirect.scatter.add.f32 [tilespmem:s14], [sflag:$0x1], $0x1, s16, s19, $0xb8;
	[tilespmem:$0xD188] =	vst v63  }
0x178: {  	_ =	swait.ge [sflag:s24], $0x50  }
0x179: {  	[sflag:s24] =	ssyncset.done $0x0  }
0x17a: {  	s15 =	simm.s32 $0x50A0;
	[sflag:s24] =	ssyncadd.s32 $0xFFFFFFB0  }
0x17b: {  	[spmem:s8] =	stream.indirect.scatter.add.f32 [tilespmem:s15], [sflag:$0x1], $0x1, s16, s19, $0xb8;
	[tilespmem:$0xD188] =	vst v63  }
0x17c: {  	_ =	swait.ge [sflag:s24], $0x50  }
0x17d: {  	[sflag:s24] =	ssyncset.done $0x0  }
0x17e: {  	s29 =	simm.s32 $0x4920;
	s16 =	simm.s32 $0x1270;
	[sflag:s24] =	ssyncadd.s32 $0xFFFFFFB0  }
0x17f: {  	[spmem:s7] =	stream.indirect.scatter.add.f32 [tilespmem:s29], [sflag:$0x1], $0x1, s16, s19, $0xb8;
	[tilespmem:$0xD188] =	vst v63  }
0x180: {  	_ =	swait.ge [sflag:s24], $0x50  }
0x181: {  	[sflag:s24] =	ssyncset.done $0x0  }
0x182: {  	s30 =	simm.s32 $0x50F0;
	[sflag:s24] =	ssyncadd.s32 $0xFFFFFFB0  }
0x183: {  	[spmem:s8] =	stream.indirect.scatter.add.f32 [tilespmem:s30], [sflag:$0x1], $0x1, s16, s19, $0xb8;
	[tilespmem:$0xD188] =	vst v63  }
0x184: {  	_ =	swait.ge [sflag:s24], $0x50  }
0x185: {  	[sflag:s24] =	ssyncset.done $0x0  }
0x186: {  	s31 =	simm.s32 $0x4970;
	[sflag:s24] =	ssyncadd.s32 $0xFFFFFFB0  }
0x187: {  	[spmem:s7] =	stream.indirect.scatter.add.f32 [tilespmem:s31], [sflag:$0x1], $0x1, s20, s19, $0xb8;
	[tilespmem:$0xD188] =	vst v63  }
0x188: {  	_ =	swait.ge [sflag:s24], $0x50  }
0x189: {  	[sflag:s24] =	ssyncset.done $0x0  }
0x18a: {  	s6 =	simm.s32 $0x5140;
	[sflag:s24] =	ssyncadd.s32 $0xFFFFFFB0  }
0x18b: {  	[spmem:s8] =	stream.indirect.scatter.add.f32 [tilespmem:s6], [sflag:$0x1], $0x1, s20, s19, $0xb8;
	[tilespmem:$0xD188] =	vst v63  }
0x18c: {  	_ =	swait.ge [sflag:s24], $0x50  }
0x18d: {  	[sflag:s24] =	ssyncset.done $0x0  }
0x18e: {  	s12 =	simm.s32 $0x1310;
	s14 =	simm.s32 $0x49C0;
	[sflag:s24] =	ssyncadd.s32 $0xFFFFFFB0  }
0x18f: {  	[spmem:s7] =	stream.indirect.scatter.add.f32 [tilespmem:s14], [sflag:$0x1], $0x1, s12, s19, $0xb8;
	[tilespmem:$0xD188] =	vst v63  }
0x190: {  	_ =	swait.ge [sflag:s24], $0x50  }
0x191: {  	[sflag:s24] =	ssyncset.done $0x0  }
0x192: {  	s15 =	simm.s32 $0x5190;
	[sflag:s24] =	ssyncadd.s32 $0xFFFFFFB0  }
0x193: {  	[spmem:s8] =	stream.indirect.scatter.add.f32 [tilespmem:s15], [sflag:$0x1], $0x1, s12, s19, $0xb8;
	[tilespmem:$0xD188] =	vst v63  }
0x194: {  	_ =	swait.ge [sflag:s24], $0x50  }
0x195: {  	[sflag:s24] =	ssyncset.done $0x0  }
0x196: {  	s16 =	simm.s32 $0x4A10;
	[sflag:s24] =	ssyncadd.s32 $0xFFFFFFB0  }
0x197: {  	[spmem:s7] =	stream.indirect.scatter.add.f32 [tilespmem:s16], [sflag:$0x1], $0x1, s21, s19, $0xb8;
	[tilespmem:$0xD188] =	vst v63  }
0x198: {  	_ =	swait.ge [sflag:s24], $0x50  }
0x199: {  	[sflag:s24] =	ssyncset.done $0x0  }
0x19a: {  	s20 =	simm.s32 $0x51E0;
	[sflag:s24] =	ssyncadd.s32 $0xFFFFFFB0  }
0x19b: {  	[spmem:s8] =	stream.indirect.scatter.add.f32 [tilespmem:s20], [sflag:$0x1], $0x1, s21, s19, $0xb8;
	[tilespmem:$0xD188] =	vst v63  }
0x19c: {  	_ =	swait.ge [sflag:s24], $0x50  }
0x19d: {  	[sflag:s24] =	ssyncset.done $0x0  }
0x19e: {  	s21 =	simm.s32 $0x4A60;
	[sflag:s24] =	ssyncadd.s32 $0xFFFFFFB0  }
0x19f: {  	[spmem:s7] =	stream.indirect.scatter.add.f32 [tilespmem:s21], [sflag:$0x1], $0x1, s22, s19, $0xb8;
	[tilespmem:$0xD188] =	vst v63  }
0x1a0: {  	_ =	swait.ge [sflag:s24], $0x50  }
0x1a1: {  	[sflag:s24] =	ssyncset.done $0x0  }
0x1a2: {  	s29 =	simm.s32 $0x5230;
	[sflag:s24] =	ssyncadd.s32 $0xFFFFFFB0  }
0x1a3: {  	[spmem:s8] =	stream.indirect.scatter.add.f32 [tilespmem:s29], [sflag:$0x1], $0x1, s22, s19, $0xb8;
	[tilespmem:$0xD188] =	vst v63  }
0x1a4: {  	_ =	swait.ge [sflag:s24], $0x50  }
0x1a5: {  	[sflag:s24] =	ssyncset.done $0x0  }
0x1a6: {  	s30 =	simm.s32 $0x4AB0;
	[sflag:s24] =	ssyncadd.s32 $0xFFFFFFB0  }
0x1a7: {  	[spmem:s7] =	stream.indirect.scatter.add.f32 [tilespmem:s30], [sflag:$0x1], $0x1, s13, s19, $0xb8;
	[tilespmem:$0xD188] =	vst v63  }
0x1a8: {  	_ =	swait.ge [sflag:s24], $0x50  }
0x1a9: {  	[sflag:s24] =	ssyncset.done $0x0  }
0x1aa: {  	s31 =	simm.s32 $0x5280;
	[sflag:s24] =	ssyncadd.s32 $0xFFFFFFB0  }
0x1ab: {  	[spmem:s8] =	stream.indirect.scatter.add.f32 [tilespmem:s31], [sflag:$0x1], $0x1, s13, s19, $0xb8;
	[tilespmem:$0xD188] =	vst v63  }
0x1ac: {  	_ =	swait.ge [sflag:s24], $0x50  }
0x1ad: {  	[sflag:s24] =	ssyncset.done $0x0  }
0x1ae: {  	s6 =	simm.s32 $0x4B00;
	[sflag:s24] =	ssyncadd.s32 $0xFFFFFFB0  }
0x1af: {  	[spmem:s7] =	stream.indirect.scatter.add.f32 [tilespmem:s6], [sflag:$0x1], $0x1, s17, s19, $0xb8;
	[tilespmem:$0xD188] =	vst v63  }
0x1b0: {  	_ =	swait.ge [sflag:s24], $0x50  }
0x1b1: {  	[sflag:s24] =	ssyncset.done $0x0  }
0x1b2: {  	s12 =	simm.s32 $0x52D0;
	[sflag:s24] =	ssyncadd.s32 $0xFFFFFFB0  }
0x1b3: {  	[spmem:s8] =	stream.indirect.scatter.add.f32 [tilespmem:s12], [sflag:$0x1], $0x1, s17, s19, $0xb8;
	[tilespmem:$0xD188] =	vst v63  }
0x1b4: {  	_ =	swait.ge [sflag:s24], $0x50  }
0x1b5: {  	[sflag:s24] =	ssyncset.done $0x0  }
0x1b6: {  	s14 =	simm.s32 $0x4B50;
	[sflag:s24] =	ssyncadd.s32 $0xFFFFFFB0  }
0x1b7: {  	[spmem:s7] =	stream.indirect.scatter.add.f32 [tilespmem:s14], [sflag:$0x1], $0x1, s18, s19, $0xb8;
	[tilespmem:$0xD188] =	vst v63  }
0x1b8: {  	_ =	swait.ge [sflag:s24], $0x50  }
0x1b9: {  	[sflag:s24] =	ssyncset.done $0x0  }
0x1ba: {  	s15 =	simm.s32 $0x5320;
	[sflag:s24] =	ssyncadd.s32 $0xFFFFFFB0  }
0x1bb: {  	[spmem:s8] =	stream.indirect.scatter.add.f32 [tilespmem:s15], [sflag:$0x1], $0x1, s18, s19, $0xb8;
	[tilespmem:$0xD188] =	vst v63  }
0x1bc: {  	_ =	swait.ge [sflag:s24], $0x50  }
0x1bd: {  	[sflag:s24] =	ssyncset.done $0x0  }
0x1be: {  	s16 =	simm.s32 $0x4BA0;
	[sflag:s24] =	ssyncadd.s32 $0xFFFFFFB0  }
0x1bf: {  	[spmem:s7] =	stream.indirect.scatter.add.f32 [tilespmem:s16], [sflag:$0x1], $0x1, s23, s19, $0xb8;
	[tilespmem:$0xD188] =	vst v63  }
0x1c0: {  	_ =	swait.ge [sflag:s24], $0x50  }
0x1c1: {  	[sflag:s24] =	ssyncset.done $0x0  }
0x1c2: {  	s20 =	simm.s32 $0x5370;
	[sflag:s24] =	ssyncadd.s32 $0xFFFFFFB0  }
0x1c3: {  	[spmem:s8] =	stream.indirect.scatter.add.f32 [tilespmem:s20], [sflag:$0x1], $0x1, s23, s19, $0xb8;
	[tilespmem:$0xD188] =	vst v63  }
0x1c4: {  	_ =	swait.ge [sflag:s24], $0x50  }
0x1c5: {  	[sflag:s24] =	ssyncset.done $0x0  }
0x1c6: {  	s21 =	simm.s32 $0x4BF0;
	[sflag:s24] =	ssyncadd.s32 $0xFFFFFFB0  }
0x1c7: {  	[spmem:s7] =	stream.indirect.scatter.add.f32 [tilespmem:s21], [sflag:$0x1], $0x1, s0, s19, $0xb8;
	[tilespmem:$0xD188] =	vst v63  }
0x1c8: {  	_ =	swait.ge [sflag:s24], $0x50  }
0x1c9: {  	[sflag:s24] =	ssyncset.done $0x0  }
0x1ca: {  	s29 =	simm.s32 $0x53C0;
	[sflag:s24] =	ssyncadd.s32 $0xFFFFFFB0  }
0x1cb: {  	[spmem:s8] =	stream.indirect.scatter.add.f32 [tilespmem:s29], [sflag:$0x1], $0x1, s0, s19, $0xb8;
	[tilespmem:$0xD188] =	vst v63  }
0x1cc: {  	_ =	swait.ge [sflag:s24], $0x50  }
0x1cd: {  	[sflag:s24] =	ssyncset.done $0x0  }
0x1ce: {  	s30 =	simm.s32 $0x4C40;
	[sflag:s24] =	ssyncadd.s32 $0xFFFFFFB0  }
0x1cf: {  	[spmem:s7] =	stream.indirect.scatter.add.f32 [tilespmem:s30], [sflag:$0x1], $0x1, s1, s19, $0xb8;
	[tilespmem:$0xD188] =	vst v63  }
0x1d0: {  	_ =	swait.ge [sflag:s24], $0x50  }
0x1d1: {  	[sflag:s24] =	ssyncset.done $0x0  }
0x1d2: {  	s31 =	simm.s32 $0x5410;
	[sflag:s24] =	ssyncadd.s32 $0xFFFFFFB0  }
0x1d3: {  	[spmem:s8] =	stream.indirect.scatter.add.f32 [tilespmem:s31], [sflag:$0x1], $0x1, s1, s19, $0xb8;
	[tilespmem:$0xD188] =	vst v63  }
0x1d4: {  	_ =	swait.ge [sflag:s24], $0x50  }
0x1d5: {  	[sflag:s24] =	ssyncset.done $0x0  }
0x1d6: {  	s6 =	simm.s32 $0x4C90;
	[sflag:s24] =	ssyncadd.s32 $0xFFFFFFB0  }
0x1d7: {  	[spmem:s7] =	stream.indirect.scatter.add.f32 [tilespmem:s6], [sflag:$0x1], $0x1, s2, s19, $0xb8;
	[tilespmem:$0xD188] =	vst v63  }
0x1d8: {  	_ =	swait.ge [sflag:s24], $0x50  }
0x1d9: {  	[sflag:s24] =	ssyncset.done $0x0  }
0x1da: {  	s12 =	simm.s32 $0x5460;
	[sflag:s24] =	ssyncadd.s32 $0xFFFFFFB0  }
0x1db: {  	[spmem:s8] =	stream.indirect.scatter.add.f32 [tilespmem:s12], [sflag:$0x1], $0x1, s2, s19, $0xb8;
	[tilespmem:$0xD188] =	vst v63  }
0x1dc: {  	_ =	swait.ge [sflag:s24], $0x50  }
0x1dd: {  	[sflag:s24] =	ssyncset.done $0x0  }
0x1de: {  	s14 =	simm.s32 $0x4CE0;
	[sflag:s24] =	ssyncadd.s32 $0xFFFFFFB0  }
0x1df: {  	[spmem:s7] =	stream.indirect.scatter.add.f32 [tilespmem:s14], [sflag:$0x1], $0x1, s9, s19, $0xb8;
	[tilespmem:$0xD188] =	vst v63  }
0x1e0: {  	_ =	swait.ge [sflag:s24], $0x50  }
0x1e1: {  	[sflag:s24] =	ssyncset.done $0x0  }
0x1e2: {  	s15 =	simm.s32 $0x54B0;
	[sflag:s24] =	ssyncadd.s32 $0xFFFFFFB0  }
0x1e3: {  	[spmem:s8] =	stream.indirect.scatter.add.f32 [tilespmem:s15], [sflag:$0x1], $0x1, s9, s19, $0xb8;
	[tilespmem:$0xD188] =	vst v63  }
0x1e4: {  	_ =	swait.ge [sflag:s24], $0x50  }
0x1e5: {  	[sflag:s24] =	ssyncset.done $0x0  }
0x1e6: {  	s16 =	simm.s32 $0x4D30;
	[sflag:s24] =	ssyncadd.s32 $0xFFFFFFB0  }
0x1e7: {  	[spmem:s7] =	stream.indirect.scatter.add.f32 [tilespmem:s16], [sflag:$0x1], $0x1, s4, s19, $0xb8;
	[tilespmem:$0xD188] =	vst v63  }
0x1e8: {  	_ =	swait.ge [sflag:s24], $0x50  }
0x1e9: {  	[sflag:s24] =	ssyncset.done $0x0  }
0x1ea: {  	s20 =	simm.s32 $0x5500;
	[sflag:s24] =	ssyncadd.s32 $0xFFFFFFB0  }
0x1eb: {  	[spmem:s8] =	stream.indirect.scatter.add.f32 [tilespmem:s20], [sflag:$0x1], $0x1, s4, s19, $0xb8;
	[tilespmem:$0xD188] =	vst v63  }
0x1ec: {  	_ =	swait.ge [sflag:s24], $0x50  }
0x1ed: {  	[sflag:s24] =	ssyncset.done $0x0  }
0x1ee: {  	s21 =	simm.s32 $0x4D80;
	[sflag:s24] =	ssyncadd.s32 $0xFFFFFFB0  }
0x1ef: {  	[spmem:s7] =	stream.indirect.scatter.add.f32 [tilespmem:s21], [sflag:$0x1], $0x1, s5, s19, $0xb8;
	[tilespmem:$0xD188] =	vst v63  }
0x1f0: {  	_ =	swait.ge [sflag:s24], $0x50  }
0x1f1: {  	[sflag:s24] =	ssyncset.done $0x0  }
0x1f2: {  	s29 =	simm.s32 $0x5550;
	[sflag:s24] =	ssyncadd.s32 $0xFFFFFFB0  }
0x1f3: {  	[spmem:s8] =	stream.indirect.scatter.add.f32 [tilespmem:s29], [sflag:$0x1], $0x1, s5, s19, $0xb8;
	[tilespmem:$0xD188] =	vst v63  }
0x1f4: {  	_ =	swait.ge [sflag:s24], $0x50  }
0x1f5: {  	[sflag:s24] =	ssyncset.done $0x0  }
0x1f6: {  	s30 =	simm.s32 $0x4DD0;
	[sflag:s24] =	ssyncadd.s32 $0xFFFFFFB0  }
0x1f7: {  	[spmem:s7] =	stream.indirect.scatter.add.f32 [tilespmem:s30], [sflag:$0x1], $0x1, s10, s19, $0xb8;
	[tilespmem:$0xD188] =	vst v63  }
0x1f8: {  	s26 =	sadd.s32 $0x1, s26;
	_ =	swait.ge [sflag:s24], $0x50  }
0x1f9: {  	p0 =	sne.s32 s26, $0x19;
	[sflag:s24] =	ssyncset.done $0x0  }
.Ltmp1:
0x1fa: {  	s31 =	simm.s32 $0x55A0;
	[sflag:s24] =	ssyncadd.s32 $0xFFFFFFB0;
	(pc) =	sbr.rel @p0 .LBB2_2-.Ltmp1, $4  }
0x1fb: {  	[spmem:s8] =	stream.indirect.scatter.add.f32 [tilespmem:s31], [sflag:$0x1], $0x1, s10, s19, $0xb8;
	[tilespmem:$0xD188] =	vst v63  }
0x1fc: {  	_ =	swait.ge [sflag:s24], $0x50  }
0x1fd: {  	[sflag:s24] =	ssyncset.done $0x0  }
0x1fe: {  	[sflag:s24] =	ssyncadd.s32 $0xFFFFFFB0  }
0x1ff: {  	[bflag:$0x0] =	sbarrier.arrive $0xFFFF  }
0x200: {  	s30 =	simm.s32 $0x9470;
	s26 =	rddreg [dreg:$0x11]  }
0x201: {  	[tilespmem:s30], [sflag:$0x1] =	stream.linear.gather [spmem:s26], $0xC38, $0x38;
	[tilespmem:$0xD188] =	vst v63  }
0x202: {  	_ =	swait.ge [sflag:s24], $0xC38  }
0x203: {  	[sflag:s24] =	ssyncset.done $0x0  }
0x204: {  	s6 =	rddreg [dreg:$0x14];
	[sflag:s24] =	ssyncadd.s32 $0xFFFFF3C8  }
0x205: {  	[hbm4b:s6+s28] =	stream.linear.scatter [tilespmem:s30], [sflag:$0x1], $0xC38, $0x38;
	[tilespmem:$0xD188] =	vst v63  }
0x206: {  	_ =	swait.ge [sflag:s24], $0xC38  }
0x207: {  	[sflag:s24] =	ssyncset.done $0x0  }
0x208: {  	s29 =	rddreg [dreg:$0x12];
	[sflag:s24] =	ssyncadd.s32 $0xFFFFF3C8  }
0x209: {  	[tilespmem:s30], [sflag:$0x1] =	stream.linear.gather [spmem:s29], $0xC38, $0x38;
	[tilespmem:$0xD188] =	vst v63  }
0x20a: {  	_ =	swait.ge [sflag:s24], $0xC38  }
0x20b: {  	[sflag:s24] =	ssyncset.done $0x0  }
0x20c: {  	s21 =	rddreg [dreg:$0x15];
	[sflag:s24] =	ssyncadd.s32 $0xFFFFF3C8  }
0x20d: {  	[hbm4b:s21+s28] =	stream.linear.scatter [tilespmem:s30], [sflag:$0x1], $0xC38, $0x38;
	[tilespmem:$0xD188] =	vst v63  }
0x20e: {  	_ =	swait.ge [sflag:s24], $0xC38  }
0x20f: {  	s3 =	rddreg [dreg:$0x17]  }
0x210: {  	s31 =	rddreg [dreg:$0x16];
	s3 =	sadd.s32 $0x1, s3  }
0x211: {  	p0 =	sne.s32 s3, s31  }
.Ltmp2:
0x212: {  	_ = 	snop;
	(pc) =	sbr.rel @p0 .LBB2_1-.Ltmp2, $3  }
0x213: {  	_ =	sdelay $0x1  }
0x214: {  	[sflag:s24] =	ssyncset.done $0x0  }
0x215: {  	[sflag:s24] =	ssyncadd.s32 $0xFFFFF3C8  }
0x216: {  	_ =	sfence.sel $0x180000  }
0x217: {  	[bflag:$0x0] =	sbarrier.arrive $0xFFFF  }
0x218: {  	_ =	strace $0x90000047  }
0x219: {  	s0 =	stileid.u32;
	[bflag:$0x2] =	sbarrier.arrive $0xFFFF  }
0x21a: {  	p0 =	sne.s32 s0, $0x0;
	s0 =	rddreg [dreg:$0x9]  }
0x21b: {  	s0 =	sadd.s32 @!p0 $0x100000, s0  }
0x21c: {  	[sflag:s0] =	ssyncadd.tile.s32 @!p0 $0x1;
	_ =	shalt  }
.Lfunc_end2:
_tile_overlayer_lowered:
.L_overlay_start_2:
0x21d: {  	(tag) =	ssettag $0x2  }
0x21e: {  	s0 =	rddreg [dreg:$0x0];
	s2 =	stileid.u32  }
0x21f: {  	s1 =	rddreg [dreg:$0x1];
	p0 =	sne.s32 s2, $0x0  }
0x220: {  	s3 =	rddreg [dreg:$0x2];
	[bflag:$0x3] =	sbarrier.arrive $0xFFFF;
	s2 =	simm.s32 @!p0 $0x1C01  }
0x221: {  	[timem:s3], [sflag:s2] =	dma.local @!p0 [hbm:s0], s1  }
0x222: {  	s0 =	simm.s32 @!p0 $0x1  }
0x223: {  	_ =	swait.ge @!p0 [sflag:s0], s1  }
0x224: {  	s1 =	ssub.s32 @!p0 $0x0, s1;
	[sflag:s0] =	ssyncset.done @!p0 $0x0  }
0x225: {  	[sflag:s0] =	ssyncadd.s32 @!p0 s1  }
0x226: {  	[bflag:$0x3] =	sbarrier.arrive $0xFFFF  }
0x227: {  	_ =	shalt  }

</sc_bundles>
